<compile_context>
chip_gen: v7x
topology: tpu7x:2x2x1
jax: 0.10.2.dev20260603
libtpu: 0.0.44.dev20260713+nightly
codegen_flags: <defaults>
</compile_context>

<pallas_src>
import functools

import jax
import jax.numpy as jnp
from jax import lax
from jax.experimental import pallas as pl
from jax.experimental.pallas import tpu as pltpu
from jax.experimental.pallas import tpu_sc as plsc

GRID = 32
NUM_VOXELS = GRID ** 3

_B, _D, _N = 4, 128, 100000
_NW = 32
_CH = 3136
_CH_LAST = _N - (_NW - 1) * _CH

_NR = 64
_RV = NUM_VOXELS // _NR
_SCH = 8192
_NCH = 13
_SCH_LAST = _N - (_NCH - 1) * _SCH
_RB = 128
_PACK = 1 << 19

_SC_PARAMS = pltpu.CompilerParams(needs_layout_passes=False)


def _make_idx_kernel():
    mesh = plsc.VectorSubcoreMesh(core_axis_name="c", subcore_axis_name="s")

    @functools.partial(
        pl.kernel,
        mesh=mesh,
        compiler_params=_SC_PARAMS,
        out_type=jax.ShapeDtypeStruct((_B * _N,), jnp.int32),
        scratch_types=[
            pltpu.VMEM((_CH * 3,), jnp.float32),
            pltpu.VMEM((_CH,), jnp.int32),
        ],
    )
    def idx_kernel(xyz_hbm, idx_hbm, xyz_v, out_v):
        w = lax.axis_index("s") * 2 + lax.axis_index("c")
        start = w * _CH
        lanes = lax.iota(jnp.int32, 16)
        nsteps = jnp.where(w == _NW - 1, _CH_LAST // 16, _CH // 16)

        for b in range(_B):
            @pl.when(w == _NW - 1)
            def _():
                pltpu.sync_copy(
                    xyz_hbm.at[pl.ds(b * _N * 3 + start * 3, _CH_LAST * 3)],
                    xyz_v.at[pl.ds(0, _CH_LAST * 3)])

            @pl.when(w < _NW - 1)
            def _():
                pltpu.sync_copy(
                    xyz_hbm.at[pl.ds(b * _N * 3 + start * 3, _CH * 3)], xyz_v)

            def step(g, carry):
                pos = (g * 16 + lanes) * 3
                x = plsc.load_gather(xyz_v, [pos])
                y = plsc.load_gather(xyz_v, [pos + 1])
                z = plsc.load_gather(xyz_v, [pos + 2])

                def vox(v):
                    vi = (v * float(GRID)).astype(jnp.int32)
                    return jnp.clip(vi, 0, GRID - 1)

                flat = vox(x) * (GRID * GRID) + vox(y) * GRID + vox(z)
                plsc.store_scatter(out_v, [g * 16 + lanes], flat)
                return carry

            lax.fori_loop(0, nsteps, step, 0)

            @pl.when(w == _NW - 1)
            def _():
                pltpu.sync_copy(out_v.at[pl.ds(0, _CH_LAST)],
                                idx_hbm.at[pl.ds(b * _N + start, _CH_LAST)])

            @pl.when(w < _NW - 1)
            def _():
                pltpu.sync_copy(out_v, idx_hbm.at[pl.ds(b * _N + start, _CH)])

    return idx_kernel


_idx_kernel = _make_idx_kernel()


_TRN = 2048


def _tr_body(f_ref, o_ref):
    o_ref[0] = jnp.swapaxes(f_ref[0], 0, 1)


def _transpose_features(features):
    nblk = (_N + _TRN - 1) // _TRN
    return pl.pallas_call(
        _tr_body,
        out_shape=jax.ShapeDtypeStruct((_B, _N, _D), jnp.float32),
        grid=(_B, nblk),
        in_specs=[pl.BlockSpec((1, _D, _TRN), lambda b, i: (b, 0, i))],
        out_specs=pl.BlockSpec((1, _TRN, _D), lambda b, i: (b, i, 0)),
    )(features)


def _make_scatter_kernel():
    mesh = plsc.VectorSubcoreMesh(core_axis_name="c", subcore_axis_name="s")

    @functools.partial(
        pl.kernel,
        mesh=mesh,
        compiler_params=_SC_PARAMS,
        out_type=(
            jax.ShapeDtypeStruct((_B * NUM_VOXELS * _D,), jnp.float32),
            jax.ShapeDtypeStruct((_B * NUM_VOXELS,), jnp.int32),
        ),
        scratch_types=[
            pltpu.VMEM((_RV * _D,), jnp.float32),
            pltpu.VMEM((2 * _SCH,), jnp.int32),
            pltpu.VMEM((_SCH,), jnp.int32),
            pltpu.VMEM((2 * _RB,), jnp.int32),
            pltpu.VMEM((2 * _RB,), jnp.int32),
            pltpu.VMEM((2, _RB, _D), jnp.float32),
            pltpu.VMEM((_RV,), jnp.int32),
            pltpu.SemaphoreType.DMA,
            pltpu.SemaphoreType.DMA,
        ],
    )
    def scat(ft_hbm, idx_hbm, vf_hbm, cnt_hbm,
             tbl, idxb, selp, gid, goff, rows, cnts, isem, gsem):
        w = lax.axis_index("s") * 2 + lax.axis_index("c")
        lanes = lax.iota(jnp.int32, 16)
        minf = jnp.full((16,), -jnp.inf, jnp.float32)
        zeros_f = jnp.zeros((16,), jnp.float32)
        zeros_i = jnp.zeros((16,), jnp.int32)
        ones_i = jnp.ones((16,), jnp.int32)

        def chunk_copy(b, c, par):
            hoff = b * _N + c * _SCH

            po = pl.multiple_of(par * _SCH, 8)

            @pl.when(c == _NCH - 1)
            def _():
                pltpu.async_copy(idx_hbm.at[pl.ds(hoff, _SCH_LAST)],
                                 idxb.at[pl.ds(po, _SCH_LAST)], isem)

            @pl.when(c < _NCH - 1)
            def _():
                pltpu.async_copy(idx_hbm.at[pl.ds(hoff, _SCH)],
                                 idxb.at[pl.ds(po, _SCH)], isem)

        def chunk_wait(b, c, par):
            hoff = b * _N + c * _SCH

            po = pl.multiple_of(par * _SCH, 8)

            @pl.when(c == _NCH - 1)
            def _():
                pltpu.make_async_copy(idx_hbm.at[pl.ds(hoff, _SCH_LAST)],
                                      idxb.at[pl.ds(po, _SCH_LAST)],
                                      isem).wait()

            @pl.when(c < _NCH - 1)
            def _():
                pltpu.make_async_copy(idx_hbm.at[pl.ds(hoff, _SCH)],
                                      idxb.at[pl.ds(po, _SCH)], isem).wait()

        def process_task(q, r, b, nxt_b, is_last):
            lo = r * _RV

            def ini(i, c):
                for k in range(8):
                    plsc.store_scatter(tbl, [(i * 8 + k) * 16 + lanes], minf)
                return c
            with jax.named_scope("init"):
                lax.fori_loop(0, _RV * _D // 128, ini, 0)

            def inic(i, c):
                plsc.store_scatter(cnts, [i * 16 + lanes], zeros_i)
                return c
            lax.fori_loop(0, _RV // 16, inic, 0)

            def do_chunk(c, carry):
                csz = jnp.where(c == _NCH - 1, _SCH_LAST, _SCH)
                par = c & 1
                parv = lax.broadcast(par, (16,))
                hoff = b * _N + c * _SCH

                with jax.named_scope("idx_dma"):
                    chunk_copy(b, c, par)
                    chunk_wait(b, c, par)

                nv = csz // 16

                def scan_step(g, cntv):
                    for kk in range(4):
                        g4 = g * 4 + kk
                        pos = g4 * 16 + lanes
                        v = plsc.load_gather(idxb, [parv * _SCH + pos])
                        offs = v - lo
                        m = (offs >= 0) & (offs < _RV)
                        m = m & lax.broadcast(g4 < nv, (16,))
                        packed = offs * _PACK + (hoff + pos)
                        ranks = plsc.cumsum(jnp.where(m, 1, 0))
                        plsc.store_scatter(selp, [cntv + ranks - 1], packed,
                                           mask=m)
                        cntv = cntv + plsc.all_reduce_population_count(m)
                    return cntv

                with jax.named_scope("scan"):
                    cntv = lax.fori_loop(0, (_SCH // 16) // 4, scan_step,
                                         jnp.zeros((16,), jnp.int32))
                    cnt = jnp.max(cntv)

                def unpack(s, sp):
                    k0 = s * _RB
                    valid = jnp.minimum(cnt - k0, _RB)
                    spv = lax.broadcast(sp, (16,))

                    def u_step(u, c2):
                        ul = u * 16 + lanes
                        v = plsc.load_gather(selp, [k0 + ul])
                        g_ = jnp.minimum(v & (_PACK - 1), _B * _N - 1)
                        o_ = lax.shift_right_logical(v, 19)
                        plsc.store_scatter(gid, [spv * _RB + ul], g_)
                        plsc.store_scatter(goff, [spv * _RB + ul], o_)
                        plsc.addupdate_scatter(cnts, [o_], ones_i,
                                               mask=ul < valid)
                        return c2
                    lax.fori_loop(0, _RB // 16, u_step, 0)

                def gather_start(sp):
                    so = pl.multiple_of(sp * _RB, 8)
                    pltpu.async_copy(ft_hbm.at[gid.at[pl.ds(so, _RB)]],
                                     rows.at[sp], gsem)

                def gather_wait(sp):
                    so = pl.multiple_of(sp * _RB, 8)
                    pltpu.make_async_copy(ft_hbm.at[gid.at[pl.ds(so, _RB)]],
                                          rows.at[sp], gsem).wait()

                def do_sub(s, carry2):
                    sp = s & 1
                    k0 = s * _RB
                    valid = jnp.minimum(cnt - k0, _RB)
                    gather_wait(sp)

                    @pl.when(s + 1 < nsb)
                    def _():
                        unpack(s + 1, 1 - sp)
                        gather_start(1 - sp)

                    spv = lax.broadcast(sp, (16,))

                    def apply_pt(j, c3):
                        jv = lax.broadcast(j, (16,))
                        base = plsc.load_gather(goff, [spv * _RB + jv]) * 128
                        for k in range(8):
                            kl = k * 16 + lanes
                            cur = plsc.load_gather(tbl, [base + kl])
                            val = plsc.load_gather(rows, [spv, jv, kl])
                            plsc.store_scatter(tbl, [base + kl],
                                               jnp.maximum(cur, val))
                        return c3
                    lax.fori_loop(0, valid, apply_pt, 0)
                    return carry2

                nsb = lax.shift_right_logical(cnt + _RB - 1, 7)

                with jax.named_scope("apply"):
                    @pl.when(nsb > 0)
                    def _():
                        unpack(0, 0)
                        gather_start(0)

                    lax.fori_loop(0, nsb, do_sub, 0)
                return carry

            lax.fori_loop(0, _NCH, do_chunk, 0)

            def escan(e, ce):
                c16 = plsc.load_gather(cnts, [e * 16 + lanes])
                m = c16 == 0
                ranks = plsc.cumsum(jnp.where(m, 1, 0))
                plsc.store_scatter(selp, [ce + ranks - 1], e * 16 + lanes,
                                   mask=m)
                return ce + jnp.max(ranks)
            cnt_e = lax.fori_loop(0, _RV // 16, escan, 0)

            def ezero(j, cz):
                ov = plsc.load_gather(selp, [lax.broadcast(j, (16,))]) * 128
                for k in range(8):
                    plsc.store_scatter(tbl, [ov + k * 16 + lanes], zeros_f)
                return cz
            lax.fori_loop(0, cnt_e, ezero, 0)

            def cclip(e, cc):
                c16 = plsc.load_gather(cnts, [e * 16 + lanes])
                plsc.store_scatter(cnts, [e * 16 + lanes],
                                   jnp.maximum(c16, 1))
                return cc
            lax.fori_loop(0, _RV // 16, cclip, 0)

            pltpu.sync_copy(cnts, cnt_hbm.at[pl.ds(b * NUM_VOXELS + lo, _RV)])
            pltpu.sync_copy(
                tbl, vf_hbm.at[pl.ds((b * NUM_VOXELS + lo) * _D, _RV * _D)])

        def task_body(q, cq):
            r = w + _NW * lax.shift_right_logical(q, 2)
            b = q & 3
            process_task(q, r, b, (q + 1) & 3, q == 2 * _B - 1)
            return cq
        lax.fori_loop(0, 2 * _B, task_body, 0)

    return scat


_scatter_kernel = _make_scatter_kernel()


def kernel(features, xyz_coords_for_voxelization):
    B, D, N = features.shape
    idx = _idx_kernel(xyz_coords_for_voxelization.reshape(-1))
    ft = _transpose_features(features).reshape(B * N, D)
    vf_vm, counts = _scatter_kernel(ft, idx)
    vf = jnp.swapaxes(vf_vm.reshape(B, NUM_VOXELS, D), 1, 2)
    return (vf.reshape(B, D, GRID, GRID, GRID),
            idx.reshape(B, N),
            counts.reshape(B, 1, NUM_VOXELS))

# --- scband reference (transcript-rebuilt; emitter-appended) ---
"""Pipeline reference for scband-voxel-aggregation-29274497090082 (READ-ONLY COPY).

The authoritative reference and input builder live on the scoring server;
editing this copy changes nothing except your own understanding.
"""

import jax, jax.numpy as jnp
import numpy as np

GRID = 32
NUM_VOXELS = GRID ** 3


def setup_inputs(seed: int = 0) -> dict:
    key = jax.random.key(seed)
    k1, k2 = jax.random.split(key)
    features = jax.random.normal(k1, (4, 128, 100000), dtype=jnp.float32)
    xyz = jax.random.uniform(k2, (4, 100000, 3), dtype=jnp.float32)
    return {"features": features, "xyz_coords_for_voxelization": xyz}


def reference(features, xyz_coords_for_voxelization):
    G = GRID
    B, D, N = features.shape
    vi = jnp.floor(xyz_coords_for_voxelization * G).astype(jnp.int32)
    vi = jnp.clip(vi, 0, G - 1)
    voxel_indices_flat = vi[..., 0] * (G * G) + vi[..., 1] * G + vi[..., 2]  # [B, N]

    def single(f, idx):
        # f: [D, N], idx: [N]
        counts = jnp.zeros((NUM_VOXELS,), dtype=jnp.int32).at[idx].add(1)
        vmax = jnp.full((f.shape[0], NUM_VOXELS), -jnp.inf, dtype=f.dtype)
        vmax = vmax.at[:, idx].max(f)
        # include_self=False semantics: empty voxels stay at 0
        vmax = jnp.where(jnp.isneginf(vmax), jnp.zeros_like(vmax), vmax)
        return vmax, counts

    voxel_features, counts_raw = jax.vmap(single)(features, voxel_indices_flat)
    point_counts = jnp.clip(counts_raw, 1, None)[:, None, :]  # [B, 1, NUM_VOXELS]
    voxel_features_3d = voxel_features.reshape(B, D, G, G, G)
    return (voxel_features_3d, voxel_indices_flat, point_counts)

if __name__ == "__main__":
    import jax
    _d = setup_inputs()
    print(jax.jit(kernel)(*tuple(_d.values())))

</pallas_src>

<mosaic_0001>
#map = affine_map<(d0, d1) -> (0, 0)>
#map1 = affine_map<(d0, d1) -> (0)>
module attributes {stable_mosaic.version = 14 : i64} {
  func.func @scat(%arg0: i32, %arg1: i32, %arg2: memref<400000x128xf32, #tpu.memory_space<hbm>>, %arg3: memref<400000xi32, #tpu.memory_space<hbm>>, %arg4: memref<16777216xf32, #tpu.memory_space<hbm>>, %arg5: memref<131072xi32, #tpu.memory_space<hbm>>, %arg6: memref<65536xf32, #tpu.memory_space<vmem>>, %arg7: memref<16384xi32, #tpu.memory_space<vmem>>, %arg8: memref<8192xi32, #tpu.memory_space<vmem>>, %arg9: memref<256xi32, #tpu.memory_space<vmem>>, %arg10: memref<256xi32, #tpu.memory_space<vmem>>, %arg11: memref<2x128x128xf32, #tpu.memory_space<vmem>>, %arg12: memref<512xi32, #tpu.memory_space<vmem>>, %arg13: memref<!tpu.dma_semaphore, #tpu.memory_space<semaphore_mem>>, %arg14: memref<!tpu.dma_semaphore, #tpu.memory_space<semaphore_mem>>) attributes {dimension_semantics = [#tpu.dimension_semantics<core_parallel>, #tpu.dimension_semantics<subcore_parallel>], iteration_bounds = array<i64: 2, 16>, scalar_prefetch = 0 : i64, scratch_operands = 9 : i64, tpu.core_type = #tpu.core_type<sc_vector_subcore>, window_params = [{transform_indices = #map}, {transform_indices = #map1}, {transform_indices = #map1}, {transform_indices = #map1}]} {
    %mul3A = arith.constant 2 : i32
    %mul3A_0 = arith.muli %arg1, %mul3A : i32
    %add3A = arith.addi %mul3A_0, %arg0 : i32
    %iota3A = tpu.iota {dimensions = array<i32: 0>} : vector<16xi32>
    %broadcast_in_dim3A = arith.constant 0xFF800000 : f32
    %broadcast_in_dim3A_1 = vector.broadcast %broadcast_in_dim3A : f32 to vector<16xf32>
    %broadcast_in_dim3A_2 = arith.constant 0.000000e+00 : f32
    %broadcast_in_dim3A_3 = vector.broadcast %broadcast_in_dim3A_2 : f32 to vector<16xf32>
    %broadcast_in_dim3A_4 = arith.constant 0 : i32
    %broadcast_in_dim3A_5 = vector.broadcast %broadcast_in_dim3A_4 : i32 to vector<16xi32>
    %broadcast_in_dim3A_6 = arith.constant 1 : i32
    %broadcast_in_dim3A_7 = vector.broadcast %broadcast_in_dim3A_6 : i32 to vector<16xi32>
    %scan3A = arith.constant 0 : i32
    %scan3A_8 = arith.constant 0 : i32
    %scan3A_9 = arith.constant 8 : i32
    %scan3A_10 = arith.addi %scan3A_8, %scan3A_9 : i32
    %scan3A_11 = arith.constant 1 : i32
    scf.for %scan3A_13 = %scan3A_8 to %scan3A_10 step %scan3A_11  : i32 {
      %shift_right_logical3A = arith.constant 2 : i32
      %shift_right_logical3A_14 = arith.shrui %scan3A_13, %shift_right_logical3A : i32
      %mul3A_15 = arith.constant 32 : i32
      %mul3A_16 = arith.muli %mul3A_15, %shift_right_logical3A_14 : i32
      %add3A_17 = arith.addi %add3A, %mul3A_16 : i32
      %and3A = arith.constant 3 : i32
      %and3A_18 = arith.andi %scan3A_13, %and3A : i32
      %add3A_19 = arith.constant 1 : i32
      %add3A_20 = arith.addi %scan3A_13, %add3A_19 : i32
      %and3A_21 = arith.constant 3 : i32
      %and3A_22 = arith.andi %add3A_20, %and3A_21 : i32
      %eq3A = arith.constant 7 : i32
      %eq3A_23 = arith.cmpi eq, %scan3A_13, %eq3A : i32
      %mul3A_24 = arith.constant 512 : i32
      %mul3A_25 = arith.muli %add3A_17, %mul3A_24 : i32
      "tpu.trace_start"() <{level = 10 : i32, message = "init"}> : () -> ()
      %scan3A_26 = arith.constant 0 : i32
      %scan3A_27 = arith.constant 0 : i32
      %scan3A_28 = arith.constant 512 : i32
      %scan3A_29 = arith.addi %scan3A_27, %scan3A_28 : i32
      %scan3A_30 = arith.constant 1 : i32
      scf.for %scan3A_74 = %scan3A_27 to %scan3A_29 step %scan3A_30  : i32 {
        %mul3A_75 = arith.constant 8 : i32
        %mul3A_76 = arith.muli %scan3A_74, %mul3A_75 : i32
        %add3A_77 = arith.constant 0 : i32
        %add3A_78 = arith.addi %mul3A_76, %add3A_77 : i32
        %mul3A_79 = arith.constant 16 : i32
        %mul3A_80 = arith.muli %add3A_78, %mul3A_79 : i32
        %add3A_81 = vector.broadcast %mul3A_80 : i32 to vector<16xi32>
        %add3A_82 = arith.addi %add3A_81, %iota3A : vector<16xi32>
        tpu.vector_store_idx %arg6[%add3A_82], %broadcast_in_dim3A_1 : memref<65536xf32, #tpu.memory_space<vmem>>[vector<16xi32>], vector<16xf32>,
        %mul3A_83 = arith.constant 8 : i32
        %mul3A_84 = arith.muli %scan3A_74, %mul3A_83 : i32
        %add3A_85 = arith.constant 1 : i32
        %add3A_86 = arith.addi %mul3A_84, %add3A_85 : i32
        %mul3A_87 = arith.constant 16 : i32
        %mul3A_88 = arith.muli %add3A_86, %mul3A_87 : i32
        %add3A_89 = vector.broadcast %mul3A_88 : i32 to vector<16xi32>
        %add3A_90 = arith.addi %add3A_89, %iota3A : vector<16xi32>
        tpu.vector_store_idx %arg6[%add3A_90], %broadcast_in_dim3A_1 : memref<65536xf32, #tpu.memory_space<vmem>>[vector<16xi32>], vector<16xf32>,
        %mul3A_91 = arith.constant 8 : i32
        %mul3A_92 = arith.muli %scan3A_74, %mul3A_91 : i32
        %add3A_93 = arith.constant 2 : i32
        %add3A_94 = arith.addi %mul3A_92, %add3A_93 : i32
        %mul3A_95 = arith.constant 16 : i32
        %mul3A_96 = arith.muli %add3A_94, %mul3A_95 : i32
        %add3A_97 = vector.broadcast %mul3A_96 : i32 to vector<16xi32>
        %add3A_98 = arith.addi %add3A_97, %iota3A : vector<16xi32>
        tpu.vector_store_idx %arg6[%add3A_98], %broadcast_in_dim3A_1 : memref<65536xf32, #tpu.memory_space<vmem>>[vector<16xi32>], vector<16xf32>,
        %mul3A_99 = arith.constant 8 : i32
        %mul3A_100 = arith.muli %scan3A_74, %mul3A_99 : i32
        %add3A_101 = arith.constant 3 : i32
        %add3A_102 = arith.addi %mul3A_100, %add3A_101 : i32
        %mul3A_103 = arith.constant 16 : i32
        %mul3A_104 = arith.muli %add3A_102, %mul3A_103 : i32
        %add3A_105 = vector.broadcast %mul3A_104 : i32 to vector<16xi32>
        %add3A_106 = arith.addi %add3A_105, %iota3A : vector<16xi32>
        tpu.vector_store_idx %arg6[%add3A_106], %broadcast_in_dim3A_1 : memref<65536xf32, #tpu.memory_space<vmem>>[vector<16xi32>], vector<16xf32>,
        %mul3A_107 = arith.constant 8 : i32
        %mul3A_108 = arith.muli %scan3A_74, %mul3A_107 : i32
        %add3A_109 = arith.constant 4 : i32
        %add3A_110 = arith.addi %mul3A_108, %add3A_109 : i32
        %mul3A_111 = arith.constant 16 : i32
        %mul3A_112 = arith.muli %add3A_110, %mul3A_111 : i32
        %add3A_113 = vector.broadcast %mul3A_112 : i32 to vector<16xi32>
        %add3A_114 = arith.addi %add3A_113, %iota3A : vector<16xi32>
        tpu.vector_store_idx %arg6[%add3A_114], %broadcast_in_dim3A_1 : memref<65536xf32, #tpu.memory_space<vmem>>[vector<16xi32>], vector<16xf32>,
        %mul3A_115 = arith.constant 8 : i32
        %mul3A_116 = arith.muli %scan3A_74, %mul3A_115 : i32
        %add3A_117 = arith.constant 5 : i32
        %add3A_118 = arith.addi %mul3A_116, %add3A_117 : i32
        %mul3A_119 = arith.constant 16 : i32
        %mul3A_120 = arith.muli %add3A_118, %mul3A_119 : i32
        %add3A_121 = vector.broadcast %mul3A_120 : i32 to vector<16xi32>
        %add3A_122 = arith.addi %add3A_121, %iota3A : vector<16xi32>
        tpu.vector_store_idx %arg6[%add3A_122], %broadcast_in_dim3A_1 : memref<65536xf32, #tpu.memory_space<vmem>>[vector<16xi32>], vector<16xf32>,
        %mul3A_123 = arith.constant 8 : i32
        %mul3A_124 = arith.muli %scan3A_74, %mul3A_123 : i32
        %add3A_125 = arith.constant 6 : i32
        %add3A_126 = arith.addi %mul3A_124, %add3A_125 : i32
        %mul3A_127 = arith.constant 16 : i32
        %mul3A_128 = arith.muli %add3A_126, %mul3A_127 : i32
        %add3A_129 = vector.broadcast %mul3A_128 : i32 to vector<16xi32>
        %add3A_130 = arith.addi %add3A_129, %iota3A : vector<16xi32>
        tpu.vector_store_idx %arg6[%add3A_130], %broadcast_in_dim3A_1 : memref<65536xf32, #tpu.memory_space<vmem>>[vector<16xi32>], vector<16xf32>,
        %mul3A_131 = arith.constant 8 : i32
        %mul3A_132 = arith.muli %scan3A_74, %mul3A_131 : i32
        %add3A_133 = arith.constant 7 : i32
        %add3A_134 = arith.addi %mul3A_132, %add3A_133 : i32
        %mul3A_135 = arith.constant 16 : i32
        %mul3A_136 = arith.muli %add3A_134, %mul3A_135 : i32
        %add3A_137 = vector.broadcast %mul3A_136 : i32 to vector<16xi32>
        %add3A_138 = arith.addi %add3A_137, %iota3A : vector<16xi32>
        tpu.vector_store_idx %arg6[%add3A_138], %broadcast_in_dim3A_1 : memref<65536xf32, #tpu.memory_space<vmem>>[vector<16xi32>], vector<16xf32>,
      }
      %scan3A_31 = arith.constant 512 : i32
      "tpu.trace_stop"() : () -> ()
      %scan3A_32 = arith.constant 0 : i32
      %scan3A_33 = arith.constant 0 : i32
      %scan3A_34 = arith.constant 32 : i32
      %scan3A_35 = arith.addi %scan3A_33, %scan3A_34 : i32
      %scan3A_36 = arith.constant 1 : i32
      scf.for %scan3A_74 = %scan3A_33 to %scan3A_35 step %scan3A_36  : i32 {
        %mul3A_75 = arith.constant 16 : i32
        %mul3A_76 = arith.muli %scan3A_74, %mul3A_75 : i32
        %add3A_77 = vector.broadcast %mul3A_76 : i32 to vector<16xi32>
        %add3A_78 = arith.addi %add3A_77, %iota3A : vector<16xi32>
        tpu.vector_store_idx %arg12[%add3A_78], %broadcast_in_dim3A_5 : memref<512xi32, #tpu.memory_space<vmem>>[vector<16xi32>], vector<16xi32>,
      }
      %scan3A_37 = arith.constant 32 : i32
      %scan3A_38 = arith.constant 0 : i32
      %scan3A_39 = arith.constant 0 : i32
      %scan3A_40 = arith.constant 13 : i32
      %scan3A_41 = arith.addi %scan3A_39, %scan3A_40 : i32
      %scan3A_42 = arith.constant 1 : i32
      scf.for %scan3A_74 = %scan3A_39 to %scan3A_41 step %scan3A_42  : i32 {
        %eq3A_75 = arith.constant 12 : i32
        %eq3A_76 = arith.cmpi eq, %scan3A_74, %eq3A_75 : i32
        %jit3A = arith.constant 1696 : i32
        %jit3A_77 = arith.constant 8192 : i32
        %select_n3A = arith.select %eq3A_76, %jit3A, %jit3A_77 : i32
        %and3A_78 = arith.constant 1 : i32
        %and3A_79 = arith.andi %scan3A_74, %and3A_78 : i32
        %broadcast_in_dim3A_80 = vector.broadcast %and3A_79 : i32 to vector<16xi32>
        %mul3A_81 = arith.constant 100000 : i32
        %mul3A_82 = arith.muli %and3A_18, %mul3A_81 : i32
        %mul3A_83 = arith.constant 8192 : i32
        %mul3A_84 = arith.muli %scan3A_74, %mul3A_83 : i32
        %add3A_85 = arith.addi %mul3A_82, %mul3A_84 : i32
        "tpu.trace_start"() <{level = 10 : i32, message = "idx_dma"}> : () -> ()
        %mul3A_86 = arith.constant 100000 : i32
        %mul3A_87 = arith.muli %and3A_18, %mul3A_86 : i32
        %mul3A_88 = arith.constant 8192 : i32
        %mul3A_89 = arith.muli %scan3A_74, %mul3A_88 : i32
        %add3A_90 = arith.addi %mul3A_87, %mul3A_89 : i32
        %mul3A_91 = arith.constant 8192 : i32
        %mul3A_92 = arith.muli %and3A_79, %mul3A_91 : i32
        %multiple_of3A = tpu.assume_multiple %mul3A_92, 8 : i32
        %eq3A_93 = arith.constant 12 : i32
        %eq3A_94 = arith.cmpi eq, %scan3A_74, %eq3A_93 : i32
        %convert_element_type3A = arith.extui %eq3A_94 : i1 to i32
        %cond3A = arith.constant 0 : i32
        %cond3A_95 = arith.cmpi ne, %convert_element_type3A, %cond3A : i32
        scf.if %cond3A_95 {
          %dma_start3A = tpu.memref_slice %arg7[%multiple_of3A] : memref<16384xi32, #tpu.memory_space<vmem>> -> memref<1696xi32, #tpu.memory_space<vmem>>
          %dma_start3A_172 = tpu.memref_slice %arg3[%add3A_90] : memref<400000xi32, #tpu.memory_space<hbm>> -> memref<1696xi32, #tpu.memory_space<hbm>>
          %dma_start3A_173 = tpu.memref_slice %arg7[%multiple_of3A] : memref<16384xi32, #tpu.memory_space<vmem>> -> memref<1696xi32, #tpu.memory_space<vmem>>
          %dma_start3A_174 = tpu.memref_slice %arg3[%add3A_90] : memref<400000xi32, #tpu.memory_space<hbm>> -> memref<1696xi32, #tpu.memory_space<hbm>>
          tpu.enqueue_dma source(%dma_start3A_174 : memref<1696xi32, #tpu.memory_space<hbm>>) target(%dma_start3A_173 : memref<1696xi32, #tpu.memory_space<vmem>>) target_semaphore(%arg13 : memref<!tpu.dma_semaphore, #tpu.memory_space<semaphore_mem>>)
        } else {
        }
        %lt3A = arith.constant 12 : i32
        %lt3A_96 = arith.cmpi slt, %scan3A_74, %lt3A : i32
        %convert_element_type3A_97 = arith.extui %lt3A_96 : i1 to i32
        %cond3A_98 = arith.constant 0 : i32
        %cond3A_99 = arith.cmpi ne, %convert_element_type3A_97, %cond3A_98 : i32
        scf.if %cond3A_99 {
          %dma_start3A = tpu.memref_slice %arg7[%multiple_of3A] : memref<16384xi32, #tpu.memory_space<vmem>> -> memref<8192xi32, #tpu.memory_space<vmem>>
          %dma_start3A_172 = tpu.memref_slice %arg3[%add3A_90] : memref<400000xi32, #tpu.memory_space<hbm>> -> memref<8192xi32, #tpu.memory_space<hbm>>
          %dma_start3A_173 = tpu.memref_slice %arg7[%multiple_of3A] : memref<16384xi32, #tpu.memory_space<vmem>> -> memref<8192xi32, #tpu.memory_space<vmem>>
          %dma_start3A_174 = tpu.memref_slice %arg3[%add3A_90] : memref<400000xi32, #tpu.memory_space<hbm>> -> memref<8192xi32, #tpu.memory_space<hbm>>
          tpu.enqueue_dma source(%dma_start3A_174 : memref<8192xi32, #tpu.memory_space<hbm>>) target(%dma_start3A_173 : memref<8192xi32, #tpu.memory_space<vmem>>) target_semaphore(%arg13 : memref<!tpu.dma_semaphore, #tpu.memory_space<semaphore_mem>>)
        } else {
        }
        %mul3A_100 = arith.constant 100000 : i32
        %mul3A_101 = arith.muli %and3A_18, %mul3A_100 : i32
        %mul3A_102 = arith.constant 8192 : i32
        %mul3A_103 = arith.muli %scan3A_74, %mul3A_102 : i32
        %add3A_104 = arith.addi %mul3A_101, %mul3A_103 : i32
        %mul3A_105 = arith.constant 8192 : i32
        %mul3A_106 = arith.muli %and3A_79, %mul3A_105 : i32
        %multiple_of3A_107 = tpu.assume_multiple %mul3A_106, 8 : i32
        %eq3A_108 = arith.constant 12 : i32
        %eq3A_109 = arith.cmpi eq, %scan3A_74, %eq3A_108 : i32
        %convert_element_type3A_110 = arith.extui %eq3A_109 : i1 to i32
        %cond3A_111 = arith.constant 0 : i32
        %cond3A_112 = arith.cmpi ne, %convert_element_type3A_110, %cond3A_111 : i32
        scf.if %cond3A_112 {
          %dma_wait3A = tpu.memref_slice %arg7[%multiple_of3A_107] : memref<16384xi32, #tpu.memory_space<vmem>> -> memref<1696xi32, #tpu.memory_space<vmem>>
          %dma_wait3A_172 = tpu.memref_slice %arg3[%add3A_104] : memref<400000xi32, #tpu.memory_space<hbm>> -> memref<1696xi32, #tpu.memory_space<hbm>>
          %dma_wait3A_173 = tpu.memref_slice %arg7[%multiple_of3A_107] : memref<16384xi32, #tpu.memory_space<vmem>> -> memref<1696xi32, #tpu.memory_space<vmem>>
          %dma_wait3A_174 = tpu.memref_slice %arg3[%add3A_104] : memref<400000xi32, #tpu.memory_space<hbm>> -> memref<1696xi32, #tpu.memory_space<hbm>>
          tpu.wait_dma2 semaphore(%arg13 : memref<!tpu.dma_semaphore, #tpu.memory_space<semaphore_mem>>) src(%dma_wait3A_174 : memref<1696xi32, #tpu.memory_space<hbm>>) dst(%dma_wait3A_173 : memref<1696xi32, #tpu.memory_space<vmem>>)
        } else {
        }
        %lt3A_113 = arith.constant 12 : i32
        %lt3A_114 = arith.cmpi slt, %scan3A_74, %lt3A_113 : i32
        %convert_element_type3A_115 = arith.extui %lt3A_114 : i1 to i32
        %cond3A_116 = arith.constant 0 : i32
        %cond3A_117 = arith.cmpi ne, %convert_element_type3A_115, %cond3A_116 : i32
        scf.if %cond3A_117 {
          %dma_wait3A = tpu.memref_slice %arg7[%multiple_of3A_107] : memref<16384xi32, #tpu.memory_space<vmem>> -> memref<8192xi32, #tpu.memory_space<vmem>>
          %dma_wait3A_172 = tpu.memref_slice %arg3[%add3A_104] : memref<400000xi32, #tpu.memory_space<hbm>> -> memref<8192xi32, #tpu.memory_space<hbm>>
          %dma_wait3A_173 = tpu.memref_slice %arg7[%multiple_of3A_107] : memref<16384xi32, #tpu.memory_space<vmem>> -> memref<8192xi32, #tpu.memory_space<vmem>>
          %dma_wait3A_174 = tpu.memref_slice %arg3[%add3A_104] : memref<400000xi32, #tpu.memory_space<hbm>> -> memref<8192xi32, #tpu.memory_space<hbm>>
          tpu.wait_dma2 semaphore(%arg13 : memref<!tpu.dma_semaphore, #tpu.memory_space<semaphore_mem>>) src(%dma_wait3A_174 : memref<8192xi32, #tpu.memory_space<hbm>>) dst(%dma_wait3A_173 : memref<8192xi32, #tpu.memory_space<vmem>>)
        } else {
        }
        %jit3A_118 = arith.constant 16 : i32
        "tpu.trace_stop"() : () -> ()
        %div3A = arith.divsi %select_n3A, %jit3A_118 : i32
        %sign3A = arith.constant 0 : i32
        %sign3A_119 = arith.cmpi sgt, %select_n3A, %sign3A : i32
        %sign3A_120 = arith.extui %sign3A_119 : i1 to i32
        %sign3A_121 = arith.constant 0 : i32
        %sign3A_122 = arith.cmpi slt, %select_n3A, %sign3A_121 : i32
        %sign3A_123 = arith.extui %sign3A_122 : i1 to i32
        %sign3A_124 = arith.subi %sign3A_120, %sign3A_123 : i32
        %sign3A_125 = arith.constant 0 : i32
        %sign3A_126 = arith.cmpi sgt, %jit3A_118, %sign3A_125 : i32
        %sign3A_127 = arith.extui %sign3A_126 : i1 to i32
        %sign3A_128 = arith.constant 0 : i32
        %sign3A_129 = arith.cmpi slt, %jit3A_118, %sign3A_128 : i32
        %sign3A_130 = arith.extui %sign3A_129 : i1 to i32
        %sign3A_131 = arith.subi %sign3A_127, %sign3A_130 : i32
        %ne3A = arith.cmpi ne, %sign3A_124, %sign3A_131 : i32
        %rem3A = arith.remsi %select_n3A, %jit3A_118 : i32
        %ne3A_132 = arith.constant 0 : i32
        %ne3A_133 = arith.cmpi ne, %rem3A, %ne3A_132 : i32
        %and3A_134 = arith.andi %ne3A, %ne3A_133 : i1
        %sub3A = arith.constant 1 : i32
        %sub3A_135 = arith.subi %div3A, %sub3A : i32
        %select_n3A_136 = arith.select %and3A_134, %sub3A_135, %div3A : i32
        %broadcast_in_dim3A_137 = arith.constant 0 : i32
        "tpu.trace_start"() <{level = 10 : i32, message = "scan"}> : () -> ()
        %broadcast_in_dim3A_138 = vector.broadcast %broadcast_in_dim3A_137 : i32 to vector<16xi32>
        %scan3A_139 = arith.constant 0 : i32
        %scan3A_140 = arith.constant 128 : i32
        %scan3A_141 = arith.addi %scan3A_139, %scan3A_140 : i32
        %scan3A_142 = arith.constant 1 : i32
        %scan3A_143 = scf.for %scan3A_172 = %scan3A_139 to %scan3A_141 step %scan3A_142 iter_args(%scan3A_173 = %broadcast_in_dim3A_138) -> (vector<16xi32>)  : i32 {
          %mul3A_174 = arith.constant 4 : i32
          %mul3A_175 = arith.muli %scan3A_172, %mul3A_174 : i32
          %add3A_176 = arith.constant 0 : i32
          %add3A_177 = arith.addi %mul3A_175, %add3A_176 : i32
          %mul3A_178 = arith.constant 16 : i32
          %mul3A_179 = arith.muli %add3A_177, %mul3A_178 : i32
          %add3A_180 = vector.broadcast %mul3A_179 : i32 to vector<16xi32>
          %add3A_181 = arith.addi %add3A_180, %iota3A : vector<16xi32>
          %mul3A_182 = arith.constant 8192 : i32
          %mul3A_183 = vector.broadcast %mul3A_182 : i32 to vector<16xi32>
          %mul3A_184 = arith.muli %broadcast_in_dim3A_80, %mul3A_183 : vector<16xi32>
          %add3A_185 = arith.addi %mul3A_184, %add3A_181 : vector<16xi32>
          %gather3A = tpu.vector_load_idx %arg7[%add3A_185] : memref<16384xi32, #tpu.memory_space<vmem>>[vector<16xi32>], vector<16xi32>,
          %sub3A_186 = vector.broadcast %mul3A_25 : i32 to vector<16xi32>
          %sub3A_187 = arith.subi %gather3A, %sub3A_186 : vector<16xi32>
          %ge3A = arith.constant 0 : i32
          %ge3A_188 = vector.broadcast %ge3A : i32 to vector<16xi32>
          %ge3A_189 = arith.cmpi sge, %sub3A_187, %ge3A_188 : vector<16xi32>
          %lt3A_190 = arith.constant 512 : i32
          %lt3A_191 = vector.broadcast %lt3A_190 : i32 to vector<16xi32>
          %lt3A_192 = arith.cmpi slt, %sub3A_187, %lt3A_191 : vector<16xi32>
          %and3A_193 = arith.andi %ge3A_189, %lt3A_192 : vector<16xi1>
          %lt3A_194 = arith.cmpi slt, %add3A_177, %select_n3A_136 : i32
          %broadcast_in_dim3A_195 = vector.broadcast %lt3A_194 : i1 to vector<16xi1>
          %and3A_196 = arith.andi %and3A_193, %broadcast_in_dim3A_195 : vector<16xi1>
          %mul3A_197 = arith.constant 524288 : i32
          %mul3A_198 = vector.broadcast %mul3A_197 : i32 to vector<16xi32>
          %mul3A_199 = arith.muli %sub3A_187, %mul3A_198 : vector<16xi32>
          %add3A_200 = vector.broadcast %add3A_85 : i32 to vector<16xi32>
          %add3A_201 = arith.addi %add3A_200, %add3A_181 : vector<16xi32>
          %add3A_202 = arith.addi %mul3A_199, %add3A_201 : vector<16xi32>
          %jit3A_203 = arith.constant 1 : i32
          %jit3A_204 = arith.constant 0 : i32
          %broadcast_in_dim3A_205 = vector.broadcast %jit3A_203 : i32 to vector<16xi32>
          %broadcast_in_dim3A_206 = vector.broadcast %jit3A_204 : i32 to vector<16xi32>
          %select_n3A_207 = arith.select %and3A_196, %broadcast_in_dim3A_205, %broadcast_in_dim3A_206 : vector<16xi1>, vector<16xi32>
          %broadcast_in_dim3A_208 = arith.constant true
          %broadcast_in_dim3A_209 = vector.broadcast %broadcast_in_dim3A_208 : i1 to vector<16xi1>
          %masked_cumsum3A = tpu.scan <sum>, %select_n3A_207 masked %broadcast_in_dim3A_209 : vector<16xi32>, vector<16xi1> -> vector<16xi32>
          %add3A_210 = arith.addi %scan3A_173, %masked_cumsum3A : vector<16xi32>
          %sub3A_211 = arith.constant 1 : i32
          %sub3A_212 = vector.broadcast %sub3A_211 : i32 to vector<16xi32>
          %sub3A_213 = arith.subi %add3A_210, %sub3A_212 : vector<16xi32>
          tpu.vector_store_idx %arg8[%sub3A_213], %add3A_202 masked %and3A_196 : memref<8192xi32, #tpu.memory_space<vmem>>[vector<16xi32>], vector<16xi32>, vector<16xi1>
          %all_reduce_population_count3A = tpu.all_reduce %and3A_196 {dim = 0 : i64, kind = #tpu.reduction_kind<sum>} : vector<16xi1> -> vector<16xi32>
          %add3A_214 = arith.addi %scan3A_173, %all_reduce_population_count3A : vector<16xi32>
          %mul3A_215 = arith.constant 4 : i32
          %mul3A_216 = arith.muli %scan3A_172, %mul3A_215 : i32
          %add3A_217 = arith.constant 1 : i32
          %add3A_218 = arith.addi %mul3A_216, %add3A_217 : i32
          %mul3A_219 = arith.constant 16 : i32
          %mul3A_220 = arith.muli %add3A_218, %mul3A_219 : i32
          %add3A_221 = vector.broadcast %mul3A_220 : i32 to vector<16xi32>
          %add3A_222 = arith.addi %add3A_221, %iota3A : vector<16xi32>
          %mul3A_223 = arith.constant 8192 : i32
          %mul3A_224 = vector.broadcast %mul3A_223 : i32 to vector<16xi32>
          %mul3A_225 = arith.muli %broadcast_in_dim3A_80, %mul3A_224 : vector<16xi32>
          %add3A_226 = arith.addi %mul3A_225, %add3A_222 : vector<16xi32>
          %gather3A_227 = tpu.vector_load_idx %arg7[%add3A_226] : memref<16384xi32, #tpu.memory_space<vmem>>[vector<16xi32>], vector<16xi32>,
          %sub3A_228 = vector.broadcast %mul3A_25 : i32 to vector<16xi32>
          %sub3A_229 = arith.subi %gather3A_227, %sub3A_228 : vector<16xi32>
          %ge3A_230 = arith.constant 0 : i32
          %ge3A_231 = vector.broadcast %ge3A_230 : i32 to vector<16xi32>
          %ge3A_232 = arith.cmpi sge, %sub3A_229, %ge3A_231 : vector<16xi32>
          %lt3A_233 = arith.constant 512 : i32
          %lt3A_234 = vector.broadcast %lt3A_233 : i32 to vector<16xi32>
          %lt3A_235 = arith.cmpi slt, %sub3A_229, %lt3A_234 : vector<16xi32>
          %and3A_236 = arith.andi %ge3A_232, %lt3A_235 : vector<16xi1>
          %lt3A_237 = arith.cmpi slt, %add3A_218, %select_n3A_136 : i32
          %broadcast_in_dim3A_238 = vector.broadcast %lt3A_237 : i1 to vector<16xi1>
          %and3A_239 = arith.andi %and3A_236, %broadcast_in_dim3A_238 : vector<16xi1>
          %mul3A_240 = arith.constant 524288 : i32
          %mul3A_241 = vector.broadcast %mul3A_240 : i32 to vector<16xi32>
          %mul3A_242 = arith.muli %sub3A_229, %mul3A_241 : vector<16xi32>
          %add3A_243 = vector.broadcast %add3A_85 : i32 to vector<16xi32>
          %add3A_244 = arith.addi %add3A_243, %add3A_222 : vector<16xi32>
          %add3A_245 = arith.addi %mul3A_242, %add3A_244 : vector<16xi32>
          %jit3A_246 = arith.constant 1 : i32
          %jit3A_247 = arith.constant 0 : i32
          %broadcast_in_dim3A_248 = vector.broadcast %jit3A_246 : i32 to vector<16xi32>
          %broadcast_in_dim3A_249 = vector.broadcast %jit3A_247 : i32 to vector<16xi32>
          %select_n3A_250 = arith.select %and3A_239, %broadcast_in_dim3A_248, %broadcast_in_dim3A_249 : vector<16xi1>, vector<16xi32>
          %broadcast_in_dim3A_251 = arith.constant true
          %broadcast_in_dim3A_252 = vector.broadcast %broadcast_in_dim3A_251 : i1 to vector<16xi1>
          %masked_cumsum3A_253 = tpu.scan <sum>, %select_n3A_250 masked %broadcast_in_dim3A_252 : vector<16xi32>, vector<16xi1> -> vector<16xi32>
          %add3A_254 = arith.addi %add3A_214, %masked_cumsum3A_253 : vector<16xi32>
          %sub3A_255 = arith.constant 1 : i32
          %sub3A_256 = vector.broadcast %sub3A_255 : i32 to vector<16xi32>
          %sub3A_257 = arith.subi %add3A_254, %sub3A_256 : vector<16xi32>
          tpu.vector_store_idx %arg8[%sub3A_257], %add3A_245 masked %and3A_239 : memref<8192xi32, #tpu.memory_space<vmem>>[vector<16xi32>], vector<16xi32>, vector<16xi1>
          %all_reduce_population_count3A_258 = tpu.all_reduce %and3A_239 {dim = 0 : i64, kind = #tpu.reduction_kind<sum>} : vector<16xi1> -> vector<16xi32>
          %add3A_259 = arith.addi %add3A_214, %all_reduce_population_count3A_258 : vector<16xi32>
          %mul3A_260 = arith.constant 4 : i32
          %mul3A_261 = arith.muli %scan3A_172, %mul3A_260 : i32
          %add3A_262 = arith.constant 2 : i32
          %add3A_263 = arith.addi %mul3A_261, %add3A_262 : i32
          %mul3A_264 = arith.constant 16 : i32
          %mul3A_265 = arith.muli %add3A_263, %mul3A_264 : i32
          %add3A_266 = vector.broadcast %mul3A_265 : i32 to vector<16xi32>
          %add3A_267 = arith.addi %add3A_266, %iota3A : vector<16xi32>
          %mul3A_268 = arith.constant 8192 : i32
          %mul3A_269 = vector.broadcast %mul3A_268 : i32 to vector<16xi32>
          %mul3A_270 = arith.muli %broadcast_in_dim3A_80, %mul3A_269 : vector<16xi32>
          %add3A_271 = arith.addi %mul3A_270, %add3A_267 : vector<16xi32>
          %gather3A_272 = tpu.vector_load_idx %arg7[%add3A_271] : memref<16384xi32, #tpu.memory_space<vmem>>[vector<16xi32>], vector<16xi32>,
          %sub3A_273 = vector.broadcast %mul3A_25 : i32 to vector<16xi32>
          %sub3A_274 = arith.subi %gather3A_272, %sub3A_273 : vector<16xi32>
          %ge3A_275 = arith.constant 0 : i32
          %ge3A_276 = vector.broadcast %ge3A_275 : i32 to vector<16xi32>
          %ge3A_277 = arith.cmpi sge, %sub3A_274, %ge3A_276 : vector<16xi32>
          %lt3A_278 = arith.constant 512 : i32
          %lt3A_279 = vector.broadcast %lt3A_278 : i32 to vector<16xi32>
          %lt3A_280 = arith.cmpi slt, %sub3A_274, %lt3A_279 : vector<16xi32>
          %and3A_281 = arith.andi %ge3A_277, %lt3A_280 : vector<16xi1>
          %lt3A_282 = arith.cmpi slt, %add3A_263, %select_n3A_136 : i32
          %broadcast_in_dim3A_283 = vector.broadcast %lt3A_282 : i1 to vector<16xi1>
          %and3A_284 = arith.andi %and3A_281, %broadcast_in_dim3A_283 : vector<16xi1>
          %mul3A_285 = arith.constant 524288 : i32
          %mul3A_286 = vector.broadcast %mul3A_285 : i32 to vector<16xi32>
          %mul3A_287 = arith.muli %sub3A_274, %mul3A_286 : vector<16xi32>
          %add3A_288 = vector.broadcast %add3A_85 : i32 to vector<16xi32>
          %add3A_289 = arith.addi %add3A_288, %add3A_267 : vector<16xi32>
          %add3A_290 = arith.addi %mul3A_287, %add3A_289 : vector<16xi32>
          %jit3A_291 = arith.constant 1 : i32
          %jit3A_292 = arith.constant 0 : i32
          %broadcast_in_dim3A_293 = vector.broadcast %jit3A_291 : i32 to vector<16xi32>
          %broadcast_in_dim3A_294 = vector.broadcast %jit3A_292 : i32 to vector<16xi32>
          %select_n3A_295 = arith.select %and3A_284, %broadcast_in_dim3A_293, %broadcast_in_dim3A_294 : vector<16xi1>, vector<16xi32>
          %broadcast_in_dim3A_296 = arith.constant true
          %broadcast_in_dim3A_297 = vector.broadcast %broadcast_in_dim3A_296 : i1 to vector<16xi1>
          %masked_cumsum3A_298 = tpu.scan <sum>, %select_n3A_295 masked %broadcast_in_dim3A_297 : vector<16xi32>, vector<16xi1> -> vector<16xi32>
          %add3A_299 = arith.addi %add3A_259, %masked_cumsum3A_298 : vector<16xi32>
          %sub3A_300 = arith.constant 1 : i32
          %sub3A_301 = vector.broadcast %sub3A_300 : i32 to vector<16xi32>
          %sub3A_302 = arith.subi %add3A_299, %sub3A_301 : vector<16xi32>
          tpu.vector_store_idx %arg8[%sub3A_302], %add3A_290 masked %and3A_284 : memref<8192xi32, #tpu.memory_space<vmem>>[vector<16xi32>], vector<16xi32>, vector<16xi1>
          %all_reduce_population_count3A_303 = tpu.all_reduce %and3A_284 {dim = 0 : i64, kind = #tpu.reduction_kind<sum>} : vector<16xi1> -> vector<16xi32>
          %add3A_304 = arith.addi %add3A_259, %all_reduce_population_count3A_303 : vector<16xi32>
          %mul3A_305 = arith.constant 4 : i32
          %mul3A_306 = arith.muli %scan3A_172, %mul3A_305 : i32
          %add3A_307 = arith.constant 3 : i32
          %add3A_308 = arith.addi %mul3A_306, %add3A_307 : i32
          %mul3A_309 = arith.constant 16 : i32
          %mul3A_310 = arith.muli %add3A_308, %mul3A_309 : i32
          %add3A_311 = vector.broadcast %mul3A_310 : i32 to vector<16xi32>
          %add3A_312 = arith.addi %add3A_311, %iota3A : vector<16xi32>
          %mul3A_313 = arith.constant 8192 : i32
          %mul3A_314 = vector.broadcast %mul3A_313 : i32 to vector<16xi32>
          %mul3A_315 = arith.muli %broadcast_in_dim3A_80, %mul3A_314 : vector<16xi32>
          %add3A_316 = arith.addi %mul3A_315, %add3A_312 : vector<16xi32>
          %gather3A_317 = tpu.vector_load_idx %arg7[%add3A_316] : memref<16384xi32, #tpu.memory_space<vmem>>[vector<16xi32>], vector<16xi32>,
          %sub3A_318 = vector.broadcast %mul3A_25 : i32 to vector<16xi32>
          %sub3A_319 = arith.subi %gather3A_317, %sub3A_318 : vector<16xi32>
          %ge3A_320 = arith.constant 0 : i32
          %ge3A_321 = vector.broadcast %ge3A_320 : i32 to vector<16xi32>
          %ge3A_322 = arith.cmpi sge, %sub3A_319, %ge3A_321 : vector<16xi32>
          %lt3A_323 = arith.constant 512 : i32
          %lt3A_324 = vector.broadcast %lt3A_323 : i32 to vector<16xi32>
          %lt3A_325 = arith.cmpi slt, %sub3A_319, %lt3A_324 : vector<16xi32>
          %and3A_326 = arith.andi %ge3A_322, %lt3A_325 : vector<16xi1>
          %lt3A_327 = arith.cmpi slt, %add3A_308, %select_n3A_136 : i32
          %broadcast_in_dim3A_328 = vector.broadcast %lt3A_327 : i1 to vector<16xi1>
          %and3A_329 = arith.andi %and3A_326, %broadcast_in_dim3A_328 : vector<16xi1>
          %mul3A_330 = arith.constant 524288 : i32
          %mul3A_331 = vector.broadcast %mul3A_330 : i32 to vector<16xi32>
          %mul3A_332 = arith.muli %sub3A_319, %mul3A_331 : vector<16xi32>
          %add3A_333 = vector.broadcast %add3A_85 : i32 to vector<16xi32>
          %add3A_334 = arith.addi %add3A_333, %add3A_312 : vector<16xi32>
          %add3A_335 = arith.addi %mul3A_332, %add3A_334 : vector<16xi32>
          %jit3A_336 = arith.constant 1 : i32
          %jit3A_337 = arith.constant 0 : i32
          %broadcast_in_dim3A_338 = vector.broadcast %jit3A_336 : i32 to vector<16xi32>
          %broadcast_in_dim3A_339 = vector.broadcast %jit3A_337 : i32 to vector<16xi32>
          %select_n3A_340 = arith.select %and3A_329, %broadcast_in_dim3A_338, %broadcast_in_dim3A_339 : vector<16xi1>, vector<16xi32>
          %broadcast_in_dim3A_341 = arith.constant true
          %broadcast_in_dim3A_342 = vector.broadcast %broadcast_in_dim3A_341 : i1 to vector<16xi1>
          %masked_cumsum3A_343 = tpu.scan <sum>, %select_n3A_340 masked %broadcast_in_dim3A_342 : vector<16xi32>, vector<16xi1> -> vector<16xi32>
          %add3A_344 = arith.addi %add3A_304, %masked_cumsum3A_343 : vector<16xi32>
          %sub3A_345 = arith.constant 1 : i32
          %sub3A_346 = vector.broadcast %sub3A_345 : i32 to vector<16xi32>
          %sub3A_347 = arith.subi %add3A_344, %sub3A_346 : vector<16xi32>
          tpu.vector_store_idx %arg8[%sub3A_347], %add3A_335 masked %and3A_329 : memref<8192xi32, #tpu.memory_space<vmem>>[vector<16xi32>], vector<16xi32>, vector<16xi1>
          %all_reduce_population_count3A_348 = tpu.all_reduce %and3A_329 {dim = 0 : i64, kind = #tpu.reduction_kind<sum>} : vector<16xi1> -> vector<16xi32>
          %add3A_349 = arith.addi %add3A_304, %all_reduce_population_count3A_348 : vector<16xi32>
          scf.yield %add3A_349 : vector<16xi32>
        }
        %scan3A_144 = arith.constant 128 : i32
        %reduce_max3A = arith.constant true
        %reduce_max3A_145 = vector.broadcast %reduce_max3A : i1 to vector<16xi1>
        %reduce_max3A_146 = arith.constant -2147483648 : i32
        %reduce_max3A_147 = vector.broadcast %reduce_max3A_146 : i32 to vector<16xi32>
        %reduce_max3A_148 = arith.xori %scan3A_143, %reduce_max3A_147 : vector<16xi32>
        %reduce_max3A_149 = tpu.scan <max>, %reduce_max3A_148 masked %reduce_max3A_145 : vector<16xi32>, vector<16xi1> -> vector<16xi32>
        %reduce_max3A_150 = arith.xori %reduce_max3A_149, %reduce_max3A_147 : vector<16xi32>
        %reduce_max3A_151 = vector.extract %reduce_max3A_150[15] : i32 from vector<16xi32>
        "tpu.trace_stop"() : () -> ()
        %add3A_152 = arith.constant 128 : i32
        %add3A_153 = arith.addi %reduce_max3A_151, %add3A_152 : i32
        %sub3A_154 = arith.constant 1 : i32
        %sub3A_155 = arith.subi %add3A_153, %sub3A_154 : i32
        %shift_right_logical3A_156 = arith.constant 7 : i32
        %shift_right_logical3A_157 = arith.shrui %sub3A_155, %shift_right_logical3A_156 : i32
        %gt3A = arith.constant 0 : i32
        "tpu.trace_start"() <{level = 10 : i32, message = "apply"}> : () -> ()
        %gt3A_158 = arith.cmpi sgt, %shift_right_logical3A_157, %gt3A : i32
        %convert_element_type3A_159 = arith.extui %gt3A_158 : i1 to i32
        %cond3A_160 = arith.constant 0 : i32
        %cond3A_161 = arith.cmpi ne, %convert_element_type3A_159, %cond3A_160 : i32
        scf.if %cond3A_161 {
          %sub3A_172 = arith.constant 0 : i32
          %sub3A_173 = arith.subi %reduce_max3A_151, %sub3A_172 : i32
          %min3A = arith.constant 128 : i32
          %min3A_174 = arith.minsi %sub3A_173, %min3A : i32
          %broadcast_in_dim3A_175 = arith.constant 0 : i32
          %broadcast_in_dim3A_176 = vector.broadcast %broadcast_in_dim3A_175 : i32 to vector<16xi32>
          %scan3A_177 = arith.constant 0 : i32
          %scan3A_178 = arith.constant 0 : i32
          %scan3A_179 = arith.constant 8 : i32
          %scan3A_180 = arith.addi %scan3A_178, %scan3A_179 : i32
          %scan3A_181 = arith.constant 1 : i32
          scf.for %scan3A_193 = %scan3A_178 to %scan3A_180 step %scan3A_181  : i32 {
            %mul3A_194 = arith.constant 16 : i32
            %mul3A_195 = arith.muli %scan3A_193, %mul3A_194 : i32
            %add3A_196 = vector.broadcast %mul3A_195 : i32 to vector<16xi32>
            %add3A_197 = arith.addi %add3A_196, %iota3A : vector<16xi32>
            %add3A_198 = arith.constant 0 : i32
            %add3A_199 = vector.broadcast %add3A_198 : i32 to vector<16xi32>
            %add3A_200 = arith.addi %add3A_199, %add3A_197 : vector<16xi32>
            %gather3A = tpu.vector_load_idx %arg8[%add3A_200] : memref<8192xi32, #tpu.memory_space<vmem>>[vector<16xi32>], vector<16xi32>,
            %and3A_201 = arith.constant 524287 : i32
            %and3A_202 = vector.broadcast %and3A_201 : i32 to vector<16xi32>
            %and3A_203 = arith.andi %gather3A, %and3A_202 : vector<16xi32>
            %min3A_204 = arith.constant 399999 : i32
            %min3A_205 = vector.broadcast %min3A_204 : i32 to vector<16xi32>
            %min3A_206 = arith.minsi %and3A_203, %min3A_205 : vector<16xi32>
            %shift_right_logical3A_207 = arith.constant 19 : i32
            %shift_right_logical3A_208 = vector.broadcast %shift_right_logical3A_207 : i32 to vector<16xi32>
            %shift_right_logical3A_209 = arith.shrui %gather3A, %shift_right_logical3A_208 : vector<16xi32>
            %mul3A_210 = arith.constant 128 : i32
            %mul3A_211 = vector.broadcast %mul3A_210 : i32 to vector<16xi32>
            %mul3A_212 = arith.muli %broadcast_in_dim3A_176, %mul3A_211 : vector<16xi32>
            %add3A_213 = arith.addi %mul3A_212, %add3A_197 : vector<16xi32>
            tpu.vector_store_idx %arg9[%add3A_213], %min3A_206 : memref<256xi32, #tpu.memory_space<vmem>>[vector<16xi32>], vector<16xi32>,
            %mul3A_214 = arith.constant 128 : i32
            %mul3A_215 = vector.broadcast %mul3A_214 : i32 to vector<16xi32>
            %mul3A_216 = arith.muli %broadcast_in_dim3A_176, %mul3A_215 : vector<16xi32>
            %add3A_217 = arith.addi %mul3A_216, %add3A_197 : vector<16xi32>
            tpu.vector_store_idx %arg10[%add3A_217], %shift_right_logical3A_209 : memref<256xi32, #tpu.memory_space<vmem>>[vector<16xi32>], vector<16xi32>,
            %lt3A_218 = vector.broadcast %min3A_174 : i32 to vector<16xi32>
            %lt3A_219 = arith.cmpi slt, %add3A_197, %lt3A_218 : vector<16xi32>
            tpu.vector_store_idx %arg12[%shift_right_logical3A_209], %broadcast_in_dim3A_7 masked %lt3A_219 {add = true} : memref<512xi32, #tpu.memory_space<vmem>>[vector<16xi32>], vector<16xi32>, vector<16xi1>
          }
          %scan3A_182 = arith.constant 8 : i32
          %multiple_of3A_183 = arith.constant 0 : i32
          %multiple_of3A_184 = tpu.assume_multiple %multiple_of3A_183, 8 : i32
          %dma_start3A = arith.constant 0 : i32
          %dma_start3A_185 = arith.constant 0 : i32
          %dma_start3A_186 = arith.constant 0 : i32
          %dma_start3A_187 = tpu.memref_slice %arg11[%dma_start3A, %dma_start3A_185, %dma_start3A_186] : memref<2x128x128xf32, #tpu.memory_space<vmem>> -> memref<1x128x128xf32, #tpu.memory_space<vmem>>
          %dma_start3A_188 = tpu.memref_squeeze %dma_start3A_187 : memref<1x128x128xf32, #tpu.memory_space<vmem>> -> memref<128x128xf32, #tpu.memory_space<vmem>>
          %dma_start3A_189 = tpu.memref_slice %arg9[%multiple_of3A_184] : memref<256xi32, #tpu.memory_space<vmem>> -> memref<128xi32, #tpu.memory_space<vmem>>
          %dma_start3A_190 = arith.constant 0 : i32
          %dma_start3A_191 = arith.constant 0 : i32
          %dma_start3A_192 = tpu.memref_slice %arg2[%dma_start3A_190, %dma_start3A_191] : memref<400000x128xf32, #tpu.memory_space<hbm>> -> memref<400000x128xf32, #tpu.memory_space<hbm>>
          tpu.enqueue_indirect_dma source(%dma_start3A_192 : memref<400000x128xf32, #tpu.memory_space<hbm>>) target(%dma_start3A_188 : memref<128x128xf32, #tpu.memory_space<vmem>>) offsets(%dma_start3A_189 : memref<128xi32, #tpu.memory_space<vmem>>) semaphore(%arg14 : memref<!tpu.dma_semaphore, #tpu.memory_space<semaphore_mem>>)
        } else {
        }
        %while3A_162 = arith.constant 0 : i32
        %while3A_163 = arith.constant 0 : i32
        %while3A_164 = arith.subi %shift_right_logical3A_157, %while3A_163 : i32
        %while3A_165 = arith.addi %while3A_163, %while3A_164 : i32
        %while3A_166 = arith.constant 1 : i32
        %while3A_167 = arith.divsi %while3A_164, %while3A_166 : i32
        %while3A_168 = arith.muli %while3A_167, %while3A_166 : i32
        %while3A_169 = arith.addi %while3A_163, %while3A_168 : i32
        %while3A_170 = arith.constant 1 : i32
        scf.for %while3A_172 = %while3A_163 to %while3A_169 step %while3A_170  : i32 {
          %and3A_173 = arith.constant 1 : i32
          %and3A_174 = arith.andi %while3A_172, %and3A_173 : i32
          %mul3A_175 = arith.constant 128 : i32
          %mul3A_176 = arith.muli %while3A_172, %mul3A_175 : i32
          %sub3A_177 = arith.subi %reduce_max3A_151, %mul3A_176 : i32
          %min3A = arith.constant 128 : i32
          %min3A_178 = arith.minsi %sub3A_177, %min3A : i32
          %mul3A_179 = arith.constant 128 : i32
          %mul3A_180 = arith.muli %and3A_174, %mul3A_179 : i32
          %multiple_of3A_181 = tpu.assume_multiple %mul3A_180, 8 : i32
          %dma_wait3A = arith.constant 0 : i32
          %dma_wait3A_182 = arith.constant 0 : i32
          %dma_wait3A_183 = tpu.memref_slice %arg11[%and3A_174, %dma_wait3A, %dma_wait3A_182] : memref<2x128x128xf32, #tpu.memory_space<vmem>> -> memref<1x128x128xf32, #tpu.memory_space<vmem>>
          %dma_wait3A_184 = tpu.memref_squeeze %dma_wait3A_183 : memref<1x128x128xf32, #tpu.memory_space<vmem>> -> memref<128x128xf32, #tpu.memory_space<vmem>>
          %dma_wait3A_185 = tpu.memref_slice %arg9[%multiple_of3A_181] : memref<256xi32, #tpu.memory_space<vmem>> -> memref<128xi32, #tpu.memory_space<vmem>>
          %dma_wait3A_186 = arith.constant 0 : i32
          %dma_wait3A_187 = arith.constant 0 : i32
          %dma_wait3A_188 = tpu.memref_slice %arg2[%dma_wait3A_186, %dma_wait3A_187] : memref<400000x128xf32, #tpu.memory_space<hbm>> -> memref<400000x128xf32, #tpu.memory_space<hbm>>
          tpu.wait_indirect_dma semaphore(%arg14 : memref<!tpu.dma_semaphore, #tpu.memory_space<semaphore_mem>>) src(%dma_wait3A_188 : memref<400000x128xf32, #tpu.memory_space<hbm>>) dst(%dma_wait3A_184 : memref<128x128xf32, #tpu.memory_space<vmem>>)
          %add3A_189 = arith.constant 1 : i32
          %add3A_190 = arith.addi %while3A_172, %add3A_189 : i32
          %lt3A_191 = arith.cmpi slt, %add3A_190, %shift_right_logical3A_157 : i32
          %convert_element_type3A_192 = arith.extui %lt3A_191 : i1 to i32
          %cond3A_193 = arith.constant 0 : i32
          %cond3A_194 = arith.cmpi ne, %convert_element_type3A_192, %cond3A_193 : i32
          scf.if %cond3A_194 {
            %add3A_206 = arith.constant 1 : i32
            %add3A_207 = arith.addi %while3A_172, %add3A_206 : i32
            %sub3A_208 = arith.constant 1 : i32
            %sub3A_209 = arith.subi %sub3A_208, %and3A_174 : i32
            %mul3A_210 = arith.constant 128 : i32
            %mul3A_211 = arith.muli %add3A_207, %mul3A_210 : i32
            %sub3A_212 = arith.subi %reduce_max3A_151, %mul3A_211 : i32
            %min3A_213 = arith.constant 128 : i32
            %min3A_214 = arith.minsi %sub3A_212, %min3A_213 : i32
            %broadcast_in_dim3A_215 = vector.broadcast %sub3A_209 : i32 to vector<16xi32>
            %scan3A_216 = arith.constant 0 : i32
            %scan3A_217 = arith.constant 0 : i32
            %scan3A_218 = arith.constant 8 : i32
            %scan3A_219 = arith.addi %scan3A_217, %scan3A_218 : i32
            %scan3A_220 = arith.constant 1 : i32
            scf.for %scan3A_234 = %scan3A_217 to %scan3A_219 step %scan3A_220  : i32 {
              %mul3A_235 = arith.constant 16 : i32
              %mul3A_236 = arith.muli %scan3A_234, %mul3A_235 : i32
              %add3A_237 = vector.broadcast %mul3A_236 : i32 to vector<16xi32>
              %add3A_238 = arith.addi %add3A_237, %iota3A : vector<16xi32>
              %add3A_239 = vector.broadcast %mul3A_211 : i32 to vector<16xi32>
              %add3A_240 = arith.addi %add3A_239, %add3A_238 : vector<16xi32>
              %gather3A = tpu.vector_load_idx %arg8[%add3A_240] : memref<8192xi32, #tpu.memory_space<vmem>>[vector<16xi32>], vector<16xi32>,
              %and3A_241 = arith.constant 524287 : i32
              %and3A_242 = vector.broadcast %and3A_241 : i32 to vector<16xi32>
              %and3A_243 = arith.andi %gather3A, %and3A_242 : vector<16xi32>
              %min3A_244 = arith.constant 399999 : i32
              %min3A_245 = vector.broadcast %min3A_244 : i32 to vector<16xi32>
              %min3A_246 = arith.minsi %and3A_243, %min3A_245 : vector<16xi32>
              %shift_right_logical3A_247 = arith.constant 19 : i32
              %shift_right_logical3A_248 = vector.broadcast %shift_right_logical3A_247 : i32 to vector<16xi32>
              %shift_right_logical3A_249 = arith.shrui %gather3A, %shift_right_logical3A_248 : vector<16xi32>
              %mul3A_250 = arith.constant 128 : i32
              %mul3A_251 = vector.broadcast %mul3A_250 : i32 to vector<16xi32>
              %mul3A_252 = arith.muli %broadcast_in_dim3A_215, %mul3A_251 : vector<16xi32>
              %add3A_253 = arith.addi %mul3A_252, %add3A_238 : vector<16xi32>
              tpu.vector_store_idx %arg9[%add3A_253], %min3A_246 : memref<256xi32, #tpu.memory_space<vmem>>[vector<16xi32>], vector<16xi32>,
              %mul3A_254 = arith.constant 128 : i32
              %mul3A_255 = vector.broadcast %mul3A_254 : i32 to vector<16xi32>
              %mul3A_256 = arith.muli %broadcast_in_dim3A_215, %mul3A_255 : vector<16xi32>
              %add3A_257 = arith.addi %mul3A_256, %add3A_238 : vector<16xi32>
              tpu.vector_store_idx %arg10[%add3A_257], %shift_right_logical3A_249 : memref<256xi32, #tpu.memory_space<vmem>>[vector<16xi32>], vector<16xi32>,
              %lt3A_258 = vector.broadcast %min3A_214 : i32 to vector<16xi32>
              %lt3A_259 = arith.cmpi slt, %add3A_238, %lt3A_258 : vector<16xi32>
              tpu.vector_store_idx %arg12[%shift_right_logical3A_249], %broadcast_in_dim3A_7 masked %lt3A_259 {add = true} : memref<512xi32, #tpu.memory_space<vmem>>[vector<16xi32>], vector<16xi32>, vector<16xi1>
            }
            %scan3A_221 = arith.constant 8 : i32
            %sub3A_222 = arith.constant 1 : i32
            %sub3A_223 = arith.subi %sub3A_222, %and3A_174 : i32
            %mul3A_224 = arith.constant 128 : i32
            %mul3A_225 = arith.muli %sub3A_223, %mul3A_224 : i32
            %multiple_of3A_226 = tpu.assume_multiple %mul3A_225, 8 : i32
            %dma_start3A = arith.constant 0 : i32
            %dma_start3A_227 = arith.constant 0 : i32
            %dma_start3A_228 = tpu.memref_slice %arg11[%sub3A_223, %dma_start3A, %dma_start3A_227] : memref<2x128x128xf32, #tpu.memory_space<vmem>> -> memref<1x128x128xf32, #tpu.memory_space<vmem>>
            %dma_start3A_229 = tpu.memref_squeeze %dma_start3A_228 : memref<1x128x128xf32, #tpu.memory_space<vmem>> -> memref<128x128xf32, #tpu.memory_space<vmem>>
            %dma_start3A_230 = tpu.memref_slice %arg9[%multiple_of3A_226] : memref<256xi32, #tpu.memory_space<vmem>> -> memref<128xi32, #tpu.memory_space<vmem>>
            %dma_start3A_231 = arith.constant 0 : i32
            %dma_start3A_232 = arith.constant 0 : i32
            %dma_start3A_233 = tpu.memref_slice %arg2[%dma_start3A_231, %dma_start3A_232] : memref<400000x128xf32, #tpu.memory_space<hbm>> -> memref<400000x128xf32, #tpu.memory_space<hbm>>
            tpu.enqueue_indirect_dma source(%dma_start3A_233 : memref<400000x128xf32, #tpu.memory_space<hbm>>) target(%dma_start3A_229 : memref<128x128xf32, #tpu.memory_space<vmem>>) offsets(%dma_start3A_230 : memref<128xi32, #tpu.memory_space<vmem>>) semaphore(%arg14 : memref<!tpu.dma_semaphore, #tpu.memory_space<semaphore_mem>>)
          } else {
          }
          %broadcast_in_dim3A_195 = vector.broadcast %and3A_174 : i32 to vector<16xi32>
          %while3A_196 = arith.constant 0 : i32
          %while3A_197 = arith.constant 0 : i32
          %while3A_198 = arith.subi %min3A_178, %while3A_197 : i32
          %while3A_199 = arith.addi %while3A_197, %while3A_198 : i32
          %while3A_200 = arith.constant 1 : i32
          %while3A_201 = arith.divsi %while3A_198, %while3A_200 : i32
          %while3A_202 = arith.muli %while3A_201, %while3A_200 : i32
          %while3A_203 = arith.addi %while3A_197, %while3A_202 : i32
          %while3A_204 = arith.constant 1 : i32
          scf.for %while3A_206 = %while3A_197 to %while3A_203 step %while3A_204  : i32 {
            %broadcast_in_dim3A_207 = vector.broadcast %while3A_206 : i32 to vector<16xi32>
            %mul3A_208 = arith.constant 128 : i32
            %mul3A_209 = vector.broadcast %mul3A_208 : i32 to vector<16xi32>
            %mul3A_210 = arith.muli %broadcast_in_dim3A_195, %mul3A_209 : vector<16xi32>
            %add3A_211 = arith.addi %mul3A_210, %broadcast_in_dim3A_207 : vector<16xi32>
            %gather3A = tpu.vector_load_idx %arg10[%add3A_211] : memref<256xi32, #tpu.memory_space<vmem>>[vector<16xi32>], vector<16xi32>,
            %mul3A_212 = arith.constant 128 : i32
            %mul3A_213 = vector.broadcast %mul3A_212 : i32 to vector<16xi32>
            %mul3A_214 = arith.muli %gather3A, %mul3A_213 : vector<16xi32>
            %add3A_215 = arith.constant 0 : i32
            %add3A_216 = vector.broadcast %add3A_215 : i32 to vector<16xi32>
            %add3A_217 = arith.addi %add3A_216, %iota3A : vector<16xi32>
            %add3A_218 = arith.addi %mul3A_214, %add3A_217 : vector<16xi32>
            %gather3A_219 = tpu.vector_load_idx %arg6[%add3A_218] : memref<65536xf32, #tpu.memory_space<vmem>>[vector<16xi32>], vector<16xf32>,
            %gather3A_220 = tpu.vector_load_idx %arg11[%broadcast_in_dim3A_195, %broadcast_in_dim3A_207, %add3A_217] : memref<2x128x128xf32, #tpu.memory_space<vmem>>[vector<16xi32>, vector<16xi32>, vector<16xi32>], vector<16xf32>,
            %add3A_221 = arith.addi %mul3A_214, %add3A_217 : vector<16xi32>
            %max3A = arith.maximumf %gather3A_219, %gather3A_220 : vector<16xf32>
            tpu.vector_store_idx %arg6[%add3A_221], %max3A : memref<65536xf32, #tpu.memory_space<vmem>>[vector<16xi32>], vector<16xf32>,
            %add3A_222 = arith.constant 16 : i32
            %add3A_223 = vector.broadcast %add3A_222 : i32 to vector<16xi32>
            %add3A_224 = arith.addi %add3A_223, %iota3A : vector<16xi32>
            %add3A_225 = arith.addi %mul3A_214, %add3A_224 : vector<16xi32>
            %gather3A_226 = tpu.vector_load_idx %arg6[%add3A_225] : memref<65536xf32, #tpu.memory_space<vmem>>[vector<16xi32>], vector<16xf32>,
            %gather3A_227 = tpu.vector_load_idx %arg11[%broadcast_in_dim3A_195, %broadcast_in_dim3A_207, %add3A_224] : memref<2x128x128xf32, #tpu.memory_space<vmem>>[vector<16xi32>, vector<16xi32>, vector<16xi32>], vector<16xf32>,
            %add3A_228 = arith.addi %mul3A_214, %add3A_224 : vector<16xi32>
            %max3A_229 = arith.maximumf %gather3A_226, %gather3A_227 : vector<16xf32>
            tpu.vector_store_idx %arg6[%add3A_228], %max3A_229 : memref<65536xf32, #tpu.memory_space<vmem>>[vector<16xi32>], vector<16xf32>,
            %add3A_230 = arith.constant 32 : i32
            %add3A_231 = vector.broadcast %add3A_230 : i32 to vector<16xi32>
            %add3A_232 = arith.addi %add3A_231, %iota3A : vector<16xi32>
            %add3A_233 = arith.addi %mul3A_214, %add3A_232 : vector<16xi32>
            %gather3A_234 = tpu.vector_load_idx %arg6[%add3A_233] : memref<65536xf32, #tpu.memory_space<vmem>>[vector<16xi32>], vector<16xf32>,
            %gather3A_235 = tpu.vector_load_idx %arg11[%broadcast_in_dim3A_195, %broadcast_in_dim3A_207, %add3A_232] : memref<2x128x128xf32, #tpu.memory_space<vmem>>[vector<16xi32>, vector<16xi32>, vector<16xi32>], vector<16xf32>,
            %add3A_236 = arith.addi %mul3A_214, %add3A_232 : vector<16xi32>
            %max3A_237 = arith.maximumf %gather3A_234, %gather3A_235 : vector<16xf32>
            tpu.vector_store_idx %arg6[%add3A_236], %max3A_237 : memref<65536xf32, #tpu.memory_space<vmem>>[vector<16xi32>], vector<16xf32>,
            %add3A_238 = arith.constant 48 : i32
            %add3A_239 = vector.broadcast %add3A_238 : i32 to vector<16xi32>
            %add3A_240 = arith.addi %add3A_239, %iota3A : vector<16xi32>
            %add3A_241 = arith.addi %mul3A_214, %add3A_240 : vector<16xi32>
            %gather3A_242 = tpu.vector_load_idx %arg6[%add3A_241] : memref<65536xf32, #tpu.memory_space<vmem>>[vector<16xi32>], vector<16xf32>,
            %gather3A_243 = tpu.vector_load_idx %arg11[%broadcast_in_dim3A_195, %broadcast_in_dim3A_207, %add3A_240] : memref<2x128x128xf32, #tpu.memory_space<vmem>>[vector<16xi32>, vector<16xi32>, vector<16xi32>], vector<16xf32>,
            %add3A_244 = arith.addi %mul3A_214, %add3A_240 : vector<16xi32>
            %max3A_245 = arith.maximumf %gather3A_242, %gather3A_243 : vector<16xf32>
            tpu.vector_store_idx %arg6[%add3A_244], %max3A_245 : memref<65536xf32, #tpu.memory_space<vmem>>[vector<16xi32>], vector<16xf32>,
            %add3A_246 = arith.constant 64 : i32
            %add3A_247 = vector.broadcast %add3A_246 : i32 to vector<16xi32>
            %add3A_248 = arith.addi %add3A_247, %iota3A : vector<16xi32>
            %add3A_249 = arith.addi %mul3A_214, %add3A_248 : vector<16xi32>
            %gather3A_250 = tpu.vector_load_idx %arg6[%add3A_249] : memref<65536xf32, #tpu.memory_space<vmem>>[vector<16xi32>], vector<16xf32>,
            %gather3A_251 = tpu.vector_load_idx %arg11[%broadcast_in_dim3A_195, %broadcast_in_dim3A_207, %add3A_248] : memref<2x128x128xf32, #tpu.memory_space<vmem>>[vector<16xi32>, vector<16xi32>, vector<16xi32>], vector<16xf32>,
            %add3A_252 = arith.addi %mul3A_214, %add3A_248 : vector<16xi32>
            %max3A_253 = arith.maximumf %gather3A_250, %gather3A_251 : vector<16xf32>
            tpu.vector_store_idx %arg6[%add3A_252], %max3A_253 : memref<65536xf32, #tpu.memory_space<vmem>>[vector<16xi32>], vector<16xf32>,
            %add3A_254 = arith.constant 80 : i32
            %add3A_255 = vector.broadcast %add3A_254 : i32 to vector<16xi32>
            %add3A_256 = arith.addi %add3A_255, %iota3A : vector<16xi32>
            %add3A_257 = arith.addi %mul3A_214, %add3A_256 : vector<16xi32>
            %gather3A_258 = tpu.vector_load_idx %arg6[%add3A_257] : memref<65536xf32, #tpu.memory_space<vmem>>[vector<16xi32>], vector<16xf32>,
            %gather3A_259 = tpu.vector_load_idx %arg11[%broadcast_in_dim3A_195, %broadcast_in_dim3A_207, %add3A_256] : memref<2x128x128xf32, #tpu.memory_space<vmem>>[vector<16xi32>, vector<16xi32>, vector<16xi32>], vector<16xf32>,
            %add3A_260 = arith.addi %mul3A_214, %add3A_256 : vector<16xi32>
            %max3A_261 = arith.maximumf %gather3A_258, %gather3A_259 : vector<16xf32>
            tpu.vector_store_idx %arg6[%add3A_260], %max3A_261 : memref<65536xf32, #tpu.memory_space<vmem>>[vector<16xi32>], vector<16xf32>,
            %add3A_262 = arith.constant 96 : i32
            %add3A_263 = vector.broadcast %add3A_262 : i32 to vector<16xi32>
            %add3A_264 = arith.addi %add3A_263, %iota3A : vector<16xi32>
            %add3A_265 = arith.addi %mul3A_214, %add3A_264 : vector<16xi32>
            %gather3A_266 = tpu.vector_load_idx %arg6[%add3A_265] : memref<65536xf32, #tpu.memory_space<vmem>>[vector<16xi32>], vector<16xf32>,
            %gather3A_267 = tpu.vector_load_idx %arg11[%broadcast_in_dim3A_195, %broadcast_in_dim3A_207, %add3A_264] : memref<2x128x128xf32, #tpu.memory_space<vmem>>[vector<16xi32>, vector<16xi32>, vector<16xi32>], vector<16xf32>,
            %add3A_268 = arith.addi %mul3A_214, %add3A_264 : vector<16xi32>
            %max3A_269 = arith.maximumf %gather3A_266, %gather3A_267 : vector<16xf32>
            tpu.vector_store_idx %arg6[%add3A_268], %max3A_269 : memref<65536xf32, #tpu.memory_space<vmem>>[vector<16xi32>], vector<16xf32>,
            %add3A_270 = arith.constant 112 : i32
            %add3A_271 = vector.broadcast %add3A_270 : i32 to vector<16xi32>
            %add3A_272 = arith.addi %add3A_271, %iota3A : vector<16xi32>
            %add3A_273 = arith.addi %mul3A_214, %add3A_272 : vector<16xi32>
            %gather3A_274 = tpu.vector_load_idx %arg6[%add3A_273] : memref<65536xf32, #tpu.memory_space<vmem>>[vector<16xi32>], vector<16xf32>,
            %gather3A_275 = tpu.vector_load_idx %arg11[%broadcast_in_dim3A_195, %broadcast_in_dim3A_207, %add3A_272] : memref<2x128x128xf32, #tpu.memory_space<vmem>>[vector<16xi32>, vector<16xi32>, vector<16xi32>], vector<16xf32>,
            %add3A_276 = arith.addi %mul3A_214, %add3A_272 : vector<16xi32>
            %max3A_277 = arith.maximumf %gather3A_274, %gather3A_275 : vector<16xf32>
            tpu.vector_store_idx %arg6[%add3A_276], %max3A_277 : memref<65536xf32, #tpu.memory_space<vmem>>[vector<16xi32>], vector<16xf32>,
          }
          %while3A_205 = arith.constant 1 : i32
          scf.for %while3A_206 = %while3A_203 to %while3A_199 step %while3A_205  : i32 {
            %broadcast_in_dim3A_207 = vector.broadcast %while3A_206 : i32 to vector<16xi32>
            %mul3A_208 = arith.constant 128 : i32
            %mul3A_209 = vector.broadcast %mul3A_208 : i32 to vector<16xi32>
            %mul3A_210 = arith.muli %broadcast_in_dim3A_195, %mul3A_209 : vector<16xi32>
            %add3A_211 = arith.addi %mul3A_210, %broadcast_in_dim3A_207 : vector<16xi32>
            %gather3A = tpu.vector_load_idx %arg10[%add3A_211] : memref<256xi32, #tpu.memory_space<vmem>>[vector<16xi32>], vector<16xi32>,
            %mul3A_212 = arith.constant 128 : i32
            %mul3A_213 = vector.broadcast %mul3A_212 : i32 to vector<16xi32>
            %mul3A_214 = arith.muli %gather3A, %mul3A_213 : vector<16xi32>
            %add3A_215 = arith.constant 0 : i32
            %add3A_216 = vector.broadcast %add3A_215 : i32 to vector<16xi32>
            %add3A_217 = arith.addi %add3A_216, %iota3A : vector<16xi32>
            %add3A_218 = arith.addi %mul3A_214, %add3A_217 : vector<16xi32>
            %gather3A_219 = tpu.vector_load_idx %arg6[%add3A_218] : memref<65536xf32, #tpu.memory_space<vmem>>[vector<16xi32>], vector<16xf32>,
            %gather3A_220 = tpu.vector_load_idx %arg11[%broadcast_in_dim3A_195, %broadcast_in_dim3A_207, %add3A_217] : memref<2x128x128xf32, #tpu.memory_space<vmem>>[vector<16xi32>, vector<16xi32>, vector<16xi32>], vector<16xf32>,
            %add3A_221 = arith.addi %mul3A_214, %add3A_217 : vector<16xi32>
            %max3A = arith.maximumf %gather3A_219, %gather3A_220 : vector<16xf32>
            tpu.vector_store_idx %arg6[%add3A_221], %max3A : memref<65536xf32, #tpu.memory_space<vmem>>[vector<16xi32>], vector<16xf32>,
            %add3A_222 = arith.constant 16 : i32
            %add3A_223 = vector.broadcast %add3A_222 : i32 to vector<16xi32>
            %add3A_224 = arith.addi %add3A_223, %iota3A : vector<16xi32>
            %add3A_225 = arith.addi %mul3A_214, %add3A_224 : vector<16xi32>
            %gather3A_226 = tpu.vector_load_idx %arg6[%add3A_225] : memref<65536xf32, #tpu.memory_space<vmem>>[vector<16xi32>], vector<16xf32>,
            %gather3A_227 = tpu.vector_load_idx %arg11[%broadcast_in_dim3A_195, %broadcast_in_dim3A_207, %add3A_224] : memref<2x128x128xf32, #tpu.memory_space<vmem>>[vector<16xi32>, vector<16xi32>, vector<16xi32>], vector<16xf32>,
            %add3A_228 = arith.addi %mul3A_214, %add3A_224 : vector<16xi32>
            %max3A_229 = arith.maximumf %gather3A_226, %gather3A_227 : vector<16xf32>
            tpu.vector_store_idx %arg6[%add3A_228], %max3A_229 : memref<65536xf32, #tpu.memory_space<vmem>>[vector<16xi32>], vector<16xf32>,
            %add3A_230 = arith.constant 32 : i32
            %add3A_231 = vector.broadcast %add3A_230 : i32 to vector<16xi32>
            %add3A_232 = arith.addi %add3A_231, %iota3A : vector<16xi32>
            %add3A_233 = arith.addi %mul3A_214, %add3A_232 : vector<16xi32>
            %gather3A_234 = tpu.vector_load_idx %arg6[%add3A_233] : memref<65536xf32, #tpu.memory_space<vmem>>[vector<16xi32>], vector<16xf32>,
            %gather3A_235 = tpu.vector_load_idx %arg11[%broadcast_in_dim3A_195, %broadcast_in_dim3A_207, %add3A_232] : memref<2x128x128xf32, #tpu.memory_space<vmem>>[vector<16xi32>, vector<16xi32>, vector<16xi32>], vector<16xf32>,
            %add3A_236 = arith.addi %mul3A_214, %add3A_232 : vector<16xi32>
            %max3A_237 = arith.maximumf %gather3A_234, %gather3A_235 : vector<16xf32>
            tpu.vector_store_idx %arg6[%add3A_236], %max3A_237 : memref<65536xf32, #tpu.memory_space<vmem>>[vector<16xi32>], vector<16xf32>,
            %add3A_238 = arith.constant 48 : i32
            %add3A_239 = vector.broadcast %add3A_238 : i32 to vector<16xi32>
            %add3A_240 = arith.addi %add3A_239, %iota3A : vector<16xi32>
            %add3A_241 = arith.addi %mul3A_214, %add3A_240 : vector<16xi32>
            %gather3A_242 = tpu.vector_load_idx %arg6[%add3A_241] : memref<65536xf32, #tpu.memory_space<vmem>>[vector<16xi32>], vector<16xf32>,
            %gather3A_243 = tpu.vector_load_idx %arg11[%broadcast_in_dim3A_195, %broadcast_in_dim3A_207, %add3A_240] : memref<2x128x128xf32, #tpu.memory_space<vmem>>[vector<16xi32>, vector<16xi32>, vector<16xi32>], vector<16xf32>,
            %add3A_244 = arith.addi %mul3A_214, %add3A_240 : vector<16xi32>
            %max3A_245 = arith.maximumf %gather3A_242, %gather3A_243 : vector<16xf32>
            tpu.vector_store_idx %arg6[%add3A_244], %max3A_245 : memref<65536xf32, #tpu.memory_space<vmem>>[vector<16xi32>], vector<16xf32>,
            %add3A_246 = arith.constant 64 : i32
            %add3A_247 = vector.broadcast %add3A_246 : i32 to vector<16xi32>
            %add3A_248 = arith.addi %add3A_247, %iota3A : vector<16xi32>
            %add3A_249 = arith.addi %mul3A_214, %add3A_248 : vector<16xi32>
            %gather3A_250 = tpu.vector_load_idx %arg6[%add3A_249] : memref<65536xf32, #tpu.memory_space<vmem>>[vector<16xi32>], vector<16xf32>,
            %gather3A_251 = tpu.vector_load_idx %arg11[%broadcast_in_dim3A_195, %broadcast_in_dim3A_207, %add3A_248] : memref<2x128x128xf32, #tpu.memory_space<vmem>>[vector<16xi32>, vector<16xi32>, vector<16xi32>], vector<16xf32>,
            %add3A_252 = arith.addi %mul3A_214, %add3A_248 : vector<16xi32>
            %max3A_253 = arith.maximumf %gather3A_250, %gather3A_251 : vector<16xf32>
            tpu.vector_store_idx %arg6[%add3A_252], %max3A_253 : memref<65536xf32, #tpu.memory_space<vmem>>[vector<16xi32>], vector<16xf32>,
            %add3A_254 = arith.constant 80 : i32
            %add3A_255 = vector.broadcast %add3A_254 : i32 to vector<16xi32>
            %add3A_256 = arith.addi %add3A_255, %iota3A : vector<16xi32>
            %add3A_257 = arith.addi %mul3A_214, %add3A_256 : vector<16xi32>
            %gather3A_258 = tpu.vector_load_idx %arg6[%add3A_257] : memref<65536xf32, #tpu.memory_space<vmem>>[vector<16xi32>], vector<16xf32>,
            %gather3A_259 = tpu.vector_load_idx %arg11[%broadcast_in_dim3A_195, %broadcast_in_dim3A_207, %add3A_256] : memref<2x128x128xf32, #tpu.memory_space<vmem>>[vector<16xi32>, vector<16xi32>, vector<16xi32>], vector<16xf32>,
            %add3A_260 = arith.addi %mul3A_214, %add3A_256 : vector<16xi32>
            %max3A_261 = arith.maximumf %gather3A_258, %gather3A_259 : vector<16xf32>
            tpu.vector_store_idx %arg6[%add3A_260], %max3A_261 : memref<65536xf32, #tpu.memory_space<vmem>>[vector<16xi32>], vector<16xf32>,
            %add3A_262 = arith.constant 96 : i32
            %add3A_263 = vector.broadcast %add3A_262 : i32 to vector<16xi32>
            %add3A_264 = arith.addi %add3A_263, %iota3A : vector<16xi32>
            %add3A_265 = arith.addi %mul3A_214, %add3A_264 : vector<16xi32>
            %gather3A_266 = tpu.vector_load_idx %arg6[%add3A_265] : memref<65536xf32, #tpu.memory_space<vmem>>[vector<16xi32>], vector<16xf32>,
            %gather3A_267 = tpu.vector_load_idx %arg11[%broadcast_in_dim3A_195, %broadcast_in_dim3A_207, %add3A_264] : memref<2x128x128xf32, #tpu.memory_space<vmem>>[vector<16xi32>, vector<16xi32>, vector<16xi32>], vector<16xf32>,
            %add3A_268 = arith.addi %mul3A_214, %add3A_264 : vector<16xi32>
            %max3A_269 = arith.maximumf %gather3A_266, %gather3A_267 : vector<16xf32>
            tpu.vector_store_idx %arg6[%add3A_268], %max3A_269 : memref<65536xf32, #tpu.memory_space<vmem>>[vector<16xi32>], vector<16xf32>,
            %add3A_270 = arith.constant 112 : i32
            %add3A_271 = vector.broadcast %add3A_270 : i32 to vector<16xi32>
            %add3A_272 = arith.addi %add3A_271, %iota3A : vector<16xi32>
            %add3A_273 = arith.addi %mul3A_214, %add3A_272 : vector<16xi32>
            %gather3A_274 = tpu.vector_load_idx %arg6[%add3A_273] : memref<65536xf32, #tpu.memory_space<vmem>>[vector<16xi32>], vector<16xf32>,
            %gather3A_275 = tpu.vector_load_idx %arg11[%broadcast_in_dim3A_195, %broadcast_in_dim3A_207, %add3A_272] : memref<2x128x128xf32, #tpu.memory_space<vmem>>[vector<16xi32>, vector<16xi32>, vector<16xi32>], vector<16xf32>,
            %add3A_276 = arith.addi %mul3A_214, %add3A_272 : vector<16xi32>
            %max3A_277 = arith.maximumf %gather3A_274, %gather3A_275 : vector<16xf32>
            tpu.vector_store_idx %arg6[%add3A_276], %max3A_277 : memref<65536xf32, #tpu.memory_space<vmem>>[vector<16xi32>], vector<16xf32>,
          }
        }
        %while3A_171 = arith.constant 1 : i32
        scf.for %while3A_172 = %while3A_169 to %while3A_165 step %while3A_171  : i32 {
          %and3A_173 = arith.constant 1 : i32
          %and3A_174 = arith.andi %while3A_172, %and3A_173 : i32
          %mul3A_175 = arith.constant 128 : i32
          %mul3A_176 = arith.muli %while3A_172, %mul3A_175 : i32
          %sub3A_177 = arith.subi %reduce_max3A_151, %mul3A_176 : i32
          %min3A = arith.constant 128 : i32
          %min3A_178 = arith.minsi %sub3A_177, %min3A : i32
          %mul3A_179 = arith.constant 128 : i32
          %mul3A_180 = arith.muli %and3A_174, %mul3A_179 : i32
          %multiple_of3A_181 = tpu.assume_multiple %mul3A_180, 8 : i32
          %dma_wait3A = arith.constant 0 : i32
          %dma_wait3A_182 = arith.constant 0 : i32
          %dma_wait3A_183 = tpu.memref_slice %arg11[%and3A_174, %dma_wait3A, %dma_wait3A_182] : memref<2x128x128xf32, #tpu.memory_space<vmem>> -> memref<1x128x128xf32, #tpu.memory_space<vmem>>
          %dma_wait3A_184 = tpu.memref_squeeze %dma_wait3A_183 : memref<1x128x128xf32, #tpu.memory_space<vmem>> -> memref<128x128xf32, #tpu.memory_space<vmem>>
          %dma_wait3A_185 = tpu.memref_slice %arg9[%multiple_of3A_181] : memref<256xi32, #tpu.memory_space<vmem>> -> memref<128xi32, #tpu.memory_space<vmem>>
          %dma_wait3A_186 = arith.constant 0 : i32
          %dma_wait3A_187 = arith.constant 0 : i32
          %dma_wait3A_188 = tpu.memref_slice %arg2[%dma_wait3A_186, %dma_wait3A_187] : memref<400000x128xf32, #tpu.memory_space<hbm>> -> memref<400000x128xf32, #tpu.memory_space<hbm>>
          tpu.wait_indirect_dma semaphore(%arg14 : memref<!tpu.dma_semaphore, #tpu.memory_space<semaphore_mem>>) src(%dma_wait3A_188 : memref<400000x128xf32, #tpu.memory_space<hbm>>) dst(%dma_wait3A_184 : memref<128x128xf32, #tpu.memory_space<vmem>>)
          %add3A_189 = arith.constant 1 : i32
          %add3A_190 = arith.addi %while3A_172, %add3A_189 : i32
          %lt3A_191 = arith.cmpi slt, %add3A_190, %shift_right_logical3A_157 : i32
          %convert_element_type3A_192 = arith.extui %lt3A_191 : i1 to i32
          %cond3A_193 = arith.constant 0 : i32
          %cond3A_194 = arith.cmpi ne, %convert_element_type3A_192, %cond3A_193 : i32
          scf.if %cond3A_194 {
            %add3A_206 = arith.constant 1 : i32
            %add3A_207 = arith.addi %while3A_172, %add3A_206 : i32
            %sub3A_208 = arith.constant 1 : i32
            %sub3A_209 = arith.subi %sub3A_208, %and3A_174 : i32
            %mul3A_210 = arith.constant 128 : i32
            %mul3A_211 = arith.muli %add3A_207, %mul3A_210 : i32
            %sub3A_212 = arith.subi %reduce_max3A_151, %mul3A_211 : i32
            %min3A_213 = arith.constant 128 : i32
            %min3A_214 = arith.minsi %sub3A_212, %min3A_213 : i32
            %broadcast_in_dim3A_215 = vector.broadcast %sub3A_209 : i32 to vector<16xi32>
            %scan3A_216 = arith.constant 0 : i32
            %scan3A_217 = arith.constant 0 : i32
            %scan3A_218 = arith.constant 8 : i32
            %scan3A_219 = arith.addi %scan3A_217, %scan3A_218 : i32
            %scan3A_220 = arith.constant 1 : i32
            scf.for %scan3A_234 = %scan3A_217 to %scan3A_219 step %scan3A_220  : i32 {
              %mul3A_235 = arith.constant 16 : i32
              %mul3A_236 = arith.muli %scan3A_234, %mul3A_235 : i32
              %add3A_237 = vector.broadcast %mul3A_236 : i32 to vector<16xi32>
              %add3A_238 = arith.addi %add3A_237, %iota3A : vector<16xi32>
              %add3A_239 = vector.broadcast %mul3A_211 : i32 to vector<16xi32>
              %add3A_240 = arith.addi %add3A_239, %add3A_238 : vector<16xi32>
              %gather3A = tpu.vector_load_idx %arg8[%add3A_240] : memref<8192xi32, #tpu.memory_space<vmem>>[vector<16xi32>], vector<16xi32>,
              %and3A_241 = arith.constant 524287 : i32
              %and3A_242 = vector.broadcast %and3A_241 : i32 to vector<16xi32>
              %and3A_243 = arith.andi %gather3A, %and3A_242 : vector<16xi32>
              %min3A_244 = arith.constant 399999 : i32
              %min3A_245 = vector.broadcast %min3A_244 : i32 to vector<16xi32>
              %min3A_246 = arith.minsi %and3A_243, %min3A_245 : vector<16xi32>
              %shift_right_logical3A_247 = arith.constant 19 : i32
              %shift_right_logical3A_248 = vector.broadcast %shift_right_logical3A_247 : i32 to vector<16xi32>
              %shift_right_logical3A_249 = arith.shrui %gather3A, %shift_right_logical3A_248 : vector<16xi32>
              %mul3A_250 = arith.constant 128 : i32
              %mul3A_251 = vector.broadcast %mul3A_250 : i32 to vector<16xi32>
              %mul3A_252 = arith.muli %broadcast_in_dim3A_215, %mul3A_251 : vector<16xi32>
              %add3A_253 = arith.addi %mul3A_252, %add3A_238 : vector<16xi32>
              tpu.vector_store_idx %arg9[%add3A_253], %min3A_246 : memref<256xi32, #tpu.memory_space<vmem>>[vector<16xi32>], vector<16xi32>,
              %mul3A_254 = arith.constant 128 : i32
              %mul3A_255 = vector.broadcast %mul3A_254 : i32 to vector<16xi32>
              %mul3A_256 = arith.muli %broadcast_in_dim3A_215, %mul3A_255 : vector<16xi32>
              %add3A_257 = arith.addi %mul3A_256, %add3A_238 : vector<16xi32>
              tpu.vector_store_idx %arg10[%add3A_257], %shift_right_logical3A_249 : memref<256xi32, #tpu.memory_space<vmem>>[vector<16xi32>], vector<16xi32>,
              %lt3A_258 = vector.broadcast %min3A_214 : i32 to vector<16xi32>
              %lt3A_259 = arith.cmpi slt, %add3A_238, %lt3A_258 : vector<16xi32>
              tpu.vector_store_idx %arg12[%shift_right_logical3A_249], %broadcast_in_dim3A_7 masked %lt3A_259 {add = true} : memref<512xi32, #tpu.memory_space<vmem>>[vector<16xi32>], vector<16xi32>, vector<16xi1>
            }
            %scan3A_221 = arith.constant 8 : i32
            %sub3A_222 = arith.constant 1 : i32
            %sub3A_223 = arith.subi %sub3A_222, %and3A_174 : i32
            %mul3A_224 = arith.constant 128 : i32
            %mul3A_225 = arith.muli %sub3A_223, %mul3A_224 : i32
            %multiple_of3A_226 = tpu.assume_multiple %mul3A_225, 8 : i32
            %dma_start3A = arith.constant 0 : i32
            %dma_start3A_227 = arith.constant 0 : i32
            %dma_start3A_228 = tpu.memref_slice %arg11[%sub3A_223, %dma_start3A, %dma_start3A_227] : memref<2x128x128xf32, #tpu.memory_space<vmem>> -> memref<1x128x128xf32, #tpu.memory_space<vmem>>
            %dma_start3A_229 = tpu.memref_squeeze %dma_start3A_228 : memref<1x128x128xf32, #tpu.memory_space<vmem>> -> memref<128x128xf32, #tpu.memory_space<vmem>>
            %dma_start3A_230 = tpu.memref_slice %arg9[%multiple_of3A_226] : memref<256xi32, #tpu.memory_space<vmem>> -> memref<128xi32, #tpu.memory_space<vmem>>
            %dma_start3A_231 = arith.constant 0 : i32
            %dma_start3A_232 = arith.constant 0 : i32
            %dma_start3A_233 = tpu.memref_slice %arg2[%dma_start3A_231, %dma_start3A_232] : memref<400000x128xf32, #tpu.memory_space<hbm>> -> memref<400000x128xf32, #tpu.memory_space<hbm>>
            tpu.enqueue_indirect_dma source(%dma_start3A_233 : memref<400000x128xf32, #tpu.memory_space<hbm>>) target(%dma_start3A_229 : memref<128x128xf32, #tpu.memory_space<vmem>>) offsets(%dma_start3A_230 : memref<128xi32, #tpu.memory_space<vmem>>) semaphore(%arg14 : memref<!tpu.dma_semaphore, #tpu.memory_space<semaphore_mem>>)
          } else {
          }
          %broadcast_in_dim3A_195 = vector.broadcast %and3A_174 : i32 to vector<16xi32>
          %while3A_196 = arith.constant 0 : i32
          %while3A_197 = arith.constant 0 : i32
          %while3A_198 = arith.subi %min3A_178, %while3A_197 : i32
          %while3A_199 = arith.addi %while3A_197, %while3A_198 : i32
          %while3A_200 = arith.constant 1 : i32
          %while3A_201 = arith.divsi %while3A_198, %while3A_200 : i32
          %while3A_202 = arith.muli %while3A_201, %while3A_200 : i32
          %while3A_203 = arith.addi %while3A_197, %while3A_202 : i32
          %while3A_204 = arith.constant 1 : i32
          scf.for %while3A_206 = %while3A_197 to %while3A_203 step %while3A_204  : i32 {
            %broadcast_in_dim3A_207 = vector.broadcast %while3A_206 : i32 to vector<16xi32>
            %mul3A_208 = arith.constant 128 : i32
            %mul3A_209 = vector.broadcast %mul3A_208 : i32 to vector<16xi32>
            %mul3A_210 = arith.muli %broadcast_in_dim3A_195, %mul3A_209 : vector<16xi32>
            %add3A_211 = arith.addi %mul3A_210, %broadcast_in_dim3A_207 : vector<16xi32>
            %gather3A = tpu.vector_load_idx %arg10[%add3A_211] : memref<256xi32, #tpu.memory_space<vmem>>[vector<16xi32>], vector<16xi32>,
            %mul3A_212 = arith.constant 128 : i32
            %mul3A_213 = vector.broadcast %mul3A_212 : i32 to vector<16xi32>
            %mul3A_214 = arith.muli %gather3A, %mul3A_213 : vector<16xi32>
            %add3A_215 = arith.constant 0 : i32
            %add3A_216 = vector.broadcast %add3A_215 : i32 to vector<16xi32>
            %add3A_217 = arith.addi %add3A_216, %iota3A : vector<16xi32>
            %add3A_218 = arith.addi %mul3A_214, %add3A_217 : vector<16xi32>
            %gather3A_219 = tpu.vector_load_idx %arg6[%add3A_218] : memref<65536xf32, #tpu.memory_space<vmem>>[vector<16xi32>], vector<16xf32>,
            %gather3A_220 = tpu.vector_load_idx %arg11[%broadcast_in_dim3A_195, %broadcast_in_dim3A_207, %add3A_217] : memref<2x128x128xf32, #tpu.memory_space<vmem>>[vector<16xi32>, vector<16xi32>, vector<16xi32>], vector<16xf32>,
            %add3A_221 = arith.addi %mul3A_214, %add3A_217 : vector<16xi32>
            %max3A = arith.maximumf %gather3A_219, %gather3A_220 : vector<16xf32>
            tpu.vector_store_idx %arg6[%add3A_221], %max3A : memref<65536xf32, #tpu.memory_space<vmem>>[vector<16xi32>], vector<16xf32>,
            %add3A_222 = arith.constant 16 : i32
            %add3A_223 = vector.broadcast %add3A_222 : i32 to vector<16xi32>
            %add3A_224 = arith.addi %add3A_223, %iota3A : vector<16xi32>
            %add3A_225 = arith.addi %mul3A_214, %add3A_224 : vector<16xi32>
            %gather3A_226 = tpu.vector_load_idx %arg6[%add3A_225] : memref<65536xf32, #tpu.memory_space<vmem>>[vector<16xi32>], vector<16xf32>,
            %gather3A_227 = tpu.vector_load_idx %arg11[%broadcast_in_dim3A_195, %broadcast_in_dim3A_207, %add3A_224] : memref<2x128x128xf32, #tpu.memory_space<vmem>>[vector<16xi32>, vector<16xi32>, vector<16xi32>], vector<16xf32>,
            %add3A_228 = arith.addi %mul3A_214, %add3A_224 : vector<16xi32>
            %max3A_229 = arith.maximumf %gather3A_226, %gather3A_227 : vector<16xf32>
            tpu.vector_store_idx %arg6[%add3A_228], %max3A_229 : memref<65536xf32, #tpu.memory_space<vmem>>[vector<16xi32>], vector<16xf32>,
            %add3A_230 = arith.constant 32 : i32
            %add3A_231 = vector.broadcast %add3A_230 : i32 to vector<16xi32>
            %add3A_232 = arith.addi %add3A_231, %iota3A : vector<16xi32>
            %add3A_233 = arith.addi %mul3A_214, %add3A_232 : vector<16xi32>
            %gather3A_234 = tpu.vector_load_idx %arg6[%add3A_233] : memref<65536xf32, #tpu.memory_space<vmem>>[vector<16xi32>], vector<16xf32>,
            %gather3A_235 = tpu.vector_load_idx %arg11[%broadcast_in_dim3A_195, %broadcast_in_dim3A_207, %add3A_232] : memref<2x128x128xf32, #tpu.memory_space<vmem>>[vector<16xi32>, vector<16xi32>, vector<16xi32>], vector<16xf32>,
            %add3A_236 = arith.addi %mul3A_214, %add3A_232 : vector<16xi32>
            %max3A_237 = arith.maximumf %gather3A_234, %gather3A_235 : vector<16xf32>
            tpu.vector_store_idx %arg6[%add3A_236], %max3A_237 : memref<65536xf32, #tpu.memory_space<vmem>>[vector<16xi32>], vector<16xf32>,
            %add3A_238 = arith.constant 48 : i32
            %add3A_239 = vector.broadcast %add3A_238 : i32 to vector<16xi32>
            %add3A_240 = arith.addi %add3A_239, %iota3A : vector<16xi32>
            %add3A_241 = arith.addi %mul3A_214, %add3A_240 : vector<16xi32>
            %gather3A_242 = tpu.vector_load_idx %arg6[%add3A_241] : memref<65536xf32, #tpu.memory_space<vmem>>[vector<16xi32>], vector<16xf32>,
            %gather3A_243 = tpu.vector_load_idx %arg11[%broadcast_in_dim3A_195, %broadcast_in_dim3A_207, %add3A_240] : memref<2x128x128xf32, #tpu.memory_space<vmem>>[vector<16xi32>, vector<16xi32>, vector<16xi32>], vector<16xf32>,
            %add3A_244 = arith.addi %mul3A_214, %add3A_240 : vector<16xi32>
            %max3A_245 = arith.maximumf %gather3A_242, %gather3A_243 : vector<16xf32>
            tpu.vector_store_idx %arg6[%add3A_244], %max3A_245 : memref<65536xf32, #tpu.memory_space<vmem>>[vector<16xi32>], vector<16xf32>,
            %add3A_246 = arith.constant 64 : i32
            %add3A_247 = vector.broadcast %add3A_246 : i32 to vector<16xi32>
            %add3A_248 = arith.addi %add3A_247, %iota3A : vector<16xi32>
            %add3A_249 = arith.addi %mul3A_214, %add3A_248 : vector<16xi32>
            %gather3A_250 = tpu.vector_load_idx %arg6[%add3A_249] : memref<65536xf32, #tpu.memory_space<vmem>>[vector<16xi32>], vector<16xf32>,
            %gather3A_251 = tpu.vector_load_idx %arg11[%broadcast_in_dim3A_195, %broadcast_in_dim3A_207, %add3A_248] : memref<2x128x128xf32, #tpu.memory_space<vmem>>[vector<16xi32>, vector<16xi32>, vector<16xi32>], vector<16xf32>,
            %add3A_252 = arith.addi %mul3A_214, %add3A_248 : vector<16xi32>
            %max3A_253 = arith.maximumf %gather3A_250, %gather3A_251 : vector<16xf32>
            tpu.vector_store_idx %arg6[%add3A_252], %max3A_253 : memref<65536xf32, #tpu.memory_space<vmem>>[vector<16xi32>], vector<16xf32>,
            %add3A_254 = arith.constant 80 : i32
            %add3A_255 = vector.broadcast %add3A_254 : i32 to vector<16xi32>
            %add3A_256 = arith.addi %add3A_255, %iota3A : vector<16xi32>
            %add3A_257 = arith.addi %mul3A_214, %add3A_256 : vector<16xi32>
            %gather3A_258 = tpu.vector_load_idx %arg6[%add3A_257] : memref<65536xf32, #tpu.memory_space<vmem>>[vector<16xi32>], vector<16xf32>,
            %gather3A_259 = tpu.vector_load_idx %arg11[%broadcast_in_dim3A_195, %broadcast_in_dim3A_207, %add3A_256] : memref<2x128x128xf32, #tpu.memory_space<vmem>>[vector<16xi32>, vector<16xi32>, vector<16xi32>], vector<16xf32>,
            %add3A_260 = arith.addi %mul3A_214, %add3A_256 : vector<16xi32>
            %max3A_261 = arith.maximumf %gather3A_258, %gather3A_259 : vector<16xf32>
            tpu.vector_store_idx %arg6[%add3A_260], %max3A_261 : memref<65536xf32, #tpu.memory_space<vmem>>[vector<16xi32>], vector<16xf32>,
            %add3A_262 = arith.constant 96 : i32
            %add3A_263 = vector.broadcast %add3A_262 : i32 to vector<16xi32>
            %add3A_264 = arith.addi %add3A_263, %iota3A : vector<16xi32>
            %add3A_265 = arith.addi %mul3A_214, %add3A_264 : vector<16xi32>
            %gather3A_266 = tpu.vector_load_idx %arg6[%add3A_265] : memref<65536xf32, #tpu.memory_space<vmem>>[vector<16xi32>], vector<16xf32>,
            %gather3A_267 = tpu.vector_load_idx %arg11[%broadcast_in_dim3A_195, %broadcast_in_dim3A_207, %add3A_264] : memref<2x128x128xf32, #tpu.memory_space<vmem>>[vector<16xi32>, vector<16xi32>, vector<16xi32>], vector<16xf32>,
            %add3A_268 = arith.addi %mul3A_214, %add3A_264 : vector<16xi32>
            %max3A_269 = arith.maximumf %gather3A_266, %gather3A_267 : vector<16xf32>
            tpu.vector_store_idx %arg6[%add3A_268], %max3A_269 : memref<65536xf32, #tpu.memory_space<vmem>>[vector<16xi32>], vector<16xf32>,
            %add3A_270 = arith.constant 112 : i32
            %add3A_271 = vector.broadcast %add3A_270 : i32 to vector<16xi32>
            %add3A_272 = arith.addi %add3A_271, %iota3A : vector<16xi32>
            %add3A_273 = arith.addi %mul3A_214, %add3A_272 : vector<16xi32>
            %gather3A_274 = tpu.vector_load_idx %arg6[%add3A_273] : memref<65536xf32, #tpu.memory_space<vmem>>[vector<16xi32>], vector<16xf32>,
            %gather3A_275 = tpu.vector_load_idx %arg11[%broadcast_in_dim3A_195, %broadcast_in_dim3A_207, %add3A_272] : memref<2x128x128xf32, #tpu.memory_space<vmem>>[vector<16xi32>, vector<16xi32>, vector<16xi32>], vector<16xf32>,
            %add3A_276 = arith.addi %mul3A_214, %add3A_272 : vector<16xi32>
            %max3A_277 = arith.maximumf %gather3A_274, %gather3A_275 : vector<16xf32>
            tpu.vector_store_idx %arg6[%add3A_276], %max3A_277 : memref<65536xf32, #tpu.memory_space<vmem>>[vector<16xi32>], vector<16xf32>,
          }
          %while3A_205 = arith.constant 1 : i32
          scf.for %while3A_206 = %while3A_203 to %while3A_199 step %while3A_205  : i32 {
            %broadcast_in_dim3A_207 = vector.broadcast %while3A_206 : i32 to vector<16xi32>
            %mul3A_208 = arith.constant 128 : i32
            %mul3A_209 = vector.broadcast %mul3A_208 : i32 to vector<16xi32>
            %mul3A_210 = arith.muli %broadcast_in_dim3A_195, %mul3A_209 : vector<16xi32>
            %add3A_211 = arith.addi %mul3A_210, %broadcast_in_dim3A_207 : vector<16xi32>
            %gather3A = tpu.vector_load_idx %arg10[%add3A_211] : memref<256xi32, #tpu.memory_space<vmem>>[vector<16xi32>], vector<16xi32>,
            %mul3A_212 = arith.constant 128 : i32
            %mul3A_213 = vector.broadcast %mul3A_212 : i32 to vector<16xi32>
            %mul3A_214 = arith.muli %gather3A, %mul3A_213 : vector<16xi32>
            %add3A_215 = arith.constant 0 : i32
            %add3A_216 = vector.broadcast %add3A_215 : i32 to vector<16xi32>
            %add3A_217 = arith.addi %add3A_216, %iota3A : vector<16xi32>
            %add3A_218 = arith.addi %mul3A_214, %add3A_217 : vector<16xi32>
            %gather3A_219 = tpu.vector_load_idx %arg6[%add3A_218] : memref<65536xf32, #tpu.memory_space<vmem>>[vector<16xi32>], vector<16xf32>,
            %gather3A_220 = tpu.vector_load_idx %arg11[%broadcast_in_dim3A_195, %broadcast_in_dim3A_207, %add3A_217] : memref<2x128x128xf32, #tpu.memory_space<vmem>>[vector<16xi32>, vector<16xi32>, vector<16xi32>], vector<16xf32>,
            %add3A_221 = arith.addi %mul3A_214, %add3A_217 : vector<16xi32>
            %max3A = arith.maximumf %gather3A_219, %gather3A_220 : vector<16xf32>
            tpu.vector_store_idx %arg6[%add3A_221], %max3A : memref<65536xf32, #tpu.memory_space<vmem>>[vector<16xi32>], vector<16xf32>,
            %add3A_222 = arith.constant 16 : i32
            %add3A_223 = vector.broadcast %add3A_222 : i32 to vector<16xi32>
            %add3A_224 = arith.addi %add3A_223, %iota3A : vector<16xi32>
            %add3A_225 = arith.addi %mul3A_214, %add3A_224 : vector<16xi32>
            %gather3A_226 = tpu.vector_load_idx %arg6[%add3A_225] : memref<65536xf32, #tpu.memory_space<vmem>>[vector<16xi32>], vector<16xf32>,
            %gather3A_227 = tpu.vector_load_idx %arg11[%broadcast_in_dim3A_195, %broadcast_in_dim3A_207, %add3A_224] : memref<2x128x128xf32, #tpu.memory_space<vmem>>[vector<16xi32>, vector<16xi32>, vector<16xi32>], vector<16xf32>,
            %add3A_228 = arith.addi %mul3A_214, %add3A_224 : vector<16xi32>
            %max3A_229 = arith.maximumf %gather3A_226, %gather3A_227 : vector<16xf32>
            tpu.vector_store_idx %arg6[%add3A_228], %max3A_229 : memref<65536xf32, #tpu.memory_space<vmem>>[vector<16xi32>], vector<16xf32>,
            %add3A_230 = arith.constant 32 : i32
            %add3A_231 = vector.broadcast %add3A_230 : i32 to vector<16xi32>
            %add3A_232 = arith.addi %add3A_231, %iota3A : vector<16xi32>
            %add3A_233 = arith.addi %mul3A_214, %add3A_232 : vector<16xi32>
            %gather3A_234 = tpu.vector_load_idx %arg6[%add3A_233] : memref<65536xf32, #tpu.memory_space<vmem>>[vector<16xi32>], vector<16xf32>,
            %gather3A_235 = tpu.vector_load_idx %arg11[%broadcast_in_dim3A_195, %broadcast_in_dim3A_207, %add3A_232] : memref<2x128x128xf32, #tpu.memory_space<vmem>>[vector<16xi32>, vector<16xi32>, vector<16xi32>], vector<16xf32>,
            %add3A_236 = arith.addi %mul3A_214, %add3A_232 : vector<16xi32>
            %max3A_237 = arith.maximumf %gather3A_234, %gather3A_235 : vector<16xf32>
            tpu.vector_store_idx %arg6[%add3A_236], %max3A_237 : memref<65536xf32, #tpu.memory_space<vmem>>[vector<16xi32>], vector<16xf32>,
            %add3A_238 = arith.constant 48 : i32
            %add3A_239 = vector.broadcast %add3A_238 : i32 to vector<16xi32>
            %add3A_240 = arith.addi %add3A_239, %iota3A : vector<16xi32>
            %add3A_241 = arith.addi %mul3A_214, %add3A_240 : vector<16xi32>
            %gather3A_242 = tpu.vector_load_idx %arg6[%add3A_241] : memref<65536xf32, #tpu.memory_space<vmem>>[vector<16xi32>], vector<16xf32>,
            %gather3A_243 = tpu.vector_load_idx %arg11[%broadcast_in_dim3A_195, %broadcast_in_dim3A_207, %add3A_240] : memref<2x128x128xf32, #tpu.memory_space<vmem>>[vector<16xi32>, vector<16xi32>, vector<16xi32>], vector<16xf32>,
            %add3A_244 = arith.addi %mul3A_214, %add3A_240 : vector<16xi32>
            %max3A_245 = arith.maximumf %gather3A_242, %gather3A_243 : vector<16xf32>
            tpu.vector_store_idx %arg6[%add3A_244], %max3A_245 : memref<65536xf32, #tpu.memory_space<vmem>>[vector<16xi32>], vector<16xf32>,
            %add3A_246 = arith.constant 64 : i32
            %add3A_247 = vector.broadcast %add3A_246 : i32 to vector<16xi32>
            %add3A_248 = arith.addi %add3A_247, %iota3A : vector<16xi32>
            %add3A_249 = arith.addi %mul3A_214, %add3A_248 : vector<16xi32>
            %gather3A_250 = tpu.vector_load_idx %arg6[%add3A_249] : memref<65536xf32, #tpu.memory_space<vmem>>[vector<16xi32>], vector<16xf32>,
            %gather3A_251 = tpu.vector_load_idx %arg11[%broadcast_in_dim3A_195, %broadcast_in_dim3A_207, %add3A_248] : memref<2x128x128xf32, #tpu.memory_space<vmem>>[vector<16xi32>, vector<16xi32>, vector<16xi32>], vector<16xf32>,
            %add3A_252 = arith.addi %mul3A_214, %add3A_248 : vector<16xi32>
            %max3A_253 = arith.maximumf %gather3A_250, %gather3A_251 : vector<16xf32>
            tpu.vector_store_idx %arg6[%add3A_252], %max3A_253 : memref<65536xf32, #tpu.memory_space<vmem>>[vector<16xi32>], vector<16xf32>,
            %add3A_254 = arith.constant 80 : i32
            %add3A_255 = vector.broadcast %add3A_254 : i32 to vector<16xi32>
            %add3A_256 = arith.addi %add3A_255, %iota3A : vector<16xi32>
            %add3A_257 = arith.addi %mul3A_214, %add3A_256 : vector<16xi32>
            %gather3A_258 = tpu.vector_load_idx %arg6[%add3A_257] : memref<65536xf32, #tpu.memory_space<vmem>>[vector<16xi32>], vector<16xf32>,
            %gather3A_259 = tpu.vector_load_idx %arg11[%broadcast_in_dim3A_195, %broadcast_in_dim3A_207, %add3A_256] : memref<2x128x128xf32, #tpu.memory_space<vmem>>[vector<16xi32>, vector<16xi32>, vector<16xi32>], vector<16xf32>,
            %add3A_260 = arith.addi %mul3A_214, %add3A_256 : vector<16xi32>
            %max3A_261 = arith.maximumf %gather3A_258, %gather3A_259 : vector<16xf32>
            tpu.vector_store_idx %arg6[%add3A_260], %max3A_261 : memref<65536xf32, #tpu.memory_space<vmem>>[vector<16xi32>], vector<16xf32>,
            %add3A_262 = arith.constant 96 : i32
            %add3A_263 = vector.broadcast %add3A_262 : i32 to vector<16xi32>
            %add3A_264 = arith.addi %add3A_263, %iota3A : vector<16xi32>
            %add3A_265 = arith.addi %mul3A_214, %add3A_264 : vector<16xi32>
            %gather3A_266 = tpu.vector_load_idx %arg6[%add3A_265] : memref<65536xf32, #tpu.memory_space<vmem>>[vector<16xi32>], vector<16xf32>,
            %gather3A_267 = tpu.vector_load_idx %arg11[%broadcast_in_dim3A_195, %broadcast_in_dim3A_207, %add3A_264] : memref<2x128x128xf32, #tpu.memory_space<vmem>>[vector<16xi32>, vector<16xi32>, vector<16xi32>], vector<16xf32>,
            %add3A_268 = arith.addi %mul3A_214, %add3A_264 : vector<16xi32>
            %max3A_269 = arith.maximumf %gather3A_266, %gather3A_267 : vector<16xf32>
            tpu.vector_store_idx %arg6[%add3A_268], %max3A_269 : memref<65536xf32, #tpu.memory_space<vmem>>[vector<16xi32>], vector<16xf32>,
            %add3A_270 = arith.constant 112 : i32
            %add3A_271 = vector.broadcast %add3A_270 : i32 to vector<16xi32>
            %add3A_272 = arith.addi %add3A_271, %iota3A : vector<16xi32>
            %add3A_273 = arith.addi %mul3A_214, %add3A_272 : vector<16xi32>
            %gather3A_274 = tpu.vector_load_idx %arg6[%add3A_273] : memref<65536xf32, #tpu.memory_space<vmem>>[vector<16xi32>], vector<16xf32>,
            %gather3A_275 = tpu.vector_load_idx %arg11[%broadcast_in_dim3A_195, %broadcast_in_dim3A_207, %add3A_272] : memref<2x128x128xf32, #tpu.memory_space<vmem>>[vector<16xi32>, vector<16xi32>, vector<16xi32>], vector<16xf32>,
            %add3A_276 = arith.addi %mul3A_214, %add3A_272 : vector<16xi32>
            %max3A_277 = arith.maximumf %gather3A_274, %gather3A_275 : vector<16xf32>
            tpu.vector_store_idx %arg6[%add3A_276], %max3A_277 : memref<65536xf32, #tpu.memory_space<vmem>>[vector<16xi32>], vector<16xf32>,
          }
        }
        "tpu.trace_stop"() : () -> ()
      }
      %scan3A_43 = arith.constant 13 : i32
      %scan3A_44 = arith.constant 0 : i32
      %scan3A_45 = arith.constant 0 : i32
      %scan3A_46 = arith.constant 32 : i32
      %scan3A_47 = arith.addi %scan3A_45, %scan3A_46 : i32
      %scan3A_48 = arith.constant 1 : i32
      %scan3A_49 = scf.for %scan3A_74 = %scan3A_45 to %scan3A_47 step %scan3A_48 iter_args(%scan3A_75 = %scan3A_44) -> (i32)  : i32 {
        %mul3A_76 = arith.constant 16 : i32
        %mul3A_77 = arith.muli %scan3A_74, %mul3A_76 : i32
        %add3A_78 = vector.broadcast %mul3A_77 : i32 to vector<16xi32>
        %add3A_79 = arith.addi %add3A_78, %iota3A : vector<16xi32>
        %gather3A = tpu.vector_load_idx %arg12[%add3A_79] : memref<512xi32, #tpu.memory_space<vmem>>[vector<16xi32>], vector<16xi32>,
        %eq3A_80 = arith.constant 0 : i32
        %eq3A_81 = vector.broadcast %eq3A_80 : i32 to vector<16xi32>
        %eq3A_82 = arith.cmpi eq, %gather3A, %eq3A_81 : vector<16xi32>
        %jit3A = arith.constant 1 : i32
        %jit3A_83 = arith.constant 0 : i32
        %broadcast_in_dim3A_84 = vector.broadcast %jit3A : i32 to vector<16xi32>
        %broadcast_in_dim3A_85 = vector.broadcast %jit3A_83 : i32 to vector<16xi32>
        %select_n3A = arith.select %eq3A_82, %broadcast_in_dim3A_84, %broadcast_in_dim3A_85 : vector<16xi1>, vector<16xi32>
        %broadcast_in_dim3A_86 = arith.constant true
        %broadcast_in_dim3A_87 = vector.broadcast %broadcast_in_dim3A_86 : i1 to vector<16xi1>
        %masked_cumsum3A = tpu.scan <sum>, %select_n3A masked %broadcast_in_dim3A_87 : vector<16xi32>, vector<16xi1> -> vector<16xi32>
        %add3A_88 = vector.broadcast %scan3A_75 : i32 to vector<16xi32>
        %add3A_89 = arith.addi %add3A_88, %masked_cumsum3A : vector<16xi32>
        %sub3A = arith.constant 1 : i32
        %sub3A_90 = vector.broadcast %sub3A : i32 to vector<16xi32>
        %sub3A_91 = arith.subi %add3A_89, %sub3A_90 : vector<16xi32>
        %mul3A_92 = arith.constant 16 : i32
        %mul3A_93 = arith.muli %scan3A_74, %mul3A_92 : i32
        %add3A_94 = vector.broadcast %mul3A_93 : i32 to vector<16xi32>
        %add3A_95 = arith.addi %add3A_94, %iota3A : vector<16xi32>
        tpu.vector_store_idx %arg8[%sub3A_91], %add3A_95 masked %eq3A_82 : memref<8192xi32, #tpu.memory_space<vmem>>[vector<16xi32>], vector<16xi32>, vector<16xi1>
        %reduce_max3A = arith.constant true
        %reduce_max3A_96 = vector.broadcast %reduce_max3A : i1 to vector<16xi1>
        %reduce_max3A_97 = arith.constant -2147483648 : i32
        %reduce_max3A_98 = vector.broadcast %reduce_max3A_97 : i32 to vector<16xi32>
        %reduce_max3A_99 = arith.xori %masked_cumsum3A, %reduce_max3A_98 : vector<16xi32>
        %reduce_max3A_100 = tpu.scan <max>, %reduce_max3A_99 masked %reduce_max3A_96 : vector<16xi32>, vector<16xi1> -> vector<16xi32>
        %reduce_max3A_101 = arith.xori %reduce_max3A_100, %reduce_max3A_98 : vector<16xi32>
        %reduce_max3A_102 = vector.extract %reduce_max3A_101[15] : i32 from vector<16xi32>
        %add3A_103 = arith.addi %scan3A_75, %reduce_max3A_102 : i32
        scf.yield %add3A_103 : i32
      }
      %scan3A_50 = arith.constant 32 : i32
      %while3A = arith.constant 0 : i32
      %while3A_51 = arith.constant 0 : i32
      %while3A_52 = arith.subi %scan3A_49, %while3A_51 : i32
      %while3A_53 = arith.addi %while3A_51, %while3A_52 : i32
      %while3A_54 = arith.constant 1 : i32
      %while3A_55 = arith.divsi %while3A_52, %while3A_54 : i32
      %while3A_56 = arith.muli %while3A_55, %while3A_54 : i32
      %while3A_57 = arith.addi %while3A_51, %while3A_56 : i32
      %while3A_58 = arith.constant 1 : i32
      scf.for %while3A_74 = %while3A_51 to %while3A_57 step %while3A_58  : i32 {
        %broadcast_in_dim3A_75 = vector.broadcast %while3A_74 : i32 to vector<16xi32>
        %gather3A = tpu.vector_load_idx %arg8[%broadcast_in_dim3A_75] : memref<8192xi32, #tpu.memory_space<vmem>>[vector<16xi32>], vector<16xi32>,
        %mul3A_76 = arith.constant 128 : i32
        %mul3A_77 = vector.broadcast %mul3A_76 : i32 to vector<16xi32>
        %mul3A_78 = arith.muli %gather3A, %mul3A_77 : vector<16xi32>
        %add3A_79 = arith.constant 0 : i32
        %add3A_80 = vector.broadcast %add3A_79 : i32 to vector<16xi32>
        %add3A_81 = arith.addi %mul3A_78, %add3A_80 : vector<16xi32>
        %add3A_82 = arith.addi %add3A_81, %iota3A : vector<16xi32>
        tpu.vector_store_idx %arg6[%add3A_82], %broadcast_in_dim3A_3 : memref<65536xf32, #tpu.memory_space<vmem>>[vector<16xi32>], vector<16xf32>,
        %add3A_83 = arith.constant 16 : i32
        %add3A_84 = vector.broadcast %add3A_83 : i32 to vector<16xi32>
        %add3A_85 = arith.addi %mul3A_78, %add3A_84 : vector<16xi32>
        %add3A_86 = arith.addi %add3A_85, %iota3A : vector<16xi32>
        tpu.vector_store_idx %arg6[%add3A_86], %broadcast_in_dim3A_3 : memref<65536xf32, #tpu.memory_space<vmem>>[vector<16xi32>], vector<16xf32>,
        %add3A_87 = arith.constant 32 : i32
        %add3A_88 = vector.broadcast %add3A_87 : i32 to vector<16xi32>
        %add3A_89 = arith.addi %mul3A_78, %add3A_88 : vector<16xi32>
        %add3A_90 = arith.addi %add3A_89, %iota3A : vector<16xi32>
        tpu.vector_store_idx %arg6[%add3A_90], %broadcast_in_dim3A_3 : memref<65536xf32, #tpu.memory_space<vmem>>[vector<16xi32>], vector<16xf32>,
        %add3A_91 = arith.constant 48 : i32
        %add3A_92 = vector.broadcast %add3A_91 : i32 to vector<16xi32>
        %add3A_93 = arith.addi %mul3A_78, %add3A_92 : vector<16xi32>
        %add3A_94 = arith.addi %add3A_93, %iota3A : vector<16xi32>
        tpu.vector_store_idx %arg6[%add3A_94], %broadcast_in_dim3A_3 : memref<65536xf32, #tpu.memory_space<vmem>>[vector<16xi32>], vector<16xf32>,
        %add3A_95 = arith.constant 64 : i32
        %add3A_96 = vector.broadcast %add3A_95 : i32 to vector<16xi32>
        %add3A_97 = arith.addi %mul3A_78, %add3A_96 : vector<16xi32>
        %add3A_98 = arith.addi %add3A_97, %iota3A : vector<16xi32>
        tpu.vector_store_idx %arg6[%add3A_98], %broadcast_in_dim3A_3 : memref<65536xf32, #tpu.memory_space<vmem>>[vector<16xi32>], vector<16xf32>,
        %add3A_99 = arith.constant 80 : i32
        %add3A_100 = vector.broadcast %add3A_99 : i32 to vector<16xi32>
        %add3A_101 = arith.addi %mul3A_78, %add3A_100 : vector<16xi32>
        %add3A_102 = arith.addi %add3A_101, %iota3A : vector<16xi32>
        tpu.vector_store_idx %arg6[%add3A_102], %broadcast_in_dim3A_3 : memref<65536xf32, #tpu.memory_space<vmem>>[vector<16xi32>], vector<16xf32>,
        %add3A_103 = arith.constant 96 : i32
        %add3A_104 = vector.broadcast %add3A_103 : i32 to vector<16xi32>
        %add3A_105 = arith.addi %mul3A_78, %add3A_104 : vector<16xi32>
        %add3A_106 = arith.addi %add3A_105, %iota3A : vector<16xi32>
        tpu.vector_store_idx %arg6[%add3A_106], %broadcast_in_dim3A_3 : memref<65536xf32, #tpu.memory_space<vmem>>[vector<16xi32>], vector<16xf32>,
        %add3A_107 = arith.constant 112 : i32
        %add3A_108 = vector.broadcast %add3A_107 : i32 to vector<16xi32>
        %add3A_109 = arith.addi %mul3A_78, %add3A_108 : vector<16xi32>
        %add3A_110 = arith.addi %add3A_109, %iota3A : vector<16xi32>
        tpu.vector_store_idx %arg6[%add3A_110], %broadcast_in_dim3A_3 : memref<65536xf32, #tpu.memory_space<vmem>>[vector<16xi32>], vector<16xf32>,
      }
      %while3A_59 = arith.constant 1 : i32
      scf.for %while3A_74 = %while3A_57 to %while3A_53 step %while3A_59  : i32 {
        %broadcast_in_dim3A_75 = vector.broadcast %while3A_74 : i32 to vector<16xi32>
        %gather3A = tpu.vector_load_idx %arg8[%broadcast_in_dim3A_75] : memref<8192xi32, #tpu.memory_space<vmem>>[vector<16xi32>], vector<16xi32>,
        %mul3A_76 = arith.constant 128 : i32
        %mul3A_77 = vector.broadcast %mul3A_76 : i32 to vector<16xi32>
        %mul3A_78 = arith.muli %gather3A, %mul3A_77 : vector<16xi32>
        %add3A_79 = arith.constant 0 : i32
        %add3A_80 = vector.broadcast %add3A_79 : i32 to vector<16xi32>
        %add3A_81 = arith.addi %mul3A_78, %add3A_80 : vector<16xi32>
        %add3A_82 = arith.addi %add3A_81, %iota3A : vector<16xi32>
        tpu.vector_store_idx %arg6[%add3A_82], %broadcast_in_dim3A_3 : memref<65536xf32, #tpu.memory_space<vmem>>[vector<16xi32>], vector<16xf32>,
        %add3A_83 = arith.constant 16 : i32
        %add3A_84 = vector.broadcast %add3A_83 : i32 to vector<16xi32>
        %add3A_85 = arith.addi %mul3A_78, %add3A_84 : vector<16xi32>
        %add3A_86 = arith.addi %add3A_85, %iota3A : vector<16xi32>
        tpu.vector_store_idx %arg6[%add3A_86], %broadcast_in_dim3A_3 : memref<65536xf32, #tpu.memory_space<vmem>>[vector<16xi32>], vector<16xf32>,
        %add3A_87 = arith.constant 32 : i32
        %add3A_88 = vector.broadcast %add3A_87 : i32 to vector<16xi32>
        %add3A_89 = arith.addi %mul3A_78, %add3A_88 : vector<16xi32>
        %add3A_90 = arith.addi %add3A_89, %iota3A : vector<16xi32>
        tpu.vector_store_idx %arg6[%add3A_90], %broadcast_in_dim3A_3 : memref<65536xf32, #tpu.memory_space<vmem>>[vector<16xi32>], vector<16xf32>,
        %add3A_91 = arith.constant 48 : i32
        %add3A_92 = vector.broadcast %add3A_91 : i32 to vector<16xi32>
        %add3A_93 = arith.addi %mul3A_78, %add3A_92 : vector<16xi32>
        %add3A_94 = arith.addi %add3A_93, %iota3A : vector<16xi32>
        tpu.vector_store_idx %arg6[%add3A_94], %broadcast_in_dim3A_3 : memref<65536xf32, #tpu.memory_space<vmem>>[vector<16xi32>], vector<16xf32>,
        %add3A_95 = arith.constant 64 : i32
        %add3A_96 = vector.broadcast %add3A_95 : i32 to vector<16xi32>
        %add3A_97 = arith.addi %mul3A_78, %add3A_96 : vector<16xi32>
        %add3A_98 = arith.addi %add3A_97, %iota3A : vector<16xi32>
        tpu.vector_store_idx %arg6[%add3A_98], %broadcast_in_dim3A_3 : memref<65536xf32, #tpu.memory_space<vmem>>[vector<16xi32>], vector<16xf32>,
        %add3A_99 = arith.constant 80 : i32
        %add3A_100 = vector.broadcast %add3A_99 : i32 to vector<16xi32>
        %add3A_101 = arith.addi %mul3A_78, %add3A_100 : vector<16xi32>
        %add3A_102 = arith.addi %add3A_101, %iota3A : vector<16xi32>
        tpu.vector_store_idx %arg6[%add3A_102], %broadcast_in_dim3A_3 : memref<65536xf32, #tpu.memory_space<vmem>>[vector<16xi32>], vector<16xf32>,
        %add3A_103 = arith.constant 96 : i32
        %add3A_104 = vector.broadcast %add3A_103 : i32 to vector<16xi32>
        %add3A_105 = arith.addi %mul3A_78, %add3A_104 : vector<16xi32>
        %add3A_106 = arith.addi %add3A_105, %iota3A : vector<16xi32>
        tpu.vector_store_idx %arg6[%add3A_106], %broadcast_in_dim3A_3 : memref<65536xf32, #tpu.memory_space<vmem>>[vector<16xi32>], vector<16xf32>,
        %add3A_107 = arith.constant 112 : i32
        %add3A_108 = vector.broadcast %add3A_107 : i32 to vector<16xi32>
        %add3A_109 = arith.addi %mul3A_78, %add3A_108 : vector<16xi32>
        %add3A_110 = arith.addi %add3A_109, %iota3A : vector<16xi32>
        tpu.vector_store_idx %arg6[%add3A_110], %broadcast_in_dim3A_3 : memref<65536xf32, #tpu.memory_space<vmem>>[vector<16xi32>], vector<16xf32>,
      }
      %scan3A_60 = arith.constant 0 : i32
      %scan3A_61 = arith.constant 0 : i32
      %scan3A_62 = arith.constant 32 : i32
      %scan3A_63 = arith.addi %scan3A_61, %scan3A_62 : i32
      %scan3A_64 = arith.constant 1 : i32
      scf.for %scan3A_74 = %scan3A_61 to %scan3A_63 step %scan3A_64  : i32 {
        %mul3A_75 = arith.constant 16 : i32
        %mul3A_76 = arith.muli %scan3A_74, %mul3A_75 : i32
        %add3A_77 = vector.broadcast %mul3A_76 : i32 to vector<16xi32>
        %add3A_78 = arith.addi %add3A_77, %iota3A : vector<16xi32>
        %gather3A = tpu.vector_load_idx %arg12[%add3A_78] : memref<512xi32, #tpu.memory_space<vmem>>[vector<16xi32>], vector<16xi32>,
        %mul3A_79 = arith.constant 16 : i32
        %mul3A_80 = arith.muli %scan3A_74, %mul3A_79 : i32
        %add3A_81 = vector.broadcast %mul3A_80 : i32 to vector<16xi32>
        %add3A_82 = arith.addi %add3A_81, %iota3A : vector<16xi32>
        %max3A = arith.constant 1 : i32
        %max3A_83 = vector.broadcast %max3A : i32 to vector<16xi32>
        %max3A_84 = arith.maxsi %gather3A, %max3A_83 : vector<16xi32>
        tpu.vector_store_idx %arg12[%add3A_82], %max3A_84 : memref<512xi32, #tpu.memory_space<vmem>>[vector<16xi32>], vector<16xi32>,
      }
      %scan3A_65 = arith.constant 32 : i32
      %mul3A_66 = arith.constant 32768 : i32
      %mul3A_67 = arith.muli %and3A_18, %mul3A_66 : i32
      %add3A_68 = arith.addi %mul3A_67, %mul3A_25 : i32
      "tpu.region"() ({
        %run_scoped3A = tpu.sem_alloc : memref<!tpu.dma_semaphore, #tpu.memory_space<semaphore_mem>>
        %dma_start3A = tpu.memref_slice %arg5[%add3A_68] : memref<131072xi32, #tpu.memory_space<hbm>> -> memref<512xi32, #tpu.memory_space<hbm>>
        %dma_start3A_74 = tpu.memref_slice %arg5[%add3A_68] : memref<131072xi32, #tpu.memory_space<hbm>> -> memref<512xi32, #tpu.memory_space<hbm>>
        tpu.enqueue_dma source(%arg12 : memref<512xi32, #tpu.memory_space<vmem>>) target(%dma_start3A_74 : memref<512xi32, #tpu.memory_space<hbm>>) target_semaphore(%run_scoped3A : memref<!tpu.dma_semaphore, #tpu.memory_space<semaphore_mem>>)
        %dma_wait3A = tpu.memref_slice %arg5[%add3A_68] : memref<131072xi32, #tpu.memory_space<hbm>> -> memref<512xi32, #tpu.memory_space<hbm>>
        %dma_wait3A_75 = tpu.memref_slice %arg5[%add3A_68] : memref<131072xi32, #tpu.memory_space<hbm>> -> memref<512xi32, #tpu.memory_space<hbm>>
        tpu.wait_dma2 semaphore(%run_scoped3A : memref<!tpu.dma_semaphore, #tpu.memory_space<semaphore_mem>>) src(%arg12 : memref<512xi32, #tpu.memory_space<vmem>>) dst(%dma_wait3A_75 : memref<512xi32, #tpu.memory_space<hbm>>)
        tpu.yield
      }) : () -> ()
      %mul3A_69 = arith.constant 32768 : i32
      %mul3A_70 = arith.muli %and3A_18, %mul3A_69 : i32
      %add3A_71 = arith.addi %mul3A_70, %mul3A_25 : i32
      %mul3A_72 = arith.constant 128 : i32
      %mul3A_73 = arith.muli %add3A_71, %mul3A_72 : i32
      "tpu.region"() ({
        %run_scoped3A = tpu.sem_alloc : memref<!tpu.dma_semaphore, #tpu.memory_space<semaphore_mem>>
        %dma_start3A = tpu.memref_slice %arg4[%mul3A_73] : memref<16777216xf32, #tpu.memory_space<hbm>> -> memref<65536xf32, #tpu.memory_space<hbm>>
        %dma_start3A_74 = tpu.memref_slice %arg4[%mul3A_73] : memref<16777216xf32, #tpu.memory_space<hbm>> -> memref<65536xf32, #tpu.memory_space<hbm>>
        tpu.enqueue_dma source(%arg6 : memref<65536xf32, #tpu.memory_space<vmem>>) target(%dma_start3A_74 : memref<65536xf32, #tpu.memory_space<hbm>>) target_semaphore(%run_scoped3A : memref<!tpu.dma_semaphore, #tpu.memory_space<semaphore_mem>>)
        %dma_wait3A = tpu.memref_slice %arg4[%mul3A_73] : memref<16777216xf32, #tpu.memory_space<hbm>> -> memref<65536xf32, #tpu.memory_space<hbm>>
        %dma_wait3A_75 = tpu.memref_slice %arg4[%mul3A_73] : memref<16777216xf32, #tpu.memory_space<hbm>> -> memref<65536xf32, #tpu.memory_space<hbm>>
        tpu.wait_dma2 semaphore(%run_scoped3A : memref<!tpu.dma_semaphore, #tpu.memory_space<semaphore_mem>>) src(%arg6 : memref<65536xf32, #tpu.memory_space<vmem>>) dst(%dma_wait3A_75 : memref<65536xf32, #tpu.memory_space<hbm>>)
        tpu.yield
      }) : () -> ()
    }
    %scan3A_12 = arith.constant 8 : i32
    return
  }
}

#map = affine_map<(d0, d1) -> (0)>
module attributes {stable_mosaic.version = 14 : i64} {
  func.func @idx_kernel(%arg0: i32, %arg1: i32, %arg2: memref<1200000xf32, #tpu.memory_space<hbm>>, %arg3: memref<400000xi32, #tpu.memory_space<hbm>>, %arg4: memref<9408xf32, #tpu.memory_space<vmem>>, %arg5: memref<3136xi32, #tpu.memory_space<vmem>>) attributes {dimension_semantics = [#tpu.dimension_semantics<core_parallel>, #tpu.dimension_semantics<subcore_parallel>], iteration_bounds = array<i64: 2, 16>, scalar_prefetch = 0 : i64, scratch_operands = 2 : i64, tpu.core_type = #tpu.core_type<sc_vector_subcore>, window_params = [{transform_indices = #map}, {transform_indices = #map}]} {
    %mul3A = arith.constant 2 : i32
    %mul3A_0 = arith.muli %arg1, %mul3A : i32
    %add3A = arith.addi %mul3A_0, %arg0 : i32
    %mul3A_1 = arith.constant 3136 : i32
    %mul3A_2 = arith.muli %add3A, %mul3A_1 : i32
    %iota3A = tpu.iota {dimensions = array<i32: 0>} : vector<16xi32>
    %eq3A = arith.constant 31 : i32
    %eq3A_3 = arith.cmpi eq, %add3A, %eq3A : i32
    %jit3A = arith.constant 174 : i32
    %jit3A_4 = arith.constant 196 : i32
    %select_n3A = arith.select %eq3A_3, %jit3A, %jit3A_4 : i32
    %eq3A_5 = arith.constant 31 : i32
    %eq3A_6 = arith.cmpi eq, %add3A, %eq3A_5 : i32
    %convert_element_type3A = arith.extui %eq3A_6 : i1 to i32
    %cond3A = arith.constant 0 : i32
    %cond3A_7 = arith.cmpi ne, %convert_element_type3A, %cond3A : i32
    scf.if %cond3A_7 {
      %mul3A_121 = arith.constant 3 : i32
      %mul3A_122 = arith.muli %mul3A_2, %mul3A_121 : i32
      %add3A_123 = arith.constant 0 : i32
      %add3A_124 = arith.addi %add3A_123, %mul3A_122 : i32
      "tpu.region"() ({
        %run_scoped3A = tpu.sem_alloc : memref<!tpu.dma_semaphore, #tpu.memory_space<semaphore_mem>>
        %dma_start3A = arith.constant 0 : i32
        %dma_start3A_125 = tpu.memref_slice %arg4[%dma_start3A] : memref<9408xf32, #tpu.memory_space<vmem>> -> memref<8352xf32, #tpu.memory_space<vmem>>
        %dma_start3A_126 = tpu.memref_slice %arg2[%add3A_124] : memref<1200000xf32, #tpu.memory_space<hbm>> -> memref<8352xf32, #tpu.memory_space<hbm>>
        %dma_start3A_127 = arith.constant 0 : i32
        %dma_start3A_128 = tpu.memref_slice %arg4[%dma_start3A_127] : memref<9408xf32, #tpu.memory_space<vmem>> -> memref<8352xf32, #tpu.memory_space<vmem>>
        %dma_start3A_129 = tpu.memref_slice %arg2[%add3A_124] : memref<1200000xf32, #tpu.memory_space<hbm>> -> memref<8352xf32, #tpu.memory_space<hbm>>
        tpu.enqueue_dma source(%dma_start3A_129 : memref<8352xf32, #tpu.memory_space<hbm>>) target(%dma_start3A_128 : memref<8352xf32, #tpu.memory_space<vmem>>) target_semaphore(%run_scoped3A : memref<!tpu.dma_semaphore, #tpu.memory_space<semaphore_mem>>)
        %dma_wait3A = arith.constant 0 : i32
        %dma_wait3A_130 = tpu.memref_slice %arg4[%dma_wait3A] : memref<9408xf32, #tpu.memory_space<vmem>> -> memref<8352xf32, #tpu.memory_space<vmem>>
        %dma_wait3A_131 = tpu.memref_slice %arg2[%add3A_124] : memref<1200000xf32, #tpu.memory_space<hbm>> -> memref<8352xf32, #tpu.memory_space<hbm>>
        %dma_wait3A_132 = arith.constant 0 : i32
        %dma_wait3A_133 = tpu.memref_slice %arg4[%dma_wait3A_132] : memref<9408xf32, #tpu.memory_space<vmem>> -> memref<8352xf32, #tpu.memory_space<vmem>>
        %dma_wait3A_134 = tpu.memref_slice %arg2[%add3A_124] : memref<1200000xf32, #tpu.memory_space<hbm>> -> memref<8352xf32, #tpu.memory_space<hbm>>
        tpu.wait_dma2 semaphore(%run_scoped3A : memref<!tpu.dma_semaphore, #tpu.memory_space<semaphore_mem>>) src(%dma_wait3A_134 : memref<8352xf32, #tpu.memory_space<hbm>>) dst(%dma_wait3A_133 : memref<8352xf32, #tpu.memory_space<vmem>>)
        tpu.yield
      }) : () -> ()
    } else {
    }
    %lt3A = arith.constant 31 : i32
    %lt3A_8 = arith.cmpi slt, %add3A, %lt3A : i32
    %convert_element_type3A_9 = arith.extui %lt3A_8 : i1 to i32
    %cond3A_10 = arith.constant 0 : i32
    %cond3A_11 = arith.cmpi ne, %convert_element_type3A_9, %cond3A_10 : i32
    scf.if %cond3A_11 {
      %mul3A_121 = arith.constant 3 : i32
      %mul3A_122 = arith.muli %mul3A_2, %mul3A_121 : i32
      %add3A_123 = arith.constant 0 : i32
      %add3A_124 = arith.addi %add3A_123, %mul3A_122 : i32
      "tpu.region"() ({
        %run_scoped3A = tpu.sem_alloc : memref<!tpu.dma_semaphore, #tpu.memory_space<semaphore_mem>>
        %dma_start3A = tpu.memref_slice %arg2[%add3A_124] : memref<1200000xf32, #tpu.memory_space<hbm>> -> memref<9408xf32, #tpu.memory_space<hbm>>
        %dma_start3A_125 = tpu.memref_slice %arg2[%add3A_124] : memref<1200000xf32, #tpu.memory_space<hbm>> -> memref<9408xf32, #tpu.memory_space<hbm>>
        tpu.enqueue_dma source(%dma_start3A_125 : memref<9408xf32, #tpu.memory_space<hbm>>) target(%arg4 : memref<9408xf32, #tpu.memory_space<vmem>>) target_semaphore(%run_scoped3A : memref<!tpu.dma_semaphore, #tpu.memory_space<semaphore_mem>>)
        %dma_wait3A = tpu.memref_slice %arg2[%add3A_124] : memref<1200000xf32, #tpu.memory_space<hbm>> -> memref<9408xf32, #tpu.memory_space<hbm>>
        %dma_wait3A_126 = tpu.memref_slice %arg2[%add3A_124] : memref<1200000xf32, #tpu.memory_space<hbm>> -> memref<9408xf32, #tpu.memory_space<hbm>>
        tpu.wait_dma2 semaphore(%run_scoped3A : memref<!tpu.dma_semaphore, #tpu.memory_space<semaphore_mem>>) src(%dma_wait3A_126 : memref<9408xf32, #tpu.memory_space<hbm>>) dst(%arg4 : memref<9408xf32, #tpu.memory_space<vmem>>)
        tpu.yield
      }) : () -> ()
    } else {
    }
    %while3A = arith.constant 0 : i32
    %while3A_12 = arith.constant 0 : i32
    %while3A_13 = arith.subi %select_n3A, %while3A_12 : i32
    %while3A_14 = arith.addi %while3A_12, %while3A_13 : i32
    %while3A_15 = arith.constant 1 : i32
    %while3A_16 = arith.divsi %while3A_13, %while3A_15 : i32
    %while3A_17 = arith.muli %while3A_16, %while3A_15 : i32
    %while3A_18 = arith.addi %while3A_12, %while3A_17 : i32
    %while3A_19 = arith.constant 1 : i32
    scf.for %while3A_121 = %while3A_12 to %while3A_18 step %while3A_19  : i32 {
      %mul3A_122 = arith.constant 16 : i32
      %mul3A_123 = arith.muli %while3A_121, %mul3A_122 : i32
      %add3A_124 = vector.broadcast %mul3A_123 : i32 to vector<16xi32>
      %add3A_125 = arith.addi %add3A_124, %iota3A : vector<16xi32>
      %mul3A_126 = arith.constant 3 : i32
      %mul3A_127 = vector.broadcast %mul3A_126 : i32 to vector<16xi32>
      %mul3A_128 = arith.muli %add3A_125, %mul3A_127 : vector<16xi32>
      %gather3A = tpu.vector_load_idx %arg4[%mul3A_128] : memref<9408xf32, #tpu.memory_space<vmem>>[vector<16xi32>], vector<16xf32>,
      %add3A_129 = arith.constant 1 : i32
      %add3A_130 = vector.broadcast %add3A_129 : i32 to vector<16xi32>
      %add3A_131 = arith.addi %mul3A_128, %add3A_130 : vector<16xi32>
      %gather3A_132 = tpu.vector_load_idx %arg4[%add3A_131] : memref<9408xf32, #tpu.memory_space<vmem>>[vector<16xi32>], vector<16xf32>,
      %add3A_133 = arith.constant 2 : i32
      %add3A_134 = vector.broadcast %add3A_133 : i32 to vector<16xi32>
      %add3A_135 = arith.addi %mul3A_128, %add3A_134 : vector<16xi32>
      %gather3A_136 = tpu.vector_load_idx %arg4[%add3A_135] : memref<9408xf32, #tpu.memory_space<vmem>>[vector<16xi32>], vector<16xf32>,
      %mul3A_137 = arith.constant 3.200000e+01 : f32
      %mul3A_138 = vector.broadcast %mul3A_137 : f32 to vector<16xf32>
      %mul3A_139 = arith.mulf %gather3A, %mul3A_138 : vector<16xf32>
      %convert_element_type3A_140 = arith.fptosi %mul3A_139 : vector<16xf32> to vector<16xi32>
      %jit3A_141 = arith.constant 0 : i32
      %jit3A_142 = arith.constant 31 : i32
      %max3A = vector.broadcast %jit3A_141 : i32 to vector<16xi32>
      %max3A_143 = arith.maxsi %max3A, %convert_element_type3A_140 : vector<16xi32>
      %min3A = vector.broadcast %jit3A_142 : i32 to vector<16xi32>
      %min3A_144 = arith.minsi %min3A, %max3A_143 : vector<16xi32>
      %mul3A_145 = arith.constant 1024 : i32
      %mul3A_146 = vector.broadcast %mul3A_145 : i32 to vector<16xi32>
      %mul3A_147 = arith.muli %min3A_144, %mul3A_146 : vector<16xi32>
      %mul3A_148 = arith.constant 3.200000e+01 : f32
      %mul3A_149 = vector.broadcast %mul3A_148 : f32 to vector<16xf32>
      %mul3A_150 = arith.mulf %gather3A_132, %mul3A_149 : vector<16xf32>
      %convert_element_type3A_151 = arith.fptosi %mul3A_150 : vector<16xf32> to vector<16xi32>
      %jit3A_152 = arith.constant 0 : i32
      %jit3A_153 = arith.constant 31 : i32
      %max3A_154 = vector.broadcast %jit3A_152 : i32 to vector<16xi32>
      %max3A_155 = arith.maxsi %max3A_154, %convert_element_type3A_151 : vector<16xi32>
      %min3A_156 = vector.broadcast %jit3A_153 : i32 to vector<16xi32>
      %min3A_157 = arith.minsi %min3A_156, %max3A_155 : vector<16xi32>
      %mul3A_158 = arith.constant 32 : i32
      %mul3A_159 = vector.broadcast %mul3A_158 : i32 to vector<16xi32>
      %mul3A_160 = arith.muli %min3A_157, %mul3A_159 : vector<16xi32>
      %add3A_161 = arith.addi %mul3A_147, %mul3A_160 : vector<16xi32>
      %mul3A_162 = arith.constant 3.200000e+01 : f32
      %mul3A_163 = vector.broadcast %mul3A_162 : f32 to vector<16xf32>
      %mul3A_164 = arith.mulf %gather3A_136, %mul3A_163 : vector<16xf32>
      %convert_element_type3A_165 = arith.fptosi %mul3A_164 : vector<16xf32> to vector<16xi32>
      %jit3A_166 = arith.constant 0 : i32
      %jit3A_167 = arith.constant 31 : i32
      %max3A_168 = vector.broadcast %jit3A_166 : i32 to vector<16xi32>
      %max3A_169 = arith.maxsi %max3A_168, %convert_element_type3A_165 : vector<16xi32>
      %min3A_170 = vector.broadcast %jit3A_167 : i32 to vector<16xi32>
      %min3A_171 = arith.minsi %min3A_170, %max3A_169 : vector<16xi32>
      %add3A_172 = arith.addi %add3A_161, %min3A_171 : vector<16xi32>
      %mul3A_173 = arith.constant 16 : i32
      %mul3A_174 = arith.muli %while3A_121, %mul3A_173 : i32
      %add3A_175 = vector.broadcast %mul3A_174 : i32 to vector<16xi32>
      %add3A_176 = arith.addi %add3A_175, %iota3A : vector<16xi32>
      tpu.vector_store_idx %arg5[%add3A_176], %add3A_172 : memref<3136xi32, #tpu.memory_space<vmem>>[vector<16xi32>], vector<16xi32>,
    }
    %while3A_20 = arith.constant 1 : i32
    scf.for %while3A_121 = %while3A_18 to %while3A_14 step %while3A_20  : i32 {
      %mul3A_122 = arith.constant 16 : i32
      %mul3A_123 = arith.muli %while3A_121, %mul3A_122 : i32
      %add3A_124 = vector.broadcast %mul3A_123 : i32 to vector<16xi32>
      %add3A_125 = arith.addi %add3A_124, %iota3A : vector<16xi32>
      %mul3A_126 = arith.constant 3 : i32
      %mul3A_127 = vector.broadcast %mul3A_126 : i32 to vector<16xi32>
      %mul3A_128 = arith.muli %add3A_125, %mul3A_127 : vector<16xi32>
      %gather3A = tpu.vector_load_idx %arg4[%mul3A_128] : memref<9408xf32, #tpu.memory_space<vmem>>[vector<16xi32>], vector<16xf32>,
      %add3A_129 = arith.constant 1 : i32
      %add3A_130 = vector.broadcast %add3A_129 : i32 to vector<16xi32>
      %add3A_131 = arith.addi %mul3A_128, %add3A_130 : vector<16xi32>
      %gather3A_132 = tpu.vector_load_idx %arg4[%add3A_131] : memref<9408xf32, #tpu.memory_space<vmem>>[vector<16xi32>], vector<16xf32>,
      %add3A_133 = arith.constant 2 : i32
      %add3A_134 = vector.broadcast %add3A_133 : i32 to vector<16xi32>
      %add3A_135 = arith.addi %mul3A_128, %add3A_134 : vector<16xi32>
      %gather3A_136 = tpu.vector_load_idx %arg4[%add3A_135] : memref<9408xf32, #tpu.memory_space<vmem>>[vector<16xi32>], vector<16xf32>,
      %mul3A_137 = arith.constant 3.200000e+01 : f32
      %mul3A_138 = vector.broadcast %mul3A_137 : f32 to vector<16xf32>
      %mul3A_139 = arith.mulf %gather3A, %mul3A_138 : vector<16xf32>
      %convert_element_type3A_140 = arith.fptosi %mul3A_139 : vector<16xf32> to vector<16xi32>
      %jit3A_141 = arith.constant 0 : i32
      %jit3A_142 = arith.constant 31 : i32
      %max3A = vector.broadcast %jit3A_141 : i32 to vector<16xi32>
      %max3A_143 = arith.maxsi %max3A, %convert_element_type3A_140 : vector<16xi32>
      %min3A = vector.broadcast %jit3A_142 : i32 to vector<16xi32>
      %min3A_144 = arith.minsi %min3A, %max3A_143 : vector<16xi32>
      %mul3A_145 = arith.constant 1024 : i32
      %mul3A_146 = vector.broadcast %mul3A_145 : i32 to vector<16xi32>
      %mul3A_147 = arith.muli %min3A_144, %mul3A_146 : vector<16xi32>
      %mul3A_148 = arith.constant 3.200000e+01 : f32
      %mul3A_149 = vector.broadcast %mul3A_148 : f32 to vector<16xf32>
      %mul3A_150 = arith.mulf %gather3A_132, %mul3A_149 : vector<16xf32>
      %convert_element_type3A_151 = arith.fptosi %mul3A_150 : vector<16xf32> to vector<16xi32>
      %jit3A_152 = arith.constant 0 : i32
      %jit3A_153 = arith.constant 31 : i32
      %max3A_154 = vector.broadcast %jit3A_152 : i32 to vector<16xi32>
      %max3A_155 = arith.maxsi %max3A_154, %convert_element_type3A_151 : vector<16xi32>
      %min3A_156 = vector.broadcast %jit3A_153 : i32 to vector<16xi32>
      %min3A_157 = arith.minsi %min3A_156, %max3A_155 : vector<16xi32>
      %mul3A_158 = arith.constant 32 : i32
      %mul3A_159 = vector.broadcast %mul3A_158 : i32 to vector<16xi32>
      %mul3A_160 = arith.muli %min3A_157, %mul3A_159 : vector<16xi32>
      %add3A_161 = arith.addi %mul3A_147, %mul3A_160 : vector<16xi32>
      %mul3A_162 = arith.constant 3.200000e+01 : f32
      %mul3A_163 = vector.broadcast %mul3A_162 : f32 to vector<16xf32>
      %mul3A_164 = arith.mulf %gather3A_136, %mul3A_163 : vector<16xf32>
      %convert_element_type3A_165 = arith.fptosi %mul3A_164 : vector<16xf32> to vector<16xi32>
      %jit3A_166 = arith.constant 0 : i32
      %jit3A_167 = arith.constant 31 : i32
      %max3A_168 = vector.broadcast %jit3A_166 : i32 to vector<16xi32>
      %max3A_169 = arith.maxsi %max3A_168, %convert_element_type3A_165 : vector<16xi32>
      %min3A_170 = vector.broadcast %jit3A_167 : i32 to vector<16xi32>
      %min3A_171 = arith.minsi %min3A_170, %max3A_169 : vector<16xi32>
      %add3A_172 = arith.addi %add3A_161, %min3A_171 : vector<16xi32>
      %mul3A_173 = arith.constant 16 : i32
      %mul3A_174 = arith.muli %while3A_121, %mul3A_173 : i32
      %add3A_175 = vector.broadcast %mul3A_174 : i32 to vector<16xi32>
      %add3A_176 = arith.addi %add3A_175, %iota3A : vector<16xi32>
      tpu.vector_store_idx %arg5[%add3A_176], %add3A_172 : memref<3136xi32, #tpu.memory_space<vmem>>[vector<16xi32>], vector<16xi32>,
    }
    %eq3A_21 = arith.constant 31 : i32
    %eq3A_22 = arith.cmpi eq, %add3A, %eq3A_21 : i32
    %convert_element_type3A_23 = arith.extui %eq3A_22 : i1 to i32
    %cond3A_24 = arith.constant 0 : i32
    %cond3A_25 = arith.cmpi ne, %convert_element_type3A_23, %cond3A_24 : i32
    scf.if %cond3A_25 {
      %add3A_121 = arith.constant 0 : i32
      %add3A_122 = arith.addi %add3A_121, %mul3A_2 : i32
      "tpu.region"() ({
        %run_scoped3A = tpu.sem_alloc : memref<!tpu.dma_semaphore, #tpu.memory_space<semaphore_mem>>
        %dma_start3A = arith.constant 0 : i32
        %dma_start3A_123 = tpu.memref_slice %arg5[%dma_start3A] : memref<3136xi32, #tpu.memory_space<vmem>> -> memref<2784xi32, #tpu.memory_space<vmem>>
        %dma_start3A_124 = tpu.memref_slice %arg3[%add3A_122] : memref<400000xi32, #tpu.memory_space<hbm>> -> memref<2784xi32, #tpu.memory_space<hbm>>
        %dma_start3A_125 = tpu.memref_slice %arg3[%add3A_122] : memref<400000xi32, #tpu.memory_space<hbm>> -> memref<2784xi32, #tpu.memory_space<hbm>>
        %dma_start3A_126 = arith.constant 0 : i32
        %dma_start3A_127 = tpu.memref_slice %arg5[%dma_start3A_126] : memref<3136xi32, #tpu.memory_space<vmem>> -> memref<2784xi32, #tpu.memory_space<vmem>>
        tpu.enqueue_dma source(%dma_start3A_127 : memref<2784xi32, #tpu.memory_space<vmem>>) target(%dma_start3A_125 : memref<2784xi32, #tpu.memory_space<hbm>>) target_semaphore(%run_scoped3A : memref<!tpu.dma_semaphore, #tpu.memory_space<semaphore_mem>>)
        %dma_wait3A = arith.constant 0 : i32
        %dma_wait3A_128 = tpu.memref_slice %arg5[%dma_wait3A] : memref<3136xi32, #tpu.memory_space<vmem>> -> memref<2784xi32, #tpu.memory_space<vmem>>
        %dma_wait3A_129 = tpu.memref_slice %arg3[%add3A_122] : memref<400000xi32, #tpu.memory_space<hbm>> -> memref<2784xi32, #tpu.memory_space<hbm>>
        %dma_wait3A_130 = tpu.memref_slice %arg3[%add3A_122] : memref<400000xi32, #tpu.memory_space<hbm>> -> memref<2784xi32, #tpu.memory_space<hbm>>
        %dma_wait3A_131 = arith.constant 0 : i32
        %dma_wait3A_132 = tpu.memref_slice %arg5[%dma_wait3A_131] : memref<3136xi32, #tpu.memory_space<vmem>> -> memref<2784xi32, #tpu.memory_space<vmem>>
        tpu.wait_dma2 semaphore(%run_scoped3A : memref<!tpu.dma_semaphore, #tpu.memory_space<semaphore_mem>>) src(%dma_wait3A_132 : memref<2784xi32, #tpu.memory_space<vmem>>) dst(%dma_wait3A_130 : memref<2784xi32, #tpu.memory_space<hbm>>)
        tpu.yield
      }) : () -> ()
    } else {
    }
    %lt3A_26 = arith.constant 31 : i32
    %lt3A_27 = arith.cmpi slt, %add3A, %lt3A_26 : i32
    %convert_element_type3A_28 = arith.extui %lt3A_27 : i1 to i32
    %cond3A_29 = arith.constant 0 : i32
    %cond3A_30 = arith.cmpi ne, %convert_element_type3A_28, %cond3A_29 : i32
    scf.if %cond3A_30 {
      %add3A_121 = arith.constant 0 : i32
      %add3A_122 = arith.addi %add3A_121, %mul3A_2 : i32
      "tpu.region"() ({
        %run_scoped3A = tpu.sem_alloc : memref<!tpu.dma_semaphore, #tpu.memory_space<semaphore_mem>>
        %dma_start3A = tpu.memref_slice %arg3[%add3A_122] : memref<400000xi32, #tpu.memory_space<hbm>> -> memref<3136xi32, #tpu.memory_space<hbm>>
        %dma_start3A_123 = tpu.memref_slice %arg3[%add3A_122] : memref<400000xi32, #tpu.memory_space<hbm>> -> memref<3136xi32, #tpu.memory_space<hbm>>
        tpu.enqueue_dma source(%arg5 : memref<3136xi32, #tpu.memory_space<vmem>>) target(%dma_start3A_123 : memref<3136xi32, #tpu.memory_space<hbm>>) target_semaphore(%run_scoped3A : memref<!tpu.dma_semaphore, #tpu.memory_space<semaphore_mem>>)
        %dma_wait3A = tpu.memref_slice %arg3[%add3A_122] : memref<400000xi32, #tpu.memory_space<hbm>> -> memref<3136xi32, #tpu.memory_space<hbm>>
        %dma_wait3A_124 = tpu.memref_slice %arg3[%add3A_122] : memref<400000xi32, #tpu.memory_space<hbm>> -> memref<3136xi32, #tpu.memory_space<hbm>>
        tpu.wait_dma2 semaphore(%run_scoped3A : memref<!tpu.dma_semaphore, #tpu.memory_space<semaphore_mem>>) src(%arg5 : memref<3136xi32, #tpu.memory_space<vmem>>) dst(%dma_wait3A_124 : memref<3136xi32, #tpu.memory_space<hbm>>)
        tpu.yield
      }) : () -> ()
    } else {
    }
    %eq3A_31 = arith.constant 31 : i32
    %eq3A_32 = arith.cmpi eq, %add3A, %eq3A_31 : i32
    %convert_element_type3A_33 = arith.extui %eq3A_32 : i1 to i32
    %cond3A_34 = arith.constant 0 : i32
    %cond3A_35 = arith.cmpi ne, %convert_element_type3A_33, %cond3A_34 : i32
    scf.if %cond3A_35 {
      %mul3A_121 = arith.constant 3 : i32
      %mul3A_122 = arith.muli %mul3A_2, %mul3A_121 : i32
      %add3A_123 = arith.constant 300000 : i32
      %add3A_124 = arith.addi %add3A_123, %mul3A_122 : i32
      "tpu.region"() ({
        %run_scoped3A = tpu.sem_alloc : memref<!tpu.dma_semaphore, #tpu.memory_space<semaphore_mem>>
        %dma_start3A = arith.constant 0 : i32
        %dma_start3A_125 = tpu.memref_slice %arg4[%dma_start3A] : memref<9408xf32, #tpu.memory_space<vmem>> -> memref<8352xf32, #tpu.memory_space<vmem>>
        %dma_start3A_126 = tpu.memref_slice %arg2[%add3A_124] : memref<1200000xf32, #tpu.memory_space<hbm>> -> memref<8352xf32, #tpu.memory_space<hbm>>
        %dma_start3A_127 = arith.constant 0 : i32
        %dma_start3A_128 = tpu.memref_slice %arg4[%dma_start3A_127] : memref<9408xf32, #tpu.memory_space<vmem>> -> memref<8352xf32, #tpu.memory_space<vmem>>
        %dma_start3A_129 = tpu.memref_slice %arg2[%add3A_124] : memref<1200000xf32, #tpu.memory_space<hbm>> -> memref<8352xf32, #tpu.memory_space<hbm>>
        tpu.enqueue_dma source(%dma_start3A_129 : memref<8352xf32, #tpu.memory_space<hbm>>) target(%dma_start3A_128 : memref<8352xf32, #tpu.memory_space<vmem>>) target_semaphore(%run_scoped3A : memref<!tpu.dma_semaphore, #tpu.memory_space<semaphore_mem>>)
        %dma_wait3A = arith.constant 0 : i32
        %dma_wait3A_130 = tpu.memref_slice %arg4[%dma_wait3A] : memref<9408xf32, #tpu.memory_space<vmem>> -> memref<8352xf32, #tpu.memory_space<vmem>>
        %dma_wait3A_131 = tpu.memref_slice %arg2[%add3A_124] : memref<1200000xf32, #tpu.memory_space<hbm>> -> memref<8352xf32, #tpu.memory_space<hbm>>
        %dma_wait3A_132 = arith.constant 0 : i32
        %dma_wait3A_133 = tpu.memref_slice %arg4[%dma_wait3A_132] : memref<9408xf32, #tpu.memory_space<vmem>> -> memref<8352xf32, #tpu.memory_space<vmem>>
        %dma_wait3A_134 = tpu.memref_slice %arg2[%add3A_124] : memref<1200000xf32, #tpu.memory_space<hbm>> -> memref<8352xf32, #tpu.memory_space<hbm>>
        tpu.wait_dma2 semaphore(%run_scoped3A : memref<!tpu.dma_semaphore, #tpu.memory_space<semaphore_mem>>) src(%dma_wait3A_134 : memref<8352xf32, #tpu.memory_space<hbm>>) dst(%dma_wait3A_133 : memref<8352xf32, #tpu.memory_space<vmem>>)
        tpu.yield
      }) : () -> ()
    } else {
    }
    %lt3A_36 = arith.constant 31 : i32
    %lt3A_37 = arith.cmpi slt, %add3A, %lt3A_36 : i32
    %convert_element_type3A_38 = arith.extui %lt3A_37 : i1 to i32
    %cond3A_39 = arith.constant 0 : i32
    %cond3A_40 = arith.cmpi ne, %convert_element_type3A_38, %cond3A_39 : i32
    scf.if %cond3A_40 {
      %mul3A_121 = arith.constant 3 : i32
      %mul3A_122 = arith.muli %mul3A_2, %mul3A_121 : i32
      %add3A_123 = arith.constant 300000 : i32
      %add3A_124 = arith.addi %add3A_123, %mul3A_122 : i32
      "tpu.region"() ({
        %run_scoped3A = tpu.sem_alloc : memref<!tpu.dma_semaphore, #tpu.memory_space<semaphore_mem>>
        %dma_start3A = tpu.memref_slice %arg2[%add3A_124] : memref<1200000xf32, #tpu.memory_space<hbm>> -> memref<9408xf32, #tpu.memory_space<hbm>>
        %dma_start3A_125 = tpu.memref_slice %arg2[%add3A_124] : memref<1200000xf32, #tpu.memory_space<hbm>> -> memref<9408xf32, #tpu.memory_space<hbm>>
        tpu.enqueue_dma source(%dma_start3A_125 : memref<9408xf32, #tpu.memory_space<hbm>>) target(%arg4 : memref<9408xf32, #tpu.memory_space<vmem>>) target_semaphore(%run_scoped3A : memref<!tpu.dma_semaphore, #tpu.memory_space<semaphore_mem>>)
        %dma_wait3A = tpu.memref_slice %arg2[%add3A_124] : memref<1200000xf32, #tpu.memory_space<hbm>> -> memref<9408xf32, #tpu.memory_space<hbm>>
        %dma_wait3A_126 = tpu.memref_slice %arg2[%add3A_124] : memref<1200000xf32, #tpu.memory_space<hbm>> -> memref<9408xf32, #tpu.memory_space<hbm>>
        tpu.wait_dma2 semaphore(%run_scoped3A : memref<!tpu.dma_semaphore, #tpu.memory_space<semaphore_mem>>) src(%dma_wait3A_126 : memref<9408xf32, #tpu.memory_space<hbm>>) dst(%arg4 : memref<9408xf32, #tpu.memory_space<vmem>>)
        tpu.yield
      }) : () -> ()
    } else {
    }
    %while3A_41 = arith.constant 0 : i32
    %while3A_42 = arith.constant 0 : i32
    %while3A_43 = arith.subi %select_n3A, %while3A_42 : i32
    %while3A_44 = arith.addi %while3A_42, %while3A_43 : i32
    %while3A_45 = arith.constant 1 : i32
    %while3A_46 = arith.divsi %while3A_43, %while3A_45 : i32
    %while3A_47 = arith.muli %while3A_46, %while3A_45 : i32
    %while3A_48 = arith.addi %while3A_42, %while3A_47 : i32
    %while3A_49 = arith.constant 1 : i32
    scf.for %while3A_121 = %while3A_42 to %while3A_48 step %while3A_49  : i32 {
      %mul3A_122 = arith.constant 16 : i32
      %mul3A_123 = arith.muli %while3A_121, %mul3A_122 : i32
      %add3A_124 = vector.broadcast %mul3A_123 : i32 to vector<16xi32>
      %add3A_125 = arith.addi %add3A_124, %iota3A : vector<16xi32>
      %mul3A_126 = arith.constant 3 : i32
      %mul3A_127 = vector.broadcast %mul3A_126 : i32 to vector<16xi32>
      %mul3A_128 = arith.muli %add3A_125, %mul3A_127 : vector<16xi32>
      %gather3A = tpu.vector_load_idx %arg4[%mul3A_128] : memref<9408xf32, #tpu.memory_space<vmem>>[vector<16xi32>], vector<16xf32>,
      %add3A_129 = arith.constant 1 : i32
      %add3A_130 = vector.broadcast %add3A_129 : i32 to vector<16xi32>
      %add3A_131 = arith.addi %mul3A_128, %add3A_130 : vector<16xi32>
      %gather3A_132 = tpu.vector_load_idx %arg4[%add3A_131] : memref<9408xf32, #tpu.memory_space<vmem>>[vector<16xi32>], vector<16xf32>,
      %add3A_133 = arith.constant 2 : i32
      %add3A_134 = vector.broadcast %add3A_133 : i32 to vector<16xi32>
      %add3A_135 = arith.addi %mul3A_128, %add3A_134 : vector<16xi32>
      %gather3A_136 = tpu.vector_load_idx %arg4[%add3A_135] : memref<9408xf32, #tpu.memory_space<vmem>>[vector<16xi32>], vector<16xf32>,
      %mul3A_137 = arith.constant 3.200000e+01 : f32
      %mul3A_138 = vector.broadcast %mul3A_137 : f32 to vector<16xf32>
      %mul3A_139 = arith.mulf %gather3A, %mul3A_138 : vector<16xf32>
      %convert_element_type3A_140 = arith.fptosi %mul3A_139 : vector<16xf32> to vector<16xi32>
      %jit3A_141 = arith.constant 0 : i32
      %jit3A_142 = arith.constant 31 : i32
      %max3A = vector.broadcast %jit3A_141 : i32 to vector<16xi32>
      %max3A_143 = arith.maxsi %max3A, %convert_element_type3A_140 : vector<16xi32>
      %min3A = vector.broadcast %jit3A_142 : i32 to vector<16xi32>
      %min3A_144 = arith.minsi %min3A, %max3A_143 : vector<16xi32>
      %mul3A_145 = arith.constant 1024 : i32
      %mul3A_146 = vector.broadcast %mul3A_145 : i32 to vector<16xi32>
      %mul3A_147 = arith.muli %min3A_144, %mul3A_146 : vector<16xi32>
      %mul3A_148 = arith.constant 3.200000e+01 : f32
      %mul3A_149 = vector.broadcast %mul3A_148 : f32 to vector<16xf32>
      %mul3A_150 = arith.mulf %gather3A_132, %mul3A_149 : vector<16xf32>
      %convert_element_type3A_151 = arith.fptosi %mul3A_150 : vector<16xf32> to vector<16xi32>
      %jit3A_152 = arith.constant 0 : i32
      %jit3A_153 = arith.constant 31 : i32
      %max3A_154 = vector.broadcast %jit3A_152 : i32 to vector<16xi32>
      %max3A_155 = arith.maxsi %max3A_154, %convert_element_type3A_151 : vector<16xi32>
      %min3A_156 = vector.broadcast %jit3A_153 : i32 to vector<16xi32>
      %min3A_157 = arith.minsi %min3A_156, %max3A_155 : vector<16xi32>
      %mul3A_158 = arith.constant 32 : i32
      %mul3A_159 = vector.broadcast %mul3A_158 : i32 to vector<16xi32>
      %mul3A_160 = arith.muli %min3A_157, %mul3A_159 : vector<16xi32>
      %add3A_161 = arith.addi %mul3A_147, %mul3A_160 : vector<16xi32>
      %mul3A_162 = arith.constant 3.200000e+01 : f32
      %mul3A_163 = vector.broadcast %mul3A_162 : f32 to vector<16xf32>
      %mul3A_164 = arith.mulf %gather3A_136, %mul3A_163 : vector<16xf32>
      %convert_element_type3A_165 = arith.fptosi %mul3A_164 : vector<16xf32> to vector<16xi32>
      %jit3A_166 = arith.constant 0 : i32
      %jit3A_167 = arith.constant 31 : i32
      %max3A_168 = vector.broadcast %jit3A_166 : i32 to vector<16xi32>
      %max3A_169 = arith.maxsi %max3A_168, %convert_element_type3A_165 : vector<16xi32>
      %min3A_170 = vector.broadcast %jit3A_167 : i32 to vector<16xi32>
      %min3A_171 = arith.minsi %min3A_170, %max3A_169 : vector<16xi32>
      %add3A_172 = arith.addi %add3A_161, %min3A_171 : vector<16xi32>
      %mul3A_173 = arith.constant 16 : i32
      %mul3A_174 = arith.muli %while3A_121, %mul3A_173 : i32
      %add3A_175 = vector.broadcast %mul3A_174 : i32 to vector<16xi32>
      %add3A_176 = arith.addi %add3A_175, %iota3A : vector<16xi32>
      tpu.vector_store_idx %arg5[%add3A_176], %add3A_172 : memref<3136xi32, #tpu.memory_space<vmem>>[vector<16xi32>], vector<16xi32>,
    }
    %while3A_50 = arith.constant 1 : i32
    scf.for %while3A_121 = %while3A_48 to %while3A_44 step %while3A_50  : i32 {
      %mul3A_122 = arith.constant 16 : i32
      %mul3A_123 = arith.muli %while3A_121, %mul3A_122 : i32
      %add3A_124 = vector.broadcast %mul3A_123 : i32 to vector<16xi32>
      %add3A_125 = arith.addi %add3A_124, %iota3A : vector<16xi32>
      %mul3A_126 = arith.constant 3 : i32
      %mul3A_127 = vector.broadcast %mul3A_126 : i32 to vector<16xi32>
      %mul3A_128 = arith.muli %add3A_125, %mul3A_127 : vector<16xi32>
      %gather3A = tpu.vector_load_idx %arg4[%mul3A_128] : memref<9408xf32, #tpu.memory_space<vmem>>[vector<16xi32>], vector<16xf32>,
      %add3A_129 = arith.constant 1 : i32
      %add3A_130 = vector.broadcast %add3A_129 : i32 to vector<16xi32>
      %add3A_131 = arith.addi %mul3A_128, %add3A_130 : vector<16xi32>
      %gather3A_132 = tpu.vector_load_idx %arg4[%add3A_131] : memref<9408xf32, #tpu.memory_space<vmem>>[vector<16xi32>], vector<16xf32>,
      %add3A_133 = arith.constant 2 : i32
      %add3A_134 = vector.broadcast %add3A_133 : i32 to vector<16xi32>
      %add3A_135 = arith.addi %mul3A_128, %add3A_134 : vector<16xi32>
      %gather3A_136 = tpu.vector_load_idx %arg4[%add3A_135] : memref<9408xf32, #tpu.memory_space<vmem>>[vector<16xi32>], vector<16xf32>,
      %mul3A_137 = arith.constant 3.200000e+01 : f32
      %mul3A_138 = vector.broadcast %mul3A_137 : f32 to vector<16xf32>
      %mul3A_139 = arith.mulf %gather3A, %mul3A_138 : vector<16xf32>
      %convert_element_type3A_140 = arith.fptosi %mul3A_139 : vector<16xf32> to vector<16xi32>
      %jit3A_141 = arith.constant 0 : i32
      %jit3A_142 = arith.constant 31 : i32
      %max3A = vector.broadcast %jit3A_141 : i32 to vector<16xi32>
      %max3A_143 = arith.maxsi %max3A, %convert_element_type3A_140 : vector<16xi32>
      %min3A = vector.broadcast %jit3A_142 : i32 to vector<16xi32>
      %min3A_144 = arith.minsi %min3A, %max3A_143 : vector<16xi32>
      %mul3A_145 = arith.constant 1024 : i32
      %mul3A_146 = vector.broadcast %mul3A_145 : i32 to vector<16xi32>
      %mul3A_147 = arith.muli %min3A_144, %mul3A_146 : vector<16xi32>
      %mul3A_148 = arith.constant 3.200000e+01 : f32
      %mul3A_149 = vector.broadcast %mul3A_148 : f32 to vector<16xf32>
      %mul3A_150 = arith.mulf %gather3A_132, %mul3A_149 : vector<16xf32>
      %convert_element_type3A_151 = arith.fptosi %mul3A_150 : vector<16xf32> to vector<16xi32>
      %jit3A_152 = arith.constant 0 : i32
      %jit3A_153 = arith.constant 31 : i32
      %max3A_154 = vector.broadcast %jit3A_152 : i32 to vector<16xi32>
      %max3A_155 = arith.maxsi %max3A_154, %convert_element_type3A_151 : vector<16xi32>
      %min3A_156 = vector.broadcast %jit3A_153 : i32 to vector<16xi32>
      %min3A_157 = arith.minsi %min3A_156, %max3A_155 : vector<16xi32>
      %mul3A_158 = arith.constant 32 : i32
      %mul3A_159 = vector.broadcast %mul3A_158 : i32 to vector<16xi32>
      %mul3A_160 = arith.muli %min3A_157, %mul3A_159 : vector<16xi32>
      %add3A_161 = arith.addi %mul3A_147, %mul3A_160 : vector<16xi32>
      %mul3A_162 = arith.constant 3.200000e+01 : f32
      %mul3A_163 = vector.broadcast %mul3A_162 : f32 to vector<16xf32>
      %mul3A_164 = arith.mulf %gather3A_136, %mul3A_163 : vector<16xf32>
      %convert_element_type3A_165 = arith.fptosi %mul3A_164 : vector<16xf32> to vector<16xi32>
      %jit3A_166 = arith.constant 0 : i32
      %jit3A_167 = arith.constant 31 : i32
      %max3A_168 = vector.broadcast %jit3A_166 : i32 to vector<16xi32>
      %max3A_169 = arith.maxsi %max3A_168, %convert_element_type3A_165 : vector<16xi32>
      %min3A_170 = vector.broadcast %jit3A_167 : i32 to vector<16xi32>
      %min3A_171 = arith.minsi %min3A_170, %max3A_169 : vector<16xi32>
      %add3A_172 = arith.addi %add3A_161, %min3A_171 : vector<16xi32>
      %mul3A_173 = arith.constant 16 : i32
      %mul3A_174 = arith.muli %while3A_121, %mul3A_173 : i32
      %add3A_175 = vector.broadcast %mul3A_174 : i32 to vector<16xi32>
      %add3A_176 = arith.addi %add3A_175, %iota3A : vector<16xi32>
      tpu.vector_store_idx %arg5[%add3A_176], %add3A_172 : memref<3136xi32, #tpu.memory_space<vmem>>[vector<16xi32>], vector<16xi32>,
    }
    %eq3A_51 = arith.constant 31 : i32
    %eq3A_52 = arith.cmpi eq, %add3A, %eq3A_51 : i32
    %convert_element_type3A_53 = arith.extui %eq3A_52 : i1 to i32
    %cond3A_54 = arith.constant 0 : i32
    %cond3A_55 = arith.cmpi ne, %convert_element_type3A_53, %cond3A_54 : i32
    scf.if %cond3A_55 {
      %add3A_121 = arith.constant 100000 : i32
      %add3A_122 = arith.addi %add3A_121, %mul3A_2 : i32
      "tpu.region"() ({
        %run_scoped3A = tpu.sem_alloc : memref<!tpu.dma_semaphore, #tpu.memory_space<semaphore_mem>>
        %dma_start3A = arith.constant 0 : i32
        %dma_start3A_123 = tpu.memref_slice %arg5[%dma_start3A] : memref<3136xi32, #tpu.memory_space<vmem>> -> memref<2784xi32, #tpu.memory_space<vmem>>
        %dma_start3A_124 = tpu.memref_slice %arg3[%add3A_122] : memref<400000xi32, #tpu.memory_space<hbm>> -> memref<2784xi32, #tpu.memory_space<hbm>>
        %dma_start3A_125 = tpu.memref_slice %arg3[%add3A_122] : memref<400000xi32, #tpu.memory_space<hbm>> -> memref<2784xi32, #tpu.memory_space<hbm>>
        %dma_start3A_126 = arith.constant 0 : i32
        %dma_start3A_127 = tpu.memref_slice %arg5[%dma_start3A_126] : memref<3136xi32, #tpu.memory_space<vmem>> -> memref<2784xi32, #tpu.memory_space<vmem>>
        tpu.enqueue_dma source(%dma_start3A_127 : memref<2784xi32, #tpu.memory_space<vmem>>) target(%dma_start3A_125 : memref<2784xi32, #tpu.memory_space<hbm>>) target_semaphore(%run_scoped3A : memref<!tpu.dma_semaphore, #tpu.memory_space<semaphore_mem>>)
        %dma_wait3A = arith.constant 0 : i32
        %dma_wait3A_128 = tpu.memref_slice %arg5[%dma_wait3A] : memref<3136xi32, #tpu.memory_space<vmem>> -> memref<2784xi32, #tpu.memory_space<vmem>>
        %dma_wait3A_129 = tpu.memref_slice %arg3[%add3A_122] : memref<400000xi32, #tpu.memory_space<hbm>> -> memref<2784xi32, #tpu.memory_space<hbm>>
        %dma_wait3A_130 = tpu.memref_slice %arg3[%add3A_122] : memref<400000xi32, #tpu.memory_space<hbm>> -> memref<2784xi32, #tpu.memory_space<hbm>>
        %dma_wait3A_131 = arith.constant 0 : i32
        %dma_wait3A_132 = tpu.memref_slice %arg5[%dma_wait3A_131] : memref<3136xi32, #tpu.memory_space<vmem>> -> memref<2784xi32, #tpu.memory_space<vmem>>
        tpu.wait_dma2 semaphore(%run_scoped3A : memref<!tpu.dma_semaphore, #tpu.memory_space<semaphore_mem>>) src(%dma_wait3A_132 : memref<2784xi32, #tpu.memory_space<vmem>>) dst(%dma_wait3A_130 : memref<2784xi32, #tpu.memory_space<hbm>>)
        tpu.yield
      }) : () -> ()
    } else {
    }
    %lt3A_56 = arith.constant 31 : i32
    %lt3A_57 = arith.cmpi slt, %add3A, %lt3A_56 : i32
    %convert_element_type3A_58 = arith.extui %lt3A_57 : i1 to i32
    %cond3A_59 = arith.constant 0 : i32
    %cond3A_60 = arith.cmpi ne, %convert_element_type3A_58, %cond3A_59 : i32
    scf.if %cond3A_60 {
      %add3A_121 = arith.constant 100000 : i32
      %add3A_122 = arith.addi %add3A_121, %mul3A_2 : i32
      "tpu.region"() ({
        %run_scoped3A = tpu.sem_alloc : memref<!tpu.dma_semaphore, #tpu.memory_space<semaphore_mem>>
        %dma_start3A = tpu.memref_slice %arg3[%add3A_122] : memref<400000xi32, #tpu.memory_space<hbm>> -> memref<3136xi32, #tpu.memory_space<hbm>>
        %dma_start3A_123 = tpu.memref_slice %arg3[%add3A_122] : memref<400000xi32, #tpu.memory_space<hbm>> -> memref<3136xi32, #tpu.memory_space<hbm>>
        tpu.enqueue_dma source(%arg5 : memref<3136xi32, #tpu.memory_space<vmem>>) target(%dma_start3A_123 : memref<3136xi32, #tpu.memory_space<hbm>>) target_semaphore(%run_scoped3A : memref<!tpu.dma_semaphore, #tpu.memory_space<semaphore_mem>>)
        %dma_wait3A = tpu.memref_slice %arg3[%add3A_122] : memref<400000xi32, #tpu.memory_space<hbm>> -> memref<3136xi32, #tpu.memory_space<hbm>>
        %dma_wait3A_124 = tpu.memref_slice %arg3[%add3A_122] : memref<400000xi32, #tpu.memory_space<hbm>> -> memref<3136xi32, #tpu.memory_space<hbm>>
        tpu.wait_dma2 semaphore(%run_scoped3A : memref<!tpu.dma_semaphore, #tpu.memory_space<semaphore_mem>>) src(%arg5 : memref<3136xi32, #tpu.memory_space<vmem>>) dst(%dma_wait3A_124 : memref<3136xi32, #tpu.memory_space<hbm>>)
        tpu.yield
      }) : () -> ()
    } else {
    }
    %eq3A_61 = arith.constant 31 : i32
    %eq3A_62 = arith.cmpi eq, %add3A, %eq3A_61 : i32
    %convert_element_type3A_63 = arith.extui %eq3A_62 : i1 to i32
    %cond3A_64 = arith.constant 0 : i32
    %cond3A_65 = arith.cmpi ne, %convert_element_type3A_63, %cond3A_64 : i32
    scf.if %cond3A_65 {
      %mul3A_121 = arith.constant 3 : i32
      %mul3A_122 = arith.muli %mul3A_2, %mul3A_121 : i32
      %add3A_123 = arith.constant 600000 : i32
      %add3A_124 = arith.addi %add3A_123, %mul3A_122 : i32
      "tpu.region"() ({
        %run_scoped3A = tpu.sem_alloc : memref<!tpu.dma_semaphore, #tpu.memory_space<semaphore_mem>>
        %dma_start3A = arith.constant 0 : i32
        %dma_start3A_125 = tpu.memref_slice %arg4[%dma_start3A] : memref<9408xf32, #tpu.memory_space<vmem>> -> memref<8352xf32, #tpu.memory_space<vmem>>
        %dma_start3A_126 = tpu.memref_slice %arg2[%add3A_124] : memref<1200000xf32, #tpu.memory_space<hbm>> -> memref<8352xf32, #tpu.memory_space<hbm>>
        %dma_start3A_127 = arith.constant 0 : i32
        %dma_start3A_128 = tpu.memref_slice %arg4[%dma_start3A_127] : memref<9408xf32, #tpu.memory_space<vmem>> -> memref<8352xf32, #tpu.memory_space<vmem>>
        %dma_start3A_129 = tpu.memref_slice %arg2[%add3A_124] : memref<1200000xf32, #tpu.memory_space<hbm>> -> memref<8352xf32, #tpu.memory_space<hbm>>
        tpu.enqueue_dma source(%dma_start3A_129 : memref<8352xf32, #tpu.memory_space<hbm>>) target(%dma_start3A_128 : memref<8352xf32, #tpu.memory_space<vmem>>) target_semaphore(%run_scoped3A : memref<!tpu.dma_semaphore, #tpu.memory_space<semaphore_mem>>)
        %dma_wait3A = arith.constant 0 : i32
        %dma_wait3A_130 = tpu.memref_slice %arg4[%dma_wait3A] : memref<9408xf32, #tpu.memory_space<vmem>> -> memref<8352xf32, #tpu.memory_space<vmem>>
        %dma_wait3A_131 = tpu.memref_slice %arg2[%add3A_124] : memref<1200000xf32, #tpu.memory_space<hbm>> -> memref<8352xf32, #tpu.memory_space<hbm>>
        %dma_wait3A_132 = arith.constant 0 : i32
        %dma_wait3A_133 = tpu.memref_slice %arg4[%dma_wait3A_132] : memref<9408xf32, #tpu.memory_space<vmem>> -> memref<8352xf32, #tpu.memory_space<vmem>>
        %dma_wait3A_134 = tpu.memref_slice %arg2[%add3A_124] : memref<1200000xf32, #tpu.memory_space<hbm>> -> memref<8352xf32, #tpu.memory_space<hbm>>
        tpu.wait_dma2 semaphore(%run_scoped3A : memref<!tpu.dma_semaphore, #tpu.memory_space<semaphore_mem>>) src(%dma_wait3A_134 : memref<8352xf32, #tpu.memory_space<hbm>>) dst(%dma_wait3A_133 : memref<8352xf32, #tpu.memory_space<vmem>>)
        tpu.yield
      }) : () -> ()
    } else {
    }
    %lt3A_66 = arith.constant 31 : i32
    %lt3A_67 = arith.cmpi slt, %add3A, %lt3A_66 : i32
    %convert_element_type3A_68 = arith.extui %lt3A_67 : i1 to i32
    %cond3A_69 = arith.constant 0 : i32
    %cond3A_70 = arith.cmpi ne, %convert_element_type3A_68, %cond3A_69 : i32
    scf.if %cond3A_70 {
      %mul3A_121 = arith.constant 3 : i32
      %mul3A_122 = arith.muli %mul3A_2, %mul3A_121 : i32
      %add3A_123 = arith.constant 600000 : i32
      %add3A_124 = arith.addi %add3A_123, %mul3A_122 : i32
      "tpu.region"() ({
        %run_scoped3A = tpu.sem_alloc : memref<!tpu.dma_semaphore, #tpu.memory_space<semaphore_mem>>
        %dma_start3A = tpu.memref_slice %arg2[%add3A_124] : memref<1200000xf32, #tpu.memory_space<hbm>> -> memref<9408xf32, #tpu.memory_space<hbm>>
        %dma_start3A_125 = tpu.memref_slice %arg2[%add3A_124] : memref<1200000xf32, #tpu.memory_space<hbm>> -> memref<9408xf32, #tpu.memory_space<hbm>>
        tpu.enqueue_dma source(%dma_start3A_125 : memref<9408xf32, #tpu.memory_space<hbm>>) target(%arg4 : memref<9408xf32, #tpu.memory_space<vmem>>) target_semaphore(%run_scoped3A : memref<!tpu.dma_semaphore, #tpu.memory_space<semaphore_mem>>)
        %dma_wait3A = tpu.memref_slice %arg2[%add3A_124] : memref<1200000xf32, #tpu.memory_space<hbm>> -> memref<9408xf32, #tpu.memory_space<hbm>>
        %dma_wait3A_126 = tpu.memref_slice %arg2[%add3A_124] : memref<1200000xf32, #tpu.memory_space<hbm>> -> memref<9408xf32, #tpu.memory_space<hbm>>
        tpu.wait_dma2 semaphore(%run_scoped3A : memref<!tpu.dma_semaphore, #tpu.memory_space<semaphore_mem>>) src(%dma_wait3A_126 : memref<9408xf32, #tpu.memory_space<hbm>>) dst(%arg4 : memref<9408xf32, #tpu.memory_space<vmem>>)
        tpu.yield
      }) : () -> ()
    } else {
    }
    %while3A_71 = arith.constant 0 : i32
    %while3A_72 = arith.constant 0 : i32
    %while3A_73 = arith.subi %select_n3A, %while3A_72 : i32
    %while3A_74 = arith.addi %while3A_72, %while3A_73 : i32
    %while3A_75 = arith.constant 1 : i32
    %while3A_76 = arith.divsi %while3A_73, %while3A_75 : i32
    %while3A_77 = arith.muli %while3A_76, %while3A_75 : i32
    %while3A_78 = arith.addi %while3A_72, %while3A_77 : i32
    %while3A_79 = arith.constant 1 : i32
    scf.for %while3A_121 = %while3A_72 to %while3A_78 step %while3A_79  : i32 {
      %mul3A_122 = arith.constant 16 : i32
      %mul3A_123 = arith.muli %while3A_121, %mul3A_122 : i32
      %add3A_124 = vector.broadcast %mul3A_123 : i32 to vector<16xi32>
      %add3A_125 = arith.addi %add3A_124, %iota3A : vector<16xi32>
      %mul3A_126 = arith.constant 3 : i32
      %mul3A_127 = vector.broadcast %mul3A_126 : i32 to vector<16xi32>
      %mul3A_128 = arith.muli %add3A_125, %mul3A_127 : vector<16xi32>
      %gather3A = tpu.vector_load_idx %arg4[%mul3A_128] : memref<9408xf32, #tpu.memory_space<vmem>>[vector<16xi32>], vector<16xf32>,
      %add3A_129 = arith.constant 1 : i32
      %add3A_130 = vector.broadcast %add3A_129 : i32 to vector<16xi32>
      %add3A_131 = arith.addi %mul3A_128, %add3A_130 : vector<16xi32>
      %gather3A_132 = tpu.vector_load_idx %arg4[%add3A_131] : memref<9408xf32, #tpu.memory_space<vmem>>[vector<16xi32>], vector<16xf32>,
      %add3A_133 = arith.constant 2 : i32
      %add3A_134 = vector.broadcast %add3A_133 : i32 to vector<16xi32>
      %add3A_135 = arith.addi %mul3A_128, %add3A_134 : vector<16xi32>
      %gather3A_136 = tpu.vector_load_idx %arg4[%add3A_135] : memref<9408xf32, #tpu.memory_space<vmem>>[vector<16xi32>], vector<16xf32>,
      %mul3A_137 = arith.constant 3.200000e+01 : f32
      %mul3A_138 = vector.broadcast %mul3A_137 : f32 to vector<16xf32>
      %mul3A_139 = arith.mulf %gather3A, %mul3A_138 : vector<16xf32>
      %convert_element_type3A_140 = arith.fptosi %mul3A_139 : vector<16xf32> to vector<16xi32>
      %jit3A_141 = arith.constant 0 : i32
      %jit3A_142 = arith.constant 31 : i32
      %max3A = vector.broadcast %jit3A_141 : i32 to vector<16xi32>
      %max3A_143 = arith.maxsi %max3A, %convert_element_type3A_140 : vector<16xi32>
      %min3A = vector.broadcast %jit3A_142 : i32 to vector<16xi32>
      %min3A_144 = arith.minsi %min3A, %max3A_143 : vector<16xi32>
      %mul3A_145 = arith.constant 1024 : i32
      %mul3A_146 = vector.broadcast %mul3A_145 : i32 to vector<16xi32>
      %mul3A_147 = arith.muli %min3A_144, %mul3A_146 : vector<16xi32>
      %mul3A_148 = arith.constant 3.200000e+01 : f32
      %mul3A_149 = vector.broadcast %mul3A_148 : f32 to vector<16xf32>
      %mul3A_150 = arith.mulf %gather3A_132, %mul3A_149 : vector<16xf32>
      %convert_element_type3A_151 = arith.fptosi %mul3A_150 : vector<16xf32> to vector<16xi32>
      %jit3A_152 = arith.constant 0 : i32
      %jit3A_153 = arith.constant 31 : i32
      %max3A_154 = vector.broadcast %jit3A_152 : i32 to vector<16xi32>
      %max3A_155 = arith.maxsi %max3A_154, %convert_element_type3A_151 : vector<16xi32>
      %min3A_156 = vector.broadcast %jit3A_153 : i32 to vector<16xi32>
      %min3A_157 = arith.minsi %min3A_156, %max3A_155 : vector<16xi32>
      %mul3A_158 = arith.constant 32 : i32
      %mul3A_159 = vector.broadcast %mul3A_158 : i32 to vector<16xi32>
      %mul3A_160 = arith.muli %min3A_157, %mul3A_159 : vector<16xi32>
      %add3A_161 = arith.addi %mul3A_147, %mul3A_160 : vector<16xi32>
      %mul3A_162 = arith.constant 3.200000e+01 : f32
      %mul3A_163 = vector.broadcast %mul3A_162 : f32 to vector<16xf32>
      %mul3A_164 = arith.mulf %gather3A_136, %mul3A_163 : vector<16xf32>
      %convert_element_type3A_165 = arith.fptosi %mul3A_164 : vector<16xf32> to vector<16xi32>
      %jit3A_166 = arith.constant 0 : i32
      %jit3A_167 = arith.constant 31 : i32
      %max3A_168 = vector.broadcast %jit3A_166 : i32 to vector<16xi32>
      %max3A_169 = arith.maxsi %max3A_168, %convert_element_type3A_165 : vector<16xi32>
      %min3A_170 = vector.broadcast %jit3A_167 : i32 to vector<16xi32>
      %min3A_171 = arith.minsi %min3A_170, %max3A_169 : vector<16xi32>
      %add3A_172 = arith.addi %add3A_161, %min3A_171 : vector<16xi32>
      %mul3A_173 = arith.constant 16 : i32
      %mul3A_174 = arith.muli %while3A_121, %mul3A_173 : i32
      %add3A_175 = vector.broadcast %mul3A_174 : i32 to vector<16xi32>
      %add3A_176 = arith.addi %add3A_175, %iota3A : vector<16xi32>
      tpu.vector_store_idx %arg5[%add3A_176], %add3A_172 : memref<3136xi32, #tpu.memory_space<vmem>>[vector<16xi32>], vector<16xi32>,
    }
    %while3A_80 = arith.constant 1 : i32
    scf.for %while3A_121 = %while3A_78 to %while3A_74 step %while3A_80  : i32 {
      %mul3A_122 = arith.constant 16 : i32
      %mul3A_123 = arith.muli %while3A_121, %mul3A_122 : i32
      %add3A_124 = vector.broadcast %mul3A_123 : i32 to vector<16xi32>
      %add3A_125 = arith.addi %add3A_124, %iota3A : vector<16xi32>
      %mul3A_126 = arith.constant 3 : i32
      %mul3A_127 = vector.broadcast %mul3A_126 : i32 to vector<16xi32>
      %mul3A_128 = arith.muli %add3A_125, %mul3A_127 : vector<16xi32>
      %gather3A = tpu.vector_load_idx %arg4[%mul3A_128] : memref<9408xf32, #tpu.memory_space<vmem>>[vector<16xi32>], vector<16xf32>,
      %add3A_129 = arith.constant 1 : i32
      %add3A_130 = vector.broadcast %add3A_129 : i32 to vector<16xi32>
      %add3A_131 = arith.addi %mul3A_128, %add3A_130 : vector<16xi32>
      %gather3A_132 = tpu.vector_load_idx %arg4[%add3A_131] : memref<9408xf32, #tpu.memory_space<vmem>>[vector<16xi32>], vector<16xf32>,
      %add3A_133 = arith.constant 2 : i32
      %add3A_134 = vector.broadcast %add3A_133 : i32 to vector<16xi32>
      %add3A_135 = arith.addi %mul3A_128, %add3A_134 : vector<16xi32>
      %gather3A_136 = tpu.vector_load_idx %arg4[%add3A_135] : memref<9408xf32, #tpu.memory_space<vmem>>[vector<16xi32>], vector<16xf32>,
      %mul3A_137 = arith.constant 3.200000e+01 : f32
      %mul3A_138 = vector.broadcast %mul3A_137 : f32 to vector<16xf32>
      %mul3A_139 = arith.mulf %gather3A, %mul3A_138 : vector<16xf32>
      %convert_element_type3A_140 = arith.fptosi %mul3A_139 : vector<16xf32> to vector<16xi32>
      %jit3A_141 = arith.constant 0 : i32
      %jit3A_142 = arith.constant 31 : i32
      %max3A = vector.broadcast %jit3A_141 : i32 to vector<16xi32>
      %max3A_143 = arith.maxsi %max3A, %convert_element_type3A_140 : vector<16xi32>
      %min3A = vector.broadcast %jit3A_142 : i32 to vector<16xi32>
      %min3A_144 = arith.minsi %min3A, %max3A_143 : vector<16xi32>
      %mul3A_145 = arith.constant 1024 : i32
      %mul3A_146 = vector.broadcast %mul3A_145 : i32 to vector<16xi32>
      %mul3A_147 = arith.muli %min3A_144, %mul3A_146 : vector<16xi32>
      %mul3A_148 = arith.constant 3.200000e+01 : f32
      %mul3A_149 = vector.broadcast %mul3A_148 : f32 to vector<16xf32>
      %mul3A_150 = arith.mulf %gather3A_132, %mul3A_149 : vector<16xf32>
      %convert_element_type3A_151 = arith.fptosi %mul3A_150 : vector<16xf32> to vector<16xi32>
      %jit3A_152 = arith.constant 0 : i32
      %jit3A_153 = arith.constant 31 : i32
      %max3A_154 = vector.broadcast %jit3A_152 : i32 to vector<16xi32>
      %max3A_155 = arith.maxsi %max3A_154, %convert_element_type3A_151 : vector<16xi32>
      %min3A_156 = vector.broadcast %jit3A_153 : i32 to vector<16xi32>
      %min3A_157 = arith.minsi %min3A_156, %max3A_155 : vector<16xi32>
      %mul3A_158 = arith.constant 32 : i32
      %mul3A_159 = vector.broadcast %mul3A_158 : i32 to vector<16xi32>
      %mul3A_160 = arith.muli %min3A_157, %mul3A_159 : vector<16xi32>
      %add3A_161 = arith.addi %mul3A_147, %mul3A_160 : vector<16xi32>
      %mul3A_162 = arith.constant 3.200000e+01 : f32
      %mul3A_163 = vector.broadcast %mul3A_162 : f32 to vector<16xf32>
      %mul3A_164 = arith.mulf %gather3A_136, %mul3A_163 : vector<16xf32>
      %convert_element_type3A_165 = arith.fptosi %mul3A_164 : vector<16xf32> to vector<16xi32>
      %jit3A_166 = arith.constant 0 : i32
      %jit3A_167 = arith.constant 31 : i32
      %max3A_168 = vector.broadcast %jit3A_166 : i32 to vector<16xi32>
      %max3A_169 = arith.maxsi %max3A_168, %convert_element_type3A_165 : vector<16xi32>
      %min3A_170 = vector.broadcast %jit3A_167 : i32 to vector<16xi32>
      %min3A_171 = arith.minsi %min3A_170, %max3A_169 : vector<16xi32>
      %add3A_172 = arith.addi %add3A_161, %min3A_171 : vector<16xi32>
      %mul3A_173 = arith.constant 16 : i32
      %mul3A_174 = arith.muli %while3A_121, %mul3A_173 : i32
      %add3A_175 = vector.broadcast %mul3A_174 : i32 to vector<16xi32>
      %add3A_176 = arith.addi %add3A_175, %iota3A : vector<16xi32>
      tpu.vector_store_idx %arg5[%add3A_176], %add3A_172 : memref<3136xi32, #tpu.memory_space<vmem>>[vector<16xi32>], vector<16xi32>,
    }
    %eq3A_81 = arith.constant 31 : i32
    %eq3A_82 = arith.cmpi eq, %add3A, %eq3A_81 : i32
    %convert_element_type3A_83 = arith.extui %eq3A_82 : i1 to i32
    %cond3A_84 = arith.constant 0 : i32
    %cond3A_85 = arith.cmpi ne, %convert_element_type3A_83, %cond3A_84 : i32
    scf.if %cond3A_85 {
      %add3A_121 = arith.constant 200000 : i32
      %add3A_122 = arith.addi %add3A_121, %mul3A_2 : i32
      "tpu.region"() ({
        %run_scoped3A = tpu.sem_alloc : memref<!tpu.dma_semaphore, #tpu.memory_space<semaphore_mem>>
        %dma_start3A = arith.constant 0 : i32
        %dma_start3A_123 = tpu.memref_slice %arg5[%dma_start3A] : memref<3136xi32, #tpu.memory_space<vmem>> -> memref<2784xi32, #tpu.memory_space<vmem>>
        %dma_start3A_124 = tpu.memref_slice %arg3[%add3A_122] : memref<400000xi32, #tpu.memory_space<hbm>> -> memref<2784xi32, #tpu.memory_space<hbm>>
        %dma_start3A_125 = tpu.memref_slice %arg3[%add3A_122] : memref<400000xi32, #tpu.memory_space<hbm>> -> memref<2784xi32, #tpu.memory_space<hbm>>
        %dma_start3A_126 = arith.constant 0 : i32
        %dma_start3A_127 = tpu.memref_slice %arg5[%dma_start3A_126] : memref<3136xi32, #tpu.memory_space<vmem>> -> memref<2784xi32, #tpu.memory_space<vmem>>
        tpu.enqueue_dma source(%dma_start3A_127 : memref<2784xi32, #tpu.memory_space<vmem>>) target(%dma_start3A_125 : memref<2784xi32, #tpu.memory_space<hbm>>) target_semaphore(%run_scoped3A : memref<!tpu.dma_semaphore, #tpu.memory_space<semaphore_mem>>)
        %dma_wait3A = arith.constant 0 : i32
        %dma_wait3A_128 = tpu.memref_slice %arg5[%dma_wait3A] : memref<3136xi32, #tpu.memory_space<vmem>> -> memref<2784xi32, #tpu.memory_space<vmem>>
        %dma_wait3A_129 = tpu.memref_slice %arg3[%add3A_122] : memref<400000xi32, #tpu.memory_space<hbm>> -> memref<2784xi32, #tpu.memory_space<hbm>>
        %dma_wait3A_130 = tpu.memref_slice %arg3[%add3A_122] : memref<400000xi32, #tpu.memory_space<hbm>> -> memref<2784xi32, #tpu.memory_space<hbm>>
        %dma_wait3A_131 = arith.constant 0 : i32
        %dma_wait3A_132 = tpu.memref_slice %arg5[%dma_wait3A_131] : memref<3136xi32, #tpu.memory_space<vmem>> -> memref<2784xi32, #tpu.memory_space<vmem>>
        tpu.wait_dma2 semaphore(%run_scoped3A : memref<!tpu.dma_semaphore, #tpu.memory_space<semaphore_mem>>) src(%dma_wait3A_132 : memref<2784xi32, #tpu.memory_space<vmem>>) dst(%dma_wait3A_130 : memref<2784xi32, #tpu.memory_space<hbm>>)
        tpu.yield
      }) : () -> ()
    } else {
    }
    %lt3A_86 = arith.constant 31 : i32
    %lt3A_87 = arith.cmpi slt, %add3A, %lt3A_86 : i32
    %convert_element_type3A_88 = arith.extui %lt3A_87 : i1 to i32
    %cond3A_89 = arith.constant 0 : i32
    %cond3A_90 = arith.cmpi ne, %convert_element_type3A_88, %cond3A_89 : i32
    scf.if %cond3A_90 {
      %add3A_121 = arith.constant 200000 : i32
      %add3A_122 = arith.addi %add3A_121, %mul3A_2 : i32
      "tpu.region"() ({
        %run_scoped3A = tpu.sem_alloc : memref<!tpu.dma_semaphore, #tpu.memory_space<semaphore_mem>>
        %dma_start3A = tpu.memref_slice %arg3[%add3A_122] : memref<400000xi32, #tpu.memory_space<hbm>> -> memref<3136xi32, #tpu.memory_space<hbm>>
        %dma_start3A_123 = tpu.memref_slice %arg3[%add3A_122] : memref<400000xi32, #tpu.memory_space<hbm>> -> memref<3136xi32, #tpu.memory_space<hbm>>
        tpu.enqueue_dma source(%arg5 : memref<3136xi32, #tpu.memory_space<vmem>>) target(%dma_start3A_123 : memref<3136xi32, #tpu.memory_space<hbm>>) target_semaphore(%run_scoped3A : memref<!tpu.dma_semaphore, #tpu.memory_space<semaphore_mem>>)
        %dma_wait3A = tpu.memref_slice %arg3[%add3A_122] : memref<400000xi32, #tpu.memory_space<hbm>> -> memref<3136xi32, #tpu.memory_space<hbm>>
        %dma_wait3A_124 = tpu.memref_slice %arg3[%add3A_122] : memref<400000xi32, #tpu.memory_space<hbm>> -> memref<3136xi32, #tpu.memory_space<hbm>>
        tpu.wait_dma2 semaphore(%run_scoped3A : memref<!tpu.dma_semaphore, #tpu.memory_space<semaphore_mem>>) src(%arg5 : memref<3136xi32, #tpu.memory_space<vmem>>) dst(%dma_wait3A_124 : memref<3136xi32, #tpu.memory_space<hbm>>)
        tpu.yield
      }) : () -> ()
    } else {
    }
    %eq3A_91 = arith.constant 31 : i32
    %eq3A_92 = arith.cmpi eq, %add3A, %eq3A_91 : i32
    %convert_element_type3A_93 = arith.extui %eq3A_92 : i1 to i32
    %cond3A_94 = arith.constant 0 : i32
    %cond3A_95 = arith.cmpi ne, %convert_element_type3A_93, %cond3A_94 : i32
    scf.if %cond3A_95 {
      %mul3A_121 = arith.constant 3 : i32
      %mul3A_122 = arith.muli %mul3A_2, %mul3A_121 : i32
      %add3A_123 = arith.constant 900000 : i32
      %add3A_124 = arith.addi %add3A_123, %mul3A_122 : i32
      "tpu.region"() ({
        %run_scoped3A = tpu.sem_alloc : memref<!tpu.dma_semaphore, #tpu.memory_space<semaphore_mem>>
        %dma_start3A = arith.constant 0 : i32
        %dma_start3A_125 = tpu.memref_slice %arg4[%dma_start3A] : memref<9408xf32, #tpu.memory_space<vmem>> -> memref<8352xf32, #tpu.memory_space<vmem>>
        %dma_start3A_126 = tpu.memref_slice %arg2[%add3A_124] : memref<1200000xf32, #tpu.memory_space<hbm>> -> memref<8352xf32, #tpu.memory_space<hbm>>
        %dma_start3A_127 = arith.constant 0 : i32
        %dma_start3A_128 = tpu.memref_slice %arg4[%dma_start3A_127] : memref<9408xf32, #tpu.memory_space<vmem>> -> memref<8352xf32, #tpu.memory_space<vmem>>
        %dma_start3A_129 = tpu.memref_slice %arg2[%add3A_124] : memref<1200000xf32, #tpu.memory_space<hbm>> -> memref<8352xf32, #tpu.memory_space<hbm>>
        tpu.enqueue_dma source(%dma_start3A_129 : memref<8352xf32, #tpu.memory_space<hbm>>) target(%dma_start3A_128 : memref<8352xf32, #tpu.memory_space<vmem>>) target_semaphore(%run_scoped3A : memref<!tpu.dma_semaphore, #tpu.memory_space<semaphore_mem>>)
        %dma_wait3A = arith.constant 0 : i32
        %dma_wait3A_130 = tpu.memref_slice %arg4[%dma_wait3A] : memref<9408xf32, #tpu.memory_space<vmem>> -> memref<8352xf32, #tpu.memory_space<vmem>>
        %dma_wait3A_131 = tpu.memref_slice %arg2[%add3A_124] : memref<1200000xf32, #tpu.memory_space<hbm>> -> memref<8352xf32, #tpu.memory_space<hbm>>
        %dma_wait3A_132 = arith.constant 0 : i32
        %dma_wait3A_133 = tpu.memref_slice %arg4[%dma_wait3A_132] : memref<9408xf32, #tpu.memory_space<vmem>> -> memref<8352xf32, #tpu.memory_space<vmem>>
        %dma_wait3A_134 = tpu.memref_slice %arg2[%add3A_124] : memref<1200000xf32, #tpu.memory_space<hbm>> -> memref<8352xf32, #tpu.memory_space<hbm>>
        tpu.wait_dma2 semaphore(%run_scoped3A : memref<!tpu.dma_semaphore, #tpu.memory_space<semaphore_mem>>) src(%dma_wait3A_134 : memref<8352xf32, #tpu.memory_space<hbm>>) dst(%dma_wait3A_133 : memref<8352xf32, #tpu.memory_space<vmem>>)
        tpu.yield
      }) : () -> ()
    } else {
    }
    %lt3A_96 = arith.constant 31 : i32
    %lt3A_97 = arith.cmpi slt, %add3A, %lt3A_96 : i32
    %convert_element_type3A_98 = arith.extui %lt3A_97 : i1 to i32
    %cond3A_99 = arith.constant 0 : i32
    %cond3A_100 = arith.cmpi ne, %convert_element_type3A_98, %cond3A_99 : i32
    scf.if %cond3A_100 {
      %mul3A_121 = arith.constant 3 : i32
      %mul3A_122 = arith.muli %mul3A_2, %mul3A_121 : i32
      %add3A_123 = arith.constant 900000 : i32
      %add3A_124 = arith.addi %add3A_123, %mul3A_122 : i32
      "tpu.region"() ({
        %run_scoped3A = tpu.sem_alloc : memref<!tpu.dma_semaphore, #tpu.memory_space<semaphore_mem>>
        %dma_start3A = tpu.memref_slice %arg2[%add3A_124] : memref<1200000xf32, #tpu.memory_space<hbm>> -> memref<9408xf32, #tpu.memory_space<hbm>>
        %dma_start3A_125 = tpu.memref_slice %arg2[%add3A_124] : memref<1200000xf32, #tpu.memory_space<hbm>> -> memref<9408xf32, #tpu.memory_space<hbm>>
        tpu.enqueue_dma source(%dma_start3A_125 : memref<9408xf32, #tpu.memory_space<hbm>>) target(%arg4 : memref<9408xf32, #tpu.memory_space<vmem>>) target_semaphore(%run_scoped3A : memref<!tpu.dma_semaphore, #tpu.memory_space<semaphore_mem>>)
        %dma_wait3A = tpu.memref_slice %arg2[%add3A_124] : memref<1200000xf32, #tpu.memory_space<hbm>> -> memref<9408xf32, #tpu.memory_space<hbm>>
        %dma_wait3A_126 = tpu.memref_slice %arg2[%add3A_124] : memref<1200000xf32, #tpu.memory_space<hbm>> -> memref<9408xf32, #tpu.memory_space<hbm>>
        tpu.wait_dma2 semaphore(%run_scoped3A : memref<!tpu.dma_semaphore, #tpu.memory_space<semaphore_mem>>) src(%dma_wait3A_126 : memref<9408xf32, #tpu.memory_space<hbm>>) dst(%arg4 : memref<9408xf32, #tpu.memory_space<vmem>>)
        tpu.yield
      }) : () -> ()
    } else {
    }
    %while3A_101 = arith.constant 0 : i32
    %while3A_102 = arith.constant 0 : i32
    %while3A_103 = arith.subi %select_n3A, %while3A_102 : i32
    %while3A_104 = arith.addi %while3A_102, %while3A_103 : i32
    %while3A_105 = arith.constant 1 : i32
    %while3A_106 = arith.divsi %while3A_103, %while3A_105 : i32
    %while3A_107 = arith.muli %while3A_106, %while3A_105 : i32
    %while3A_108 = arith.addi %while3A_102, %while3A_107 : i32
    %while3A_109 = arith.constant 1 : i32
    scf.for %while3A_121 = %while3A_102 to %while3A_108 step %while3A_109  : i32 {
      %mul3A_122 = arith.constant 16 : i32
      %mul3A_123 = arith.muli %while3A_121, %mul3A_122 : i32
      %add3A_124 = vector.broadcast %mul3A_123 : i32 to vector<16xi32>
      %add3A_125 = arith.addi %add3A_124, %iota3A : vector<16xi32>
      %mul3A_126 = arith.constant 3 : i32
      %mul3A_127 = vector.broadcast %mul3A_126 : i32 to vector<16xi32>
      %mul3A_128 = arith.muli %add3A_125, %mul3A_127 : vector<16xi32>
      %gather3A = tpu.vector_load_idx %arg4[%mul3A_128] : memref<9408xf32, #tpu.memory_space<vmem>>[vector<16xi32>], vector<16xf32>,
      %add3A_129 = arith.constant 1 : i32
      %add3A_130 = vector.broadcast %add3A_129 : i32 to vector<16xi32>
      %add3A_131 = arith.addi %mul3A_128, %add3A_130 : vector<16xi32>
      %gather3A_132 = tpu.vector_load_idx %arg4[%add3A_131] : memref<9408xf32, #tpu.memory_space<vmem>>[vector<16xi32>], vector<16xf32>,
      %add3A_133 = arith.constant 2 : i32
      %add3A_134 = vector.broadcast %add3A_133 : i32 to vector<16xi32>
      %add3A_135 = arith.addi %mul3A_128, %add3A_134 : vector<16xi32>
      %gather3A_136 = tpu.vector_load_idx %arg4[%add3A_135] : memref<9408xf32, #tpu.memory_space<vmem>>[vector<16xi32>], vector<16xf32>,
      %mul3A_137 = arith.constant 3.200000e+01 : f32
      %mul3A_138 = vector.broadcast %mul3A_137 : f32 to vector<16xf32>
      %mul3A_139 = arith.mulf %gather3A, %mul3A_138 : vector<16xf32>
      %convert_element_type3A_140 = arith.fptosi %mul3A_139 : vector<16xf32> to vector<16xi32>
      %jit3A_141 = arith.constant 0 : i32
      %jit3A_142 = arith.constant 31 : i32
      %max3A = vector.broadcast %jit3A_141 : i32 to vector<16xi32>
      %max3A_143 = arith.maxsi %max3A, %convert_element_type3A_140 : vector<16xi32>
      %min3A = vector.broadcast %jit3A_142 : i32 to vector<16xi32>
      %min3A_144 = arith.minsi %min3A, %max3A_143 : vector<16xi32>
      %mul3A_145 = arith.constant 1024 : i32
      %mul3A_146 = vector.broadcast %mul3A_145 : i32 to vector<16xi32>
      %mul3A_147 = arith.muli %min3A_144, %mul3A_146 : vector<16xi32>
      %mul3A_148 = arith.constant 3.200000e+01 : f32
      %mul3A_149 = vector.broadcast %mul3A_148 : f32 to vector<16xf32>
      %mul3A_150 = arith.mulf %gather3A_132, %mul3A_149 : vector<16xf32>
      %convert_element_type3A_151 = arith.fptosi %mul3A_150 : vector<16xf32> to vector<16xi32>
      %jit3A_152 = arith.constant 0 : i32
      %jit3A_153 = arith.constant 31 : i32
      %max3A_154 = vector.broadcast %jit3A_152 : i32 to vector<16xi32>
      %max3A_155 = arith.maxsi %max3A_154, %convert_element_type3A_151 : vector<16xi32>
      %min3A_156 = vector.broadcast %jit3A_153 : i32 to vector<16xi32>
      %min3A_157 = arith.minsi %min3A_156, %max3A_155 : vector<16xi32>
      %mul3A_158 = arith.constant 32 : i32
      %mul3A_159 = vector.broadcast %mul3A_158 : i32 to vector<16xi32>
      %mul3A_160 = arith.muli %min3A_157, %mul3A_159 : vector<16xi32>
      %add3A_161 = arith.addi %mul3A_147, %mul3A_160 : vector<16xi32>
      %mul3A_162 = arith.constant 3.200000e+01 : f32
      %mul3A_163 = vector.broadcast %mul3A_162 : f32 to vector<16xf32>
      %mul3A_164 = arith.mulf %gather3A_136, %mul3A_163 : vector<16xf32>
      %convert_element_type3A_165 = arith.fptosi %mul3A_164 : vector<16xf32> to vector<16xi32>
      %jit3A_166 = arith.constant 0 : i32
      %jit3A_167 = arith.constant 31 : i32
      %max3A_168 = vector.broadcast %jit3A_166 : i32 to vector<16xi32>
      %max3A_169 = arith.maxsi %max3A_168, %convert_element_type3A_165 : vector<16xi32>
      %min3A_170 = vector.broadcast %jit3A_167 : i32 to vector<16xi32>
      %min3A_171 = arith.minsi %min3A_170, %max3A_169 : vector<16xi32>
      %add3A_172 = arith.addi %add3A_161, %min3A_171 : vector<16xi32>
      %mul3A_173 = arith.constant 16 : i32
      %mul3A_174 = arith.muli %while3A_121, %mul3A_173 : i32
      %add3A_175 = vector.broadcast %mul3A_174 : i32 to vector<16xi32>
      %add3A_176 = arith.addi %add3A_175, %iota3A : vector<16xi32>
      tpu.vector_store_idx %arg5[%add3A_176], %add3A_172 : memref<3136xi32, #tpu.memory_space<vmem>>[vector<16xi32>], vector<16xi32>,
    }
    %while3A_110 = arith.constant 1 : i32
    scf.for %while3A_121 = %while3A_108 to %while3A_104 step %while3A_110  : i32 {
      %mul3A_122 = arith.constant 16 : i32
      %mul3A_123 = arith.muli %while3A_121, %mul3A_122 : i32
      %add3A_124 = vector.broadcast %mul3A_123 : i32 to vector<16xi32>
      %add3A_125 = arith.addi %add3A_124, %iota3A : vector<16xi32>
      %mul3A_126 = arith.constant 3 : i32
      %mul3A_127 = vector.broadcast %mul3A_126 : i32 to vector<16xi32>
      %mul3A_128 = arith.muli %add3A_125, %mul3A_127 : vector<16xi32>
      %gather3A = tpu.vector_load_idx %arg4[%mul3A_128] : memref<9408xf32, #tpu.memory_space<vmem>>[vector<16xi32>], vector<16xf32>,
      %add3A_129 = arith.constant 1 : i32
      %add3A_130 = vector.broadcast %add3A_129 : i32 to vector<16xi32>
      %add3A_131 = arith.addi %mul3A_128, %add3A_130 : vector<16xi32>
      %gather3A_132 = tpu.vector_load_idx %arg4[%add3A_131] : memref<9408xf32, #tpu.memory_space<vmem>>[vector<16xi32>], vector<16xf32>,
      %add3A_133 = arith.constant 2 : i32
      %add3A_134 = vector.broadcast %add3A_133 : i32 to vector<16xi32>
      %add3A_135 = arith.addi %mul3A_128, %add3A_134 : vector<16xi32>
      %gather3A_136 = tpu.vector_load_idx %arg4[%add3A_135] : memref<9408xf32, #tpu.memory_space<vmem>>[vector<16xi32>], vector<16xf32>,
      %mul3A_137 = arith.constant 3.200000e+01 : f32
      %mul3A_138 = vector.broadcast %mul3A_137 : f32 to vector<16xf32>
      %mul3A_139 = arith.mulf %gather3A, %mul3A_138 : vector<16xf32>
      %convert_element_type3A_140 = arith.fptosi %mul3A_139 : vector<16xf32> to vector<16xi32>
      %jit3A_141 = arith.constant 0 : i32
      %jit3A_142 = arith.constant 31 : i32
      %max3A = vector.broadcast %jit3A_141 : i32 to vector<16xi32>
      %max3A_143 = arith.maxsi %max3A, %convert_element_type3A_140 : vector<16xi32>
      %min3A = vector.broadcast %jit3A_142 : i32 to vector<16xi32>
      %min3A_144 = arith.minsi %min3A, %max3A_143 : vector<16xi32>
      %mul3A_145 = arith.constant 1024 : i32
      %mul3A_146 = vector.broadcast %mul3A_145 : i32 to vector<16xi32>
      %mul3A_147 = arith.muli %min3A_144, %mul3A_146 : vector<16xi32>
      %mul3A_148 = arith.constant 3.200000e+01 : f32
      %mul3A_149 = vector.broadcast %mul3A_148 : f32 to vector<16xf32>
      %mul3A_150 = arith.mulf %gather3A_132, %mul3A_149 : vector<16xf32>
      %convert_element_type3A_151 = arith.fptosi %mul3A_150 : vector<16xf32> to vector<16xi32>
      %jit3A_152 = arith.constant 0 : i32
      %jit3A_153 = arith.constant 31 : i32
      %max3A_154 = vector.broadcast %jit3A_152 : i32 to vector<16xi32>
      %max3A_155 = arith.maxsi %max3A_154, %convert_element_type3A_151 : vector<16xi32>
      %min3A_156 = vector.broadcast %jit3A_153 : i32 to vector<16xi32>
      %min3A_157 = arith.minsi %min3A_156, %max3A_155 : vector<16xi32>
      %mul3A_158 = arith.constant 32 : i32
      %mul3A_159 = vector.broadcast %mul3A_158 : i32 to vector<16xi32>
      %mul3A_160 = arith.muli %min3A_157, %mul3A_159 : vector<16xi32>
      %add3A_161 = arith.addi %mul3A_147, %mul3A_160 : vector<16xi32>
      %mul3A_162 = arith.constant 3.200000e+01 : f32
      %mul3A_163 = vector.broadcast %mul3A_162 : f32 to vector<16xf32>
      %mul3A_164 = arith.mulf %gather3A_136, %mul3A_163 : vector<16xf32>
      %convert_element_type3A_165 = arith.fptosi %mul3A_164 : vector<16xf32> to vector<16xi32>
      %jit3A_166 = arith.constant 0 : i32
      %jit3A_167 = arith.constant 31 : i32
      %max3A_168 = vector.broadcast %jit3A_166 : i32 to vector<16xi32>
      %max3A_169 = arith.maxsi %max3A_168, %convert_element_type3A_165 : vector<16xi32>
      %min3A_170 = vector.broadcast %jit3A_167 : i32 to vector<16xi32>
      %min3A_171 = arith.minsi %min3A_170, %max3A_169 : vector<16xi32>
      %add3A_172 = arith.addi %add3A_161, %min3A_171 : vector<16xi32>
      %mul3A_173 = arith.constant 16 : i32
      %mul3A_174 = arith.muli %while3A_121, %mul3A_173 : i32
      %add3A_175 = vector.broadcast %mul3A_174 : i32 to vector<16xi32>
      %add3A_176 = arith.addi %add3A_175, %iota3A : vector<16xi32>
      tpu.vector_store_idx %arg5[%add3A_176], %add3A_172 : memref<3136xi32, #tpu.memory_space<vmem>>[vector<16xi32>], vector<16xi32>,
    }
    %eq3A_111 = arith.constant 31 : i32
    %eq3A_112 = arith.cmpi eq, %add3A, %eq3A_111 : i32
    %convert_element_type3A_113 = arith.extui %eq3A_112 : i1 to i32
    %cond3A_114 = arith.constant 0 : i32
    %cond3A_115 = arith.cmpi ne, %convert_element_type3A_113, %cond3A_114 : i32
    scf.if %cond3A_115 {
      %add3A_121 = arith.constant 300000 : i32
      %add3A_122 = arith.addi %add3A_121, %mul3A_2 : i32
      "tpu.region"() ({
        %run_scoped3A = tpu.sem_alloc : memref<!tpu.dma_semaphore, #tpu.memory_space<semaphore_mem>>
        %dma_start3A = arith.constant 0 : i32
        %dma_start3A_123 = tpu.memref_slice %arg5[%dma_start3A] : memref<3136xi32, #tpu.memory_space<vmem>> -> memref<2784xi32, #tpu.memory_space<vmem>>
        %dma_start3A_124 = tpu.memref_slice %arg3[%add3A_122] : memref<400000xi32, #tpu.memory_space<hbm>> -> memref<2784xi32, #tpu.memory_space<hbm>>
        %dma_start3A_125 = tpu.memref_slice %arg3[%add3A_122] : memref<400000xi32, #tpu.memory_space<hbm>> -> memref<2784xi32, #tpu.memory_space<hbm>>
        %dma_start3A_126 = arith.constant 0 : i32
        %dma_start3A_127 = tpu.memref_slice %arg5[%dma_start3A_126] : memref<3136xi32, #tpu.memory_space<vmem>> -> memref<2784xi32, #tpu.memory_space<vmem>>
        tpu.enqueue_dma source(%dma_start3A_127 : memref<2784xi32, #tpu.memory_space<vmem>>) target(%dma_start3A_125 : memref<2784xi32, #tpu.memory_space<hbm>>) target_semaphore(%run_scoped3A : memref<!tpu.dma_semaphore, #tpu.memory_space<semaphore_mem>>)
        %dma_wait3A = arith.constant 0 : i32
        %dma_wait3A_128 = tpu.memref_slice %arg5[%dma_wait3A] : memref<3136xi32, #tpu.memory_space<vmem>> -> memref<2784xi32, #tpu.memory_space<vmem>>
        %dma_wait3A_129 = tpu.memref_slice %arg3[%add3A_122] : memref<400000xi32, #tpu.memory_space<hbm>> -> memref<2784xi32, #tpu.memory_space<hbm>>
        %dma_wait3A_130 = tpu.memref_slice %arg3[%add3A_122] : memref<400000xi32, #tpu.memory_space<hbm>> -> memref<2784xi32, #tpu.memory_space<hbm>>
        %dma_wait3A_131 = arith.constant 0 : i32
        %dma_wait3A_132 = tpu.memref_slice %arg5[%dma_wait3A_131] : memref<3136xi32, #tpu.memory_space<vmem>> -> memref<2784xi32, #tpu.memory_space<vmem>>
        tpu.wait_dma2 semaphore(%run_scoped3A : memref<!tpu.dma_semaphore, #tpu.memory_space<semaphore_mem>>) src(%dma_wait3A_132 : memref<2784xi32, #tpu.memory_space<vmem>>) dst(%dma_wait3A_130 : memref<2784xi32, #tpu.memory_space<hbm>>)
        tpu.yield
      }) : () -> ()
    } else {
    }
    %lt3A_116 = arith.constant 31 : i32
    %lt3A_117 = arith.cmpi slt, %add3A, %lt3A_116 : i32
    %convert_element_type3A_118 = arith.extui %lt3A_117 : i1 to i32
    %cond3A_119 = arith.constant 0 : i32
    %cond3A_120 = arith.cmpi ne, %convert_element_type3A_118, %cond3A_119 : i32
    scf.if %cond3A_120 {
      %add3A_121 = arith.constant 300000 : i32
      %add3A_122 = arith.addi %add3A_121, %mul3A_2 : i32
      "tpu.region"() ({
        %run_scoped3A = tpu.sem_alloc : memref<!tpu.dma_semaphore, #tpu.memory_space<semaphore_mem>>
        %dma_start3A = tpu.memref_slice %arg3[%add3A_122] : memref<400000xi32, #tpu.memory_space<hbm>> -> memref<3136xi32, #tpu.memory_space<hbm>>
        %dma_start3A_123 = tpu.memref_slice %arg3[%add3A_122] : memref<400000xi32, #tpu.memory_space<hbm>> -> memref<3136xi32, #tpu.memory_space<hbm>>
        tpu.enqueue_dma source(%arg5 : memref<3136xi32, #tpu.memory_space<vmem>>) target(%dma_start3A_123 : memref<3136xi32, #tpu.memory_space<hbm>>) target_semaphore(%run_scoped3A : memref<!tpu.dma_semaphore, #tpu.memory_space<semaphore_mem>>)
        %dma_wait3A = tpu.memref_slice %arg3[%add3A_122] : memref<400000xi32, #tpu.memory_space<hbm>> -> memref<3136xi32, #tpu.memory_space<hbm>>
        %dma_wait3A_124 = tpu.memref_slice %arg3[%add3A_122] : memref<400000xi32, #tpu.memory_space<hbm>> -> memref<3136xi32, #tpu.memory_space<hbm>>
        tpu.wait_dma2 semaphore(%run_scoped3A : memref<!tpu.dma_semaphore, #tpu.memory_space<semaphore_mem>>) src(%arg5 : memref<3136xi32, #tpu.memory_space<vmem>>) dst(%dma_wait3A_124 : memref<3136xi32, #tpu.memory_space<hbm>>)
        tpu.yield
      }) : () -> ()
    } else {
    }
    return
  }
}

module attributes {stable_mosaic.version = 14 : i64} {
  func.func @_tr_body(%arg0: i32, %arg1: i32, %arg2: memref<1x128x2048xf32, #tpu.memory_space<vmem>>, %arg3: memref<1x2048x128xf32, #tpu.memory_space<vmem>>) attributes {dimension_semantics = [#tpu.dimension_semantics<arbitrary>, #tpu.dimension_semantics<arbitrary>], iteration_bounds = array<i64: 4, 49>, scalar_prefetch = 0 : i64, scratch_operands = 0 : i64, tpu.core_type = #tpu.core_type<tc>, window_params = [{transform_indices = @transform_0, window_bounds = array<i64: 1, 128, 2048>}, {transform_indices = @transform_1, window_bounds = array<i64: 1, 2048, 128>}]} {
    %get3A = arith.constant 0 : index
    %get3A_0 = arith.constant 0 : index
    %get3A_1 = arith.constant 0 : index
    %get3A_2 = vector.load %arg2[%get3A, %get3A_0, %get3A_1] : memref<1x128x2048xf32, #tpu.memory_space<vmem>>, vector<1x128x2048xf32>
    %get3A_3 = vector.shape_cast %get3A_2 : vector<1x128x2048xf32> to vector<128x2048xf32>
    %transpose3A = tpu.transpose %get3A_3, [1, 0] : vector<128x2048xf32> -> vector<2048x128xf32>
    %swap3A = arith.constant 0 : index
    %swap3A_4 = arith.constant 0 : index
    %swap3A_5 = arith.constant 0 : index
    %swap3A_6 = vector.load %arg3[%swap3A, %swap3A_4, %swap3A_5] : memref<1x2048x128xf32, #tpu.memory_space<vmem>>, vector<1x2048x128xf32>
    %swap3A_7 = vector.shape_cast %swap3A_6 : vector<1x2048x128xf32> to vector<2048x128xf32>
    %swap3A_8 = vector.shape_cast %transpose3A : vector<2048x128xf32> to vector<1x2048x128xf32>
    tpu.vector_store %arg3[%swap3A, %swap3A_4, %swap3A_5], %swap3A_8 {strides = array<i32>} : memref<1x2048x128xf32, #tpu.memory_space<vmem>>, vector<1x2048x128xf32>,
    return
  }
  func.func @transform_0(%arg0: i32, %arg1: i32) -> (i32, i32, i32) {
    %c0_i32 = arith.constant 0 : i32
    %c0_i32_0 = arith.constant 0 : i32
    return %arg0, %c0_i32, %arg1 : i32, i32, i32
  }
  func.func @transform_1(%arg0: i32, %arg1: i32) -> (i32, i32, i32) {
    %c0_i32 = arith.constant 0 : i32
    %c0_i32_0 = arith.constant 0 : i32
    return %arg0, %arg1, %c0_i32 : i32, i32, i32
  }
}

</mosaic_0001>

<sc_bundles>
// kernel: kernel.5.cloned.1.call-start
scs
__scs_entry_jumppad:
0x0: {  	(pc) =	sbr.rel $0x88, $3  }
0x1: {  	(tag) =	ssettag $0x0;
	lr =	simm.s32 $0x1  }
0x2: {  	[smem:$0x3F9F] =	sst lr;
	_ =	strace $0xD0000000  }
0x3: {  	_ = 	snop  }
0x4: {  	_ = 	snop  }
0x5: {  	_ = 	snop  }
0x6: {  	_ = 	snop  }
0x7: {  	_ = 	snop  }
__scs_overlays_trampoline_lowered:
0x8: {  	[smem:$0x3FAE] =	sst s0  }
0x9: {  	[smem:$0x3FAF] =	sst s1  }
0xa: {  	[smem:$0x3FB0] =	sst s2  }
0xb: {  	[smem:$0x3FB1] =	sst s3  }
0xc: {  	[smem:$0x3FB2] =	sst s4  }
0xd: {  	[smem:$0x3FB3] =	sst s5  }
0xe: {  	[smem:$0x3FB4] =	sst s6  }
0xf: {  	[smem:$0x3FB5] =	sst s7  }
0x10: {  	[smem:$0x3FB6] =	sst s8  }
0x11: {  	[smem:$0x3FB7] =	sst s9;
	s0 =	simm.s32 @!p0 $0x0  }
0x12: {  	s1 =	sld [smem:$0x3F9D];
	s0 =	simm.s32 @p0 $0x1  }
0x13: {  	[smem:$0x3FB8] =	sst s0;
	s0 =	simm.s32 @!p1 $0x0  }
0x14: {  	s2 =	sld [smem:$0x3F9C];
	s0 =	simm.s32 @p1 $0x1  }
0x15: {  	[smem:$0x3FB9] =	sst s0;
	s0 =	simm.s32 @!p2 $0x0  }
0x16: {  	s3 =	sld [smem:$0x3FDB];
	s0 =	simm.s32 @p2 $0x1  }
0x17: {  	s4 =	simm.s32 $0x1BF5;
	[smem:$0x3FBB] =	sst s0  }
0x18: {  	s0 =	sld [smem:$0x3F9E];
	_ =	swait.ge [sflag:s4], $0x0  }
0x19: {  	s7 =	sld [smem:$0x3F9F]  }
0x1a: {  	s8 =	sadd.s32 $0xFFFFE003, lr  }
0x1b: {  	s9 =	sadd.s32 $0xFFFFFEF7, lr;
	s5 =	simm.s32 $0xFFFFFFFF;
	p2 =	slt.u32 s8, $0xFFFFF086  }
0x1c: {  	p1 =	slt.u32 s9, $0xF7A;
	s5 =	simm.s32 @!p2 $0x0  }
0x1d: {  	s5 =	simm.s32 @p1 $0x1;
	p0 =	seq.s32 s7, s2  }
0x1e: {  	s7 =	smul.u32 @!p0 $0xF7A, s2;
	p2 =	seq.s32 @!p0 s5, $0x0  }
0x1f: {  	s9 =	smul.u32 $0xF7A, s1;
	s8 =	simm.s32 @!p0 $0x1BF5;
	p2 =	por !p2, p0  }
0x20: {  	[sflag:s8] =	ssyncset.s32 @!p0 $0xFFFFF086;
	s6 =	sadd.s32 @!p0 s3, s7;
	s7 =	simm.s32 @!p0 $0x108  }
0x21: {  	s3 =	sadd.s32 s3, s9;
	s6 =	sadd.s32 @!p0 $0x88, s6;
	s7 =	simm.s32 @p2 $0x1082  }
0x22: {  	[simem:s7], [sflag:s8] =	dma.local @!p0 [hbm:s6], $0xF7A  }
0x23: {  	s9 =	sor.u32 $0xD0000000, s2;
	s6 =	simm.s32 $0x108;
	_ =	swait.ge @!p0 [sflag:s8], $0x0  }
0x24: {  	s3 =	sadd.s32 $0x88, s3;
	s6 =	simm.s32 @!p1 $0x1082;
	[sflag:s4] =	ssyncset.s32 $0xFFFFF086  }
0x25: {  	[simem:s6], [sflag:s4] =	dma.local [hbm:s3], $0xF7A  }
0x26: {  	[smem:$0x3F9F] =	sst s1;
	(tag) =	ssettag s2;
	_ =	strace s9  }
0x27: {  	s1 =	sld [smem:$0x3FAF]  }
0x28: {  	s2 =	sld [smem:$0x3FB0]  }
0x29: {  	s4 =	sld [smem:$0x3FB2]  }
0x2a: {  	p0 =	seq.s32 s5, $0x0;
	s5 =	sld [smem:$0x3FB3]  }
0x2b: {  	s6 =	sld [smem:$0x3FB4]  }
0x2c: {  	s7 =	sld [smem:$0x3FB5]  }
0x2d: {  	s3 =	simm.s32 $0x108;
	s8 =	sld [smem:$0x3FB6]  }
0x2e: {  	s3 =	simm.s32 @!p0 $0x1082;
	s9 =	sld [smem:$0x3FB7]  }
0x2f: {  	lr =	sadd.s32 s0, s3;
	s0 =	sld [smem:$0x3FAE]  }
0x30: {  	s3 =	sld [smem:$0x3FB1]  }
0x31: {  	[smem:$0x3FBA] =	sst s10  }
0x32: {  	s10 =	sld [smem:$0x3FB8];
	_ =	sdelay $0x3  }
0x33: {  	p0 =	seq.s32 s10, $0x1;
	s10 =	sld [smem:$0x3FBA];
	_ =	sdelay $0x3  }
0x34: {  	[smem:$0x3FBA] =	sst s10  }
0x35: {  	s10 =	sld [smem:$0x3FB9];
	_ =	sdelay $0x3  }
0x36: {  	p1 =	seq.s32 s10, $0x1;
	s10 =	sld [smem:$0x3FBA];
	_ =	sdelay $0x3  }
0x37: {  	[smem:$0x3FBA] =	sst s10  }
0x38: {  	s10 =	sld [smem:$0x3FBB]  }
0x39: {  	_ = 	snop;
	(pc) =	sbr.ind lr, $3  }
0x3a: {  	_ = 	snop  }
0x3b: {  	_ = 	snop  }
0x3c: {  	p2 =	seq.s32 s10, $0x1;
	s10 =	sld [smem:$0x3FBA]  }
0x3d: {  	_ =	shalt  }
0x3e: {  	_ =	shalt  }
0x3f: {  	_ =	shalt  }
0x40: {  	_ =	shalt  }
0x41: {  	_ =	shalt  }
0x42: {  	_ =	shalt  }
0x43: {  	_ =	shalt  }
0x44: {  	_ =	shalt  }
0x45: {  	_ =	shalt  }
0x46: {  	_ =	shalt  }
0x47: {  	_ =	shalt  }
0x48: {  	_ =	shalt  }
0x49: {  	_ =	shalt  }
0x4a: {  	_ =	shalt  }
0x4b: {  	_ =	shalt  }
0x4c: {  	_ =	shalt  }
0x4d: {  	_ =	shalt  }
0x4e: {  	_ =	shalt  }
0x4f: {  	_ =	shalt  }
0x50: {  	_ =	shalt  }
0x51: {  	_ =	shalt  }
0x52: {  	_ =	shalt  }
0x53: {  	_ =	shalt  }
0x54: {  	_ =	shalt  }
0x55: {  	_ =	shalt  }
0x56: {  	_ =	shalt  }
0x57: {  	_ =	shalt  }
0x58: {  	_ =	shalt  }
0x59: {  	_ =	shalt  }
0x5a: {  	_ =	shalt  }
0x5b: {  	_ =	shalt  }
0x5c: {  	_ =	shalt  }
0x5d: {  	_ =	shalt  }
0x5e: {  	_ =	shalt  }
0x5f: {  	_ =	shalt  }
0x60: {  	_ =	shalt  }
0x61: {  	_ =	shalt  }
0x62: {  	_ =	shalt  }
0x63: {  	_ =	shalt  }
0x64: {  	_ =	shalt  }
0x65: {  	_ =	shalt  }
0x66: {  	_ =	shalt  }
0x67: {  	_ =	shalt  }
0x68: {  	_ =	shalt  }
0x69: {  	_ =	shalt  }
0x6a: {  	_ =	shalt  }
0x6b: {  	_ =	shalt  }
0x6c: {  	_ =	shalt  }
0x6d: {  	_ =	shalt  }
0x6e: {  	_ =	shalt  }
0x6f: {  	_ =	shalt  }
0x70: {  	_ =	shalt  }
0x71: {  	_ =	shalt  }
0x72: {  	_ =	shalt  }
0x73: {  	_ =	shalt  }
0x74: {  	_ =	shalt  }
0x75: {  	_ =	shalt  }
0x76: {  	_ =	shalt  }
0x77: {  	_ =	shalt  }
0x78: {  	_ =	shalt  }
0x79: {  	_ =	shalt  }
0x7a: {  	_ =	shalt  }
0x7b: {  	_ =	shalt  }
0x7c: {  	_ =	shalt  }
0x7d: {  	_ =	shalt  }
0x7e: {  	_ =	shalt  }
0x7f: {  	_ =	shalt  }
0x80: {  	_ =	shalt  }
0x81: {  	_ =	shalt  }
0x82: {  	_ =	shalt  }
0x83: {  	_ =	shalt  }
0x84: {  	_ =	shalt  }
0x85: {  	_ =	shalt  }
0x86: {  	_ =	shalt  }
0x87: {  	_ =	shalt  }
.Lfunc_end0:
.L_simem_size_0:
called_computation_lowered:
.L_overlay_start_0:
0x88: {  	s2 =	sld [smem:$0x3FD9]  }
0x89: {  	s3 =	sld [smem:$0x3FFE];
	_ =	sdelay $0x1  }
0x8a: {  	s1 =	srdreg.scid  }
0x8b: {  	s0 =	sand.u32 $0x1, s1  }
0x8c: {  	s14 =	sshll.u32 s0, $0xA;
	s2 =	sadd.s32 s3, s2  }
0x8d: {  	s2 =	sadd.s32 s2, s14  }
0x8e: {  	[smem:$0x3FC6] =	sst s2  }
0x8f: {  	_ = 	snop  }
0x90: {  	s2 =	sld [smem:$0x3FD0];
	_ =	sdelay $0x2  }
0x91: {  	s15 =	simm.s32 $0xA;
	s4 =	simm.s32 $0x10  }
0x92: {  	[smem:s4], [sflag:s15] =	dma.local [hbm:s2], $0x1  }
0x93: {  	_ =	swait.eq [sflag:s15], $0x1  }
0x94: {  	[sflag:s15] =	ssyncset.done $0x0  }
0x95: {  	[sflag:s15] =	ssyncadd.s32 $0xFFFFFFFF  }
0x96: {  	s16 =	sld [smem:$0x10];
	(tm) =	ssettm $0x1  }
0x97: {  	s17 =	sld [smem:$0x3FFB];
	_ =	sdelay $0x3  }
0x98: {  	_ =	strace s17  }
0x99: {  	s3 =	sld [smem:$0x3FFC];
	_ =	sdelay $0x3  }
0x9a: {  	_ =	strace s3  }
0x9b: {  	s3 =	sld [smem:$0x3FFD];
	_ =	sdelay $0x3  }
0x9c: {  	_ =	strace s3  }
0x9d: {  	_ =	strace $0x8FFFFFFF  }
0x9e: {  	s18 =	sld [smem:$0x3FDB];
	_ =	sdelay $0x1  }
0x9f: {  	s19 =	simm.s32 $_scs_section_size  }
0xa0: {  	s5 =	simm.s32 $_size__tile_overlayer_lowered;
	s6 =	simm.s32 $_tile_overlayer_lowered  }
0xa1: {  	s22 =	simm.s32 $0x1BFF;
	s21 =	sshll.u32 s6, $0x1;
	s3 =	sadd.s32 s19, s18  }
0xa2: {  	s7 =	simm.s32 $0x0;
	s20 =	sshll.u32 s5, $0x1;
	s5 =	sadd.s32 s21, s3  }
0xa3: {  	[timem:s7], [sflag:s22] =	dma.local [hbm:s5], s20  }
0xa4: {  	_ =	swait.ge [sflag:s22], s20  }
0xa5: {  	s4 =	ssub.s32 $0x0, s20;
	[sflag:s22] =	ssyncset.done $0x0  }
0xa6: {  	[sflag:s22] =	ssyncadd.s32 s4;
	_ =	sdelay $0x1  }
0xa7: {  	s23 =	simm.s32 $0x1B8B  }
0xa8: {  	_ =	swait.ge [sflag:s23], $0x1  }
0xa9: {  	[sflag:s23] =	ssyncset.done $0x0  }
0xaa: {  	s25 =	simm.s32 $0x1B8E;
	s24 =	sld [smem:$0x3FFE];
	[sflag:s23] =	ssyncadd.s32 $0xFFFFFFFF  }
0xab: {  	s26 =	simm.s32 $execute0_lowered;
	[smem:$0x3FD2] =	sst s25  }
0xac: {  	s5 =	sshll.u32 s26, $0x1;
	_ =	strace $0x80000046;
	[dreg:$0x1] =	wrdreg $0xFFFFFFFF  }
0xad: {  	s28 =	simm.s32 $_size_execute0_lowered;
	s3 =	sadd.s32 s3, s5;
	[dreg:$0x0] =	wrdreg $0x0  }
0xae: {  	s5 =	sshll.u32 s28, $0x1;
	[dreg:$0x2] =	wrdreg s3  }
0xaf: {  	[dreg:$0x3] =	wrdreg s5  }
0xb0: {  	[dreg:$0x4] =	wrdreg $0xC0  }
0xb1: {  	_ =	task [dreg:s7], $0x5FFFF  }
0xb2: {  	[dreg:$0x1] =	wrdreg $0xFFFFFFFF  }
0xb3: {  	[dreg:$0x0] =	wrdreg $0x60  }
0xb4: {  	[dreg:$0x2] =	wrdreg s16  }
0xb5: {  	[dreg:$0x3] =	wrdreg s24  }
0xb6: {  	[dreg:$0x4] =	wrdreg $0x9  }
0xb7: {  	_ =	task.clear_ibuf [dreg:s7], $0x5FFFF;
	_ =	strace $0x90000046  }
0xb8: {  	s29 =	simm.s32 $0x9;
	_ =	strace $0x80000048  }
0xb9: {  	_ =	swait.ge [sflag:s29], $0x1  }
0xba: {  	[sflag:s29] =	ssyncadd.s32 $0xFFFFFFFF  }
0xbb: {  	_ =	strace $0x90000048  }
0xbc: {  	_ =	sfence  }
0xbd: {  	s30 =	sld [smem:$0x0];
	_ =	sdelay $0x2  }
0xbe: {  	s31 =	sshll.u32 s1, $0xD;
	s1 =	sshrl.u32 s1, $0x2  }
0xbf: {  	s3 =	sand.u32 $0x4000, s31;
	s1 =	sadd.s32 s1, s30  }
0xc0: {  	s0 =	sor.u32 s3, s0;
	s1 =	sshll.u32 s1, $0x11  }
0xc1: {  	s0 =	sor.u32 s1, s0  }
0xc2: {  	s0 =	sadd.s32 $0x8F2B, s0  }
0xc3: {  	[sflag:s0] =	ssyncadd.remote.s32 $0x1  }
0xc4: {  	_ =	sfence.sel $0xFFFF  }
0xc5: {  	[dreg:$0x0] =	wrdreg $0xFFFFFFFF;
	(pc) =	sbr.abs _section_cstart, $3  }
0xc6: {  	[dreg:$0x1] =	wrdreg $0xFFFFFFFF  }
0xc7: {  	_ =	task.clear_ibuf [dreg:s7], $0x2FFFF;
	_ =	strace $0x9FFFFFFF  }
0xc8: {  	(tm) =	ssettm $0x7FFFFFFF  }
0xc9: {  	_ =	shalt  }
tec
execute0_lowered:
.L_overlay_start_1:
0x0: {  	(tag) =	ssettag $0x1  }
0x1: {  	s1 =	srdreg.scid;
	s17 =	rddreg [dreg:$0x0]  }
0x2: {  	s0 =	stileid.u32;
	s19 =	rddreg [dreg:$0x1];
	s2 =	simm.s32 $0x0  }
0x3: {  	s22 =	simm.s32 $0x0;
	s3 =	sand.u32 $0x1, s1;
	s1 =	rddreg [dreg:$0x2]  }
0x4: {  	s30 =	sshll.u32 s0, $0x1;
	[smem:$0x7FF] =	sst s2;
	s8 =	sadd.s32 $0x3D78, s19  }
0x5: {  	s9 =	sadd.s32 $0x120E4, s17;
	s12 =	sadd.s32 $0x6E4C, s19;
	s13 =	sadd.s32 $0x1B360, s17  }
0x6: {  	s16 =	sadd.s32 $0x9F20, s19;
	s21 =	sor.u32 s3, s30;
	_ =	strace $0x80000047  }
0x7: {  	s5 =	ssub.s32 $0x2, s3;
	s3 =	simm.s32 $0xAE0;
	s4 =	smul.u32 $0xC40, s21  }
0x8: {  	s31 =	sshrl.u32 s5, $0x1;
	s6 =	smul.u32 $0x24C0, s21;
	p0 =	seq.s32 s21, $0x1F  }
0x9: {  	s7 =	smul.u32 $0x498, s21;
	s20 =	ssub.s32 s5, s31;
	s3 =	simm.s32 @!p0 $0xC40  }
0xa: {  	s5 =	sadd.s32 $0x8E68, s17;
	p0 =	sne.s32 s21, $0x1F;
	s21 =	simm.s32 $0x2500  }
0xb: {  	s4 =	sshrl.u32 s4, $0x3;
	s6 =	sshrl.u32 s6, $0x3;
	s20 =	smax.u32 s20, $0x1  }
0xc: {  	v0 =	vlaneseq.u32;
	s18 =	sadd.s32 s4, s19;
	s4 =	sadd.s32 s17, s7;
	s15 =	sadd.s32 s17, s6  }
0xd: {  	v1 =	vmul.u32 $0x3, v0;
	s17 =	sadd.s32 $0x245DC, s17;
	s19 =	sadd.s32 $0xCFF4, s19;
	s6 =	sadd.s32 $0xE00, s18  }
0xe: {  	s7 =	sadd.s32 $0x927C, s15;
	s10 =	sadd.s32 $0x3ED4, s18;
	s11 =	sadd.s32 $0x124F8, s15  }
0xf: {  	v2 =	vadd.s32 $0x1, v1;
	v3 =	vadd.s32 $0x2, v1;
	s14 =	sadd.s32 $0x6FA8, s18;
	s15 =	sadd.s32 $0x1B774, s15;
	s18 =	sadd.s32 $0xA07C, s18  }
.LBB2_1:
0x10: {  	s26 =	simm.s32 @p0 $0x0;
	s23 =	simm.s32 @p0 $0x1  }
0x11: {  	v4 =	vmov s2;
	[tilespmem:s26], [sflag:$0x1] =	stream.linear.gather @p0 [hbm4b:s4+s26], $0x24C0, $0x38;
	[tilespmem:$0x3180] =	vst v63  }
0x12: {  	v4 =	vmul.u32 $0x3, v4;
	_ =	swait.ge @p0 [sflag:s23], $0x24C0  }
0x13: {  	[sflag:s23] =	ssyncset.done @p0 $0x0  }
0x14: {  	s25 =	simm.s32 @!p0 $0x0;
	s24 =	simm.s32 @!p0 $0x1;
	v5 =	vadd.s32 v1, v4;
	[sflag:s23] =	ssyncadd.s32 @p0 $0xFFFFDB40  }
0x15: {  	v6 =	vadd.s32 v2, v4;
	[tilespmem:s25], [sflag:$0x1] =	stream.linear.gather @!p0 [hbm4b:s5+s25], $0x20A0, $0x38;
	[tilespmem:$0x3180] =	vst v63  }
0x16: {  	v4 =	vadd.s32 v3, v4;
	_ =	swait.ge @!p0 [sflag:s24], $0x20A0  }
0x17: {  	[sflag:s24] =	ssyncset.done @!p0 $0x0  }
0x18: {  	[sflag:s24] =	ssyncadd.s32 @!p0 $0xFFFFDF60  }
0x19: {  	v5 =	vld.idx.msk [tilespmem:v5+s2+$0x0], $0xffff  }
0x1a: {  	p1 =	sne.s32 s3, $0x10;
	v6 =	vld.idx.msk [tilespmem:v6+s2+$0x0], $0xffff  }
.Ltmp0:
0x1b: {  	v4 =	vld.idx.msk [tilespmem:v4+s2+$0x0], $0xffff;
	(pc) =	sbr.rel @!p1 .LBB2_3-.Ltmp0, $2  }
0x1c: {  	_ =	sdelay $0x2  }
0x1d: {  	s29 =	simm.s32 $0x10;
	s28 =	simm.s32 $0x0;
	v5 =	vmul.f32 $3.200000000e+01, v5;
	v6 =	vmul.f32 $3.200000000e+01, v6  }
.LBB2_2:
0x1e: {  	v7 =	vmov s29;
	v4 =	vmul.f32 $3.200000000e+01, v4  }
0x1f: {  	v7 =	vmul.u32 $0x3, v7;
	v5 =	vtrunc.f32 v5;
	v6 =	vtrunc.f32 v6  }
0x20: {  	v5 =	vcvt.f32.s32 v5;
	v6 =	vcvt.f32.s32 v6  }
0x21: {  	v9 =	vor.u32 s28, v0;
	s28 =	smov.u32 s29;
	v4 =	vtrunc.f32 v4;
	v8 =	vadd.s32 v1, v7  }
0x22: {  	s29 =	sadd.s32 $0x10, s29;
	v4 =	vcvt.f32.s32 v4;
	vm0 =	vgt.s32 v5, $0x0;
	vm1 =	vgt.s32 v6, $0x0  }
0x23: {  	p1 =	sne.s32 s3, s29;
	v10 =	vadd.s32 v2, v7;
	v5 =	vnsel vm0, $0x0, v5;
	v6 =	vnsel vm1, $0x0, v6  }
0x24: {  	vm0 =	vgt.s32 v4, $0x0;
	v5 =	vmin.u32 v5, $0x1F;
	v6 =	vmin.u32 v6, $0x1F  }
0x25: {  	v4 =	vnsel vm0, $0x0, v4;
	v5 =	vshll.u32 v5, $0xA;
	v6 =	vshll.u32 v6, $0x5  }
0x26: {  	v7 =	vadd.s32 v3, v7;
	v4 =	vmin.u32 v4, $0x1F;
	v5 =	vor.u32 v5, v6  }
0x27: {  	v4 =	vor.u32 v4, v5  }
0x28: {  	[tilespmem:v9+s21+$0x0] =	vst.idx.msk $0xffff, v4  }
0x29: {  	v5 =	vld.idx.msk [tilespmem:v8+s2+$0x0], $0xffff  }
0x2a: {  	v6 =	vld.idx.msk [tilespmem:v10+s2+$0x0], $0xffff  }
0x2b: {  	v4 =	vld.idx.msk [tilespmem:v7+s2+$0x0], $0xffff  }
.Ltmp1:
0x2c: {  	(pc) =	sbr.rel @p1 .LBB2_2-.Ltmp1, $2  }
0x2d: {  	_ =	sdelay $0x2  }
0x2e: {  	v5 =	vmul.f32 $3.200000000e+01, v5;
	v6 =	vmul.f32 $3.200000000e+01, v6  }
.LBB2_3:
0x2f: {  	v4 =	vmul.f32 $3.200000000e+01, v4  }
0x30: {  	v5 =	vtrunc.f32 v5;
	v6 =	vtrunc.f32 v6  }
0x31: {  	v5 =	vcvt.f32.s32 v5;
	v6 =	vcvt.f32.s32 v6  }
0x32: {  	v4 =	vtrunc.f32 v4  }
0x33: {  	v4 =	vcvt.f32.s32 v4;
	vm0 =	vgt.s32 v5, $0x0;
	vm1 =	vgt.s32 v6, $0x0  }
0x34: {  	v7 =	vor.u32 s28, v0;
	v5 =	vnsel vm0, $0x0, v5;
	v6 =	vnsel vm1, $0x0, v6  }
0x35: {  	vm15 =	vgt.s32 v4, $0x0;
	v5 =	vmin.u32 v5, $0x1F;
	v6 =	vmin.u32 v6, $0x1F  }
0x36: {  	v4 =	vnsel vm15, $0x0, v4;
	v5 =	vshll.u32 v5, $0xA;
	v6 =	vshll.u32 v6, $0x5  }
0x37: {  	v4 =	vmin.u32 v4, $0x1F;
	v5 =	vor.u32 v5, v6  }
0x38: {  	v4 =	vor.u32 v4, v5  }
0x39: {  	s28 =	simm.s32 @p0 $0x2500;
	[tilespmem:v7+s21+$0x0] =	vst.idx.msk $0xffff, v4  }
0x3a: {  	[hbm4b:s6+s26] =	stream.linear.scatter @p0 [tilespmem:s28], [sflag:$0x1], $0xC40, $0x38;
	[tilespmem:$0x3180] =	vst v63  }
0x3b: {  	_ =	swait.ge @p0 [sflag:s23], $0xC40  }
0x3c: {  	[sflag:s23] =	ssyncset.done @p0 $0x0  }
0x3d: {  	[sflag:s23] =	ssyncadd.s32 @p0 $0xFFFFF3C0  }
0x3e: {  	[tilespmem:s26], [sflag:$0x1] =	stream.linear.gather @p0 [hbm4b:s7+s26], $0x24C0, $0x38;
	[tilespmem:$0x3180] =	vst v63  }
0x3f: {  	_ =	swait.ge @p0 [sflag:s23], $0x24C0  }
0x40: {  	[sflag:s23] =	ssyncset.done @p0 $0x0  }
0x41: {  	s26 =	simm.s32 @!p0 $0x2500;
	[sflag:s23] =	ssyncadd.s32 @p0 $0xFFFFDB40;
	s23 =	simm.s32 $0x0  }
0x42: {  	[hbm4b:s8+s25] =	stream.linear.scatter @!p0 [tilespmem:s26], [sflag:$0x1], $0xAE0, $0x38;
	v4 =	vmov s23;
	[tilespmem:$0x3180] =	vst v63  }
0x43: {  	_ =	swait.ge @!p0 [sflag:s24], $0xAE0;
	v6 =	vmul.u32 $0x3, v4  }
0x44: {  	[sflag:s24] =	ssyncset.done @!p0 $0x0  }
0x45: {  	[sflag:s24] =	ssyncadd.s32 @!p0 $0xFFFFF520;
	v4 =	vadd.s32 v1, v6  }
0x46: {  	v5 =	vadd.s32 v2, v6;
	[tilespmem:s25], [sflag:$0x1] =	stream.linear.gather @!p0 [hbm4b:s9+s25], $0x20A0, $0x38;
	[tilespmem:$0x3180] =	vst v63  }
0x47: {  	v6 =	vadd.s32 v3, v6;
	_ =	swait.ge @!p0 [sflag:s24], $0x20A0  }
0x48: {  	[sflag:s24] =	ssyncset.done @!p0 $0x0  }
0x49: {  	[sflag:s24] =	ssyncadd.s32 @!p0 $0xFFFFDF60  }
0x4a: {  	v8 =	vld.idx.msk [tilespmem:v4+s2+$0x0], $0xffff  }
0x4b: {  	p1 =	sne.s32 s3, $0x10;
	v9 =	vld.idx.msk [tilespmem:v5+s2+$0x0], $0xffff  }
.Ltmp2:
0x4c: {  	v7 =	vld.idx.msk [tilespmem:v6+s2+$0x0], $0xffff;
	(pc) =	sbr.rel @!p1 .LBB2_5-.Ltmp2, $2  }
0x4d: {  	_ =	sdelay $0x2  }
0x4e: {  	s25 =	simm.s32 $0x10;
	s24 =	simm.s32 $0x0;
	v8 =	vmul.f32 $3.200000000e+01, v8;
	v9 =	vmul.f32 $3.200000000e+01, v9  }
.LBB2_4:
0x4f: {  	v10 =	vmov s25;
	v7 =	vmul.f32 $3.200000000e+01, v7  }
0x50: {  	v10 =	vmul.u32 $0x3, v10;
	v8 =	vtrunc.f32 v8;
	v9 =	vtrunc.f32 v9  }
0x51: {  	v8 =	vcvt.f32.s32 v8;
	v9 =	vcvt.f32.s32 v9  }
0x52: {  	v12 =	vor.u32 s24, v0;
	s24 =	smov.u32 s25;
	v7 =	vtrunc.f32 v7;
	v11 =	vadd.s32 v1, v10  }
0x53: {  	s25 =	sadd.s32 $0x10, s25;
	v7 =	vcvt.f32.s32 v7;
	vm0 =	vgt.s32 v8, $0x0;
	vm1 =	vgt.s32 v9, $0x0  }
0x54: {  	p1 =	sne.s32 s3, s25;
	v13 =	vadd.s32 v2, v10;
	v8 =	vnsel vm0, $0x0, v8;
	v9 =	vnsel vm1, $0x0, v9  }
0x55: {  	vm0 =	vgt.s32 v7, $0x0;
	v8 =	vmin.u32 v8, $0x1F;
	v9 =	vmin.u32 v9, $0x1F  }
0x56: {  	v7 =	vnsel vm0, $0x0, v7;
	v8 =	vshll.u32 v8, $0xA;
	v9 =	vshll.u32 v9, $0x5  }
0x57: {  	v10 =	vadd.s32 v3, v10;
	v7 =	vmin.u32 v7, $0x1F;
	v8 =	vor.u32 v8, v9  }
0x58: {  	v7 =	vor.u32 v7, v8  }
0x59: {  	[tilespmem:v12+s21+$0x0] =	vst.idx.msk $0xffff, v7  }
0x5a: {  	v8 =	vld.idx.msk [tilespmem:v11+s2+$0x0], $0xffff  }
0x5b: {  	v9 =	vld.idx.msk [tilespmem:v13+s2+$0x0], $0xffff  }
0x5c: {  	v7 =	vld.idx.msk [tilespmem:v10+s2+$0x0], $0xffff  }
.Ltmp3:
0x5d: {  	(pc) =	sbr.rel @p1 .LBB2_4-.Ltmp3, $2  }
0x5e: {  	_ =	sdelay $0x2  }
0x5f: {  	v8 =	vmul.f32 $3.200000000e+01, v8;
	v9 =	vmul.f32 $3.200000000e+01, v9  }
.LBB2_5:
0x60: {  	v7 =	vmul.f32 $3.200000000e+01, v7  }
0x61: {  	v8 =	vtrunc.f32 v8;
	v9 =	vtrunc.f32 v9  }
0x62: {  	v8 =	vcvt.f32.s32 v8;
	v9 =	vcvt.f32.s32 v9  }
0x63: {  	v7 =	vtrunc.f32 v7  }
0x64: {  	v7 =	vcvt.f32.s32 v7;
	vm0 =	vgt.s32 v8, $0x0;
	vm1 =	vgt.s32 v9, $0x0  }
0x65: {  	v10 =	vor.u32 s24, v0;
	v8 =	vnsel vm0, $0x0, v8;
	v9 =	vnsel vm1, $0x0, v9  }
0x66: {  	vm15 =	vgt.s32 v7, $0x0;
	v8 =	vmin.u32 v8, $0x1F;
	v9 =	vmin.u32 v9, $0x1F  }
0x67: {  	v7 =	vnsel vm15, $0x0, v7;
	v8 =	vshll.u32 v8, $0xA;
	v9 =	vshll.u32 v9, $0x5  }
0x68: {  	v7 =	vmin.u32 v7, $0x1F;
	v8 =	vor.u32 v8, v9  }
0x69: {  	v7 =	vor.u32 v7, v8  }
0x6a: {  	s29 =	simm.s32 @p0 $0x0;
	[tilespmem:v10+s21+$0x0] =	vst.idx.msk $0xffff, v7  }
0x6b: {  	[hbm4b:s10+s29] =	stream.linear.scatter @p0 [tilespmem:s28], [sflag:$0x1], $0xC40, $0x38;
	[tilespmem:$0x3180] =	vst v63  }
0x6c: {  	s28 =	simm.s32 @p0 $0x1  }
0x6d: {  	_ =	swait.ge @p0 [sflag:s28], $0xC40  }
0x6e: {  	[sflag:s28] =	ssyncset.done @p0 $0x0  }
0x6f: {  	[sflag:s28] =	ssyncadd.s32 @p0 $0xFFFFF3C0  }
0x70: {  	[tilespmem:s29], [sflag:$0x1] =	stream.linear.gather @p0 [hbm4b:s11+s29], $0x24C0, $0x38;
	[tilespmem:$0x3180] =	vst v63  }
0x71: {  	_ =	swait.ge @p0 [sflag:s28], $0x24C0  }
0x72: {  	[sflag:s28] =	ssyncset.done @p0 $0x0  }
0x73: {  	s25 =	simm.s32 @!p0 $0x0;
	s24 =	simm.s32 @!p0 $0x1;
	[sflag:s28] =	ssyncadd.s32 @p0 $0xFFFFDB40  }
0x74: {  	[hbm4b:s12+s25] =	stream.linear.scatter @!p0 [tilespmem:s26], [sflag:$0x1], $0xAE0, $0x38;
	[tilespmem:$0x3180] =	vst v63  }
0x75: {  	_ =	swait.ge @!p0 [sflag:s24], $0xAE0  }
0x76: {  	[sflag:s24] =	ssyncset.done @!p0 $0x0  }
0x77: {  	[sflag:s24] =	ssyncadd.s32 @!p0 $0xFFFFF520  }
0x78: {  	[tilespmem:s25], [sflag:$0x1] =	stream.linear.gather @!p0 [hbm4b:s13+s25], $0x20A0, $0x38;
	[tilespmem:$0x3180] =	vst v63  }
0x79: {  	_ =	swait.ge @!p0 [sflag:s24], $0x20A0  }
0x7a: {  	[sflag:s24] =	ssyncset.done @!p0 $0x0  }
0x7b: {  	[sflag:s24] =	ssyncadd.s32 @!p0 $0xFFFFDF60  }
0x7c: {  	v7 =	vld.idx.msk [tilespmem:v4+s2+$0x0], $0xffff  }
0x7d: {  	p1 =	sne.s32 s3, $0x10;
	v8 =	vld.idx.msk [tilespmem:v5+s2+$0x0], $0xffff  }
.Ltmp4:
0x7e: {  	v4 =	vld.idx.msk [tilespmem:v6+s2+$0x0], $0xffff;
	(pc) =	sbr.rel @!p1 .LBB2_7-.Ltmp4, $2  }
0x7f: {  	_ =	sdelay $0x2  }
0x80: {  	s26 =	simm.s32 $0x10;
	v5 =	vmul.f32 $3.200000000e+01, v7;
	v6 =	vmul.f32 $3.200000000e+01, v8  }
.LBB2_6:
0x81: {  	v7 =	vmov s26;
	v4 =	vmul.f32 $3.200000000e+01, v4  }
0x82: {  	v7 =	vmul.u32 $0x3, v7;
	v5 =	vtrunc.f32 v5;
	v6 =	vtrunc.f32 v6  }
0x83: {  	v5 =	vcvt.f32.s32 v5;
	v6 =	vcvt.f32.s32 v6  }
0x84: {  	v9 =	vor.u32 s23, v0;
	s23 =	smov.u32 s26;
	v4 =	vtrunc.f32 v4;
	v8 =	vadd.s32 v1, v7  }
0x85: {  	s26 =	sadd.s32 $0x10, s26;
	v4 =	vcvt.f32.s32 v4;
	vm0 =	vgt.s32 v5, $0x0;
	vm1 =	vgt.s32 v6, $0x0  }
0x86: {  	p1 =	sne.s32 s3, s26;
	v10 =	vadd.s32 v2, v7;
	v5 =	vnsel vm0, $0x0, v5;
	v6 =	vnsel vm1, $0x0, v6  }
0x87: {  	vm0 =	vgt.s32 v4, $0x0;
	v5 =	vmin.u32 v5, $0x1F;
	v6 =	vmin.u32 v6, $0x1F  }
0x88: {  	v4 =	vnsel vm0, $0x0, v4;
	v5 =	vshll.u32 v5, $0xA;
	v6 =	vshll.u32 v6, $0x5  }
0x89: {  	v7 =	vadd.s32 v3, v7;
	v4 =	vmin.u32 v4, $0x1F;
	v5 =	vor.u32 v5, v6  }
0x8a: {  	v4 =	vor.u32 v4, v5  }
0x8b: {  	[tilespmem:v9+s21+$0x0] =	vst.idx.msk $0xffff, v4  }
0x8c: {  	v5 =	vld.idx.msk [tilespmem:v8+s2+$0x0], $0xffff  }
0x8d: {  	v6 =	vld.idx.msk [tilespmem:v10+s2+$0x0], $0xffff  }
0x8e: {  	v4 =	vld.idx.msk [tilespmem:v7+s2+$0x0], $0xffff  }
.Ltmp5:
0x8f: {  	(pc) =	sbr.rel @p1 .LBB2_6-.Ltmp5, $2  }
0x90: {  	_ =	sdelay $0x2  }
0x91: {  	v5 =	vmul.f32 $3.200000000e+01, v5;
	v6 =	vmul.f32 $3.200000000e+01, v6  }
.LBB2_7:
0x92: {  	v4 =	vmul.f32 $3.200000000e+01, v4  }
0x93: {  	v5 =	vtrunc.f32 v5;
	v6 =	vtrunc.f32 v6  }
0x94: {  	v5 =	vcvt.f32.s32 v5;
	v6 =	vcvt.f32.s32 v6  }
0x95: {  	v4 =	vtrunc.f32 v4  }
0x96: {  	v4 =	vcvt.f32.s32 v4;
	vm0 =	vgt.s32 v5, $0x0;
	vm1 =	vgt.s32 v6, $0x0  }
0x97: {  	v7 =	vor.u32 s23, v0;
	v5 =	vnsel vm0, $0x0, v5;
	v6 =	vnsel vm1, $0x0, v6  }
0x98: {  	vm15 =	vgt.s32 v4, $0x0;
	v5 =	vmin.u32 v5, $0x1F;
	v6 =	vmin.u32 v6, $0x1F  }
0x99: {  	v4 =	vnsel vm15, $0x0, v4;
	v5 =	vshll.u32 v5, $0xA;
	v6 =	vshll.u32 v6, $0x5  }
0x9a: {  	v4 =	vmin.u32 v4, $0x1F;
	v5 =	vor.u32 v5, v6  }
0x9b: {  	v4 =	vor.u32 v4, v5  }
0x9c: {  	s23 =	simm.s32 @p0 $0x2500;
	[tilespmem:v7+s21+$0x0] =	vst.idx.msk $0xffff, v4  }
0x9d: {  	[hbm4b:s14+s29] =	stream.linear.scatter @p0 [tilespmem:s23], [sflag:$0x1], $0xC40, $0x38;
	[tilespmem:$0x3180] =	vst v63  }
0x9e: {  	_ =	swait.ge @p0 [sflag:s28], $0xC40  }
0x9f: {  	[sflag:s28] =	ssyncset.done @p0 $0x0  }
0xa0: {  	[sflag:s28] =	ssyncadd.s32 @p0 $0xFFFFF3C0  }
0xa1: {  	[tilespmem:s29], [sflag:$0x1] =	stream.linear.gather @p0 [hbm4b:s15+s29], $0x24C0, $0x38;
	[tilespmem:$0x3180] =	vst v63  }
0xa2: {  	_ =	swait.ge @p0 [sflag:s28], $0x24C0  }
0xa3: {  	[sflag:s28] =	ssyncset.done @p0 $0x0  }
0xa4: {  	s26 =	simm.s32 @!p0 $0x2500;
	[sflag:s28] =	ssyncadd.s32 @p0 $0xFFFFDB40;
	s28 =	simm.s32 $0x0  }
0xa5: {  	[hbm4b:s16+s25] =	stream.linear.scatter @!p0 [tilespmem:s26], [sflag:$0x1], $0xAE0, $0x38;
	v4 =	vmov s28;
	[tilespmem:$0x3180] =	vst v63  }
0xa6: {  	_ =	swait.ge @!p0 [sflag:s24], $0xAE0;
	v4 =	vmul.u32 $0x3, v4  }
0xa7: {  	[sflag:s24] =	ssyncset.done @!p0 $0x0  }
0xa8: {  	[sflag:s24] =	ssyncadd.s32 @!p0 $0xFFFFF520;
	v5 =	vadd.s32 v1, v4  }
0xa9: {  	v6 =	vadd.s32 v2, v4;
	[tilespmem:s25], [sflag:$0x1] =	stream.linear.gather @!p0 [hbm4b:s17+s25], $0x20A0, $0x38;
	[tilespmem:$0x3180] =	vst v63  }
0xaa: {  	v4 =	vadd.s32 v3, v4;
	_ =	swait.ge @!p0 [sflag:s24], $0x20A0  }
0xab: {  	[sflag:s24] =	ssyncset.done @!p0 $0x0  }
0xac: {  	[sflag:s24] =	ssyncadd.s32 @!p0 $0xFFFFDF60  }
0xad: {  	v5 =	vld.idx.msk [tilespmem:v5+s2+$0x0], $0xffff  }
0xae: {  	p1 =	sne.s32 s3, $0x10;
	v6 =	vld.idx.msk [tilespmem:v6+s2+$0x0], $0xffff  }
.Ltmp6:
0xaf: {  	v4 =	vld.idx.msk [tilespmem:v4+s2+$0x0], $0xffff;
	(pc) =	sbr.rel @!p1 .LBB2_9-.Ltmp6, $2  }
0xb0: {  	_ =	sdelay $0x2  }
0xb1: {  	s24 =	simm.s32 $0x10;
	v5 =	vmul.f32 $3.200000000e+01, v5;
	v6 =	vmul.f32 $3.200000000e+01, v6  }
.LBB2_8:
0xb2: {  	v7 =	vmov s24;
	v4 =	vmul.f32 $3.200000000e+01, v4  }
0xb3: {  	v7 =	vmul.u32 $0x3, v7;
	v5 =	vtrunc.f32 v5;
	v6 =	vtrunc.f32 v6  }
0xb4: {  	v5 =	vcvt.f32.s32 v5;
	v6 =	vcvt.f32.s32 v6  }
0xb5: {  	v9 =	vor.u32 s28, v0;
	s28 =	smov.u32 s24;
	v4 =	vtrunc.f32 v4;
	v8 =	vadd.s32 v1, v7  }
0xb6: {  	s24 =	sadd.s32 $0x10, s24;
	v4 =	vcvt.f32.s32 v4;
	vm0 =	vgt.s32 v5, $0x0;
	vm1 =	vgt.s32 v6, $0x0  }
0xb7: {  	p1 =	sne.s32 s3, s24;
	v10 =	vadd.s32 v2, v7;
	v5 =	vnsel vm0, $0x0, v5;
	v6 =	vnsel vm1, $0x0, v6  }
0xb8: {  	vm0 =	vgt.s32 v4, $0x0;
	v5 =	vmin.u32 v5, $0x1F;
	v6 =	vmin.u32 v6, $0x1F  }
0xb9: {  	v4 =	vnsel vm0, $0x0, v4;
	v5 =	vshll.u32 v5, $0xA;
	v6 =	vshll.u32 v6, $0x5  }
0xba: {  	v7 =	vadd.s32 v3, v7;
	v4 =	vmin.u32 v4, $0x1F;
	v5 =	vor.u32 v5, v6  }
0xbb: {  	v4 =	vor.u32 v4, v5  }
0xbc: {  	[tilespmem:v9+s21+$0x0] =	vst.idx.msk $0xffff, v4  }
0xbd: {  	v5 =	vld.idx.msk [tilespmem:v8+s2+$0x0], $0xffff  }
0xbe: {  	v6 =	vld.idx.msk [tilespmem:v10+s2+$0x0], $0xffff  }
0xbf: {  	v4 =	vld.idx.msk [tilespmem:v7+s2+$0x0], $0xffff  }
.Ltmp7:
0xc0: {  	(pc) =	sbr.rel @p1 .LBB2_8-.Ltmp7, $2  }
0xc1: {  	_ =	sdelay $0x2  }
0xc2: {  	v5 =	vmul.f32 $3.200000000e+01, v5;
	v6 =	vmul.f32 $3.200000000e+01, v6  }
.LBB2_9:
0xc3: {  	v4 =	vmul.f32 $3.200000000e+01, v4  }
0xc4: {  	v5 =	vtrunc.f32 v5;
	v6 =	vtrunc.f32 v6  }
0xc5: {  	v5 =	vcvt.f32.s32 v5;
	v6 =	vcvt.f32.s32 v6  }
0xc6: {  	v4 =	vtrunc.f32 v4  }
0xc7: {  	v4 =	vcvt.f32.s32 v4;
	vm0 =	vgt.s32 v5, $0x0;
	vm1 =	vgt.s32 v6, $0x0  }
0xc8: {  	v7 =	vor.u32 s28, v0;
	v5 =	vnsel vm0, $0x0, v5;
	v6 =	vnsel vm1, $0x0, v6  }
0xc9: {  	vm15 =	vgt.s32 v4, $0x0;
	v5 =	vmin.u32 v5, $0x1F;
	v6 =	vmin.u32 v6, $0x1F  }
0xca: {  	v4 =	vnsel vm15, $0x0, v4;
	v5 =	vshll.u32 v5, $0xA;
	v6 =	vshll.u32 v6, $0x5  }
0xcb: {  	v4 =	vmin.u32 v4, $0x1F;
	v5 =	vor.u32 v5, v6  }
0xcc: {  	v4 =	vor.u32 v4, v5  }
0xcd: {  	s24 =	simm.s32 @p0 $0x0;
	[tilespmem:v7+s21+$0x0] =	vst.idx.msk $0xffff, v4  }
0xce: {  	[hbm4b:s18+s24] =	stream.linear.scatter @p0 [tilespmem:s23], [sflag:$0x1], $0xC40, $0x38;
	[tilespmem:$0x3180] =	vst v63  }
0xcf: {  	s23 =	simm.s32 @p0 $0x1  }
0xd0: {  	_ =	swait.ge @p0 [sflag:s23], $0xC40  }
0xd1: {  	s22 =	sadd.s32 $0x1, s22;
	[sflag:s23] =	ssyncset.done @p0 $0x0  }
0xd2: {  	p1 =	sne.s32 s22, s20;
	[sflag:s23] =	ssyncadd.s32 @p0 $0xFFFFF3C0;
	s23 =	simm.s32 @!p0 $0x0  }
0xd3: {  	[hbm4b:s19+s23] =	stream.linear.scatter @!p0 [tilespmem:s26], [sflag:$0x1], $0xAE0, $0x38;
	[tilespmem:$0x3180] =	vst v63  }
.Ltmp8:
0xd4: {  	_ = 	snop;
	(pc) =	sbr.rel @p1 .LBB2_1-.Ltmp8, $4  }
0xd5: {  	s23 =	simm.s32 @!p0 $0x1  }
0xd6: {  	_ =	swait.ge @!p0 [sflag:s23], $0xAE0  }
0xd7: {  	[sflag:s23] =	ssyncset.done @!p0 $0x0  }
0xd8: {  	[sflag:s23] =	ssyncadd.s32 @!p0 $0xFFFFF520  }
0xd9: {  	_ =	sfence.sel $0x180000  }
0xda: {  	[bflag:$0x0] =	sbarrier.arrive $0xFFFF  }
0xdb: {  	p0 =	sne.s32 s0, $0x0;
	_ =	strace $0x90000047  }
0xdc: {  	s0 =	sadd.s32 @!p0 $0x100000, s1;
	[bflag:$0x2] =	sbarrier.arrive $0xFFFF  }
0xdd: {  	[sflag:s0] =	ssyncadd.tile.s32 @!p0 $0x1;
	_ =	shalt  }
.Lfunc_end2:
_tile_overlayer_lowered:
.L_overlay_start_2:
0xde: {  	(tag) =	ssettag $0x2  }
0xdf: {  	s0 =	rddreg [dreg:$0x0];
	s2 =	stileid.u32  }
0xe0: {  	s1 =	rddreg [dreg:$0x1];
	p0 =	sne.s32 s2, $0x0  }
0xe1: {  	s3 =	rddreg [dreg:$0x2];
	[bflag:$0x3] =	sbarrier.arrive $0xFFFF;
	s2 =	simm.s32 @!p0 $0x1C01  }
0xe2: {  	[timem:s3], [sflag:s2] =	dma.local @!p0 [hbm:s0], s1  }
0xe3: {  	s0 =	simm.s32 @!p0 $0x1  }
0xe4: {  	_ =	swait.ge @!p0 [sflag:s0], s1  }
0xe5: {  	s1 =	ssub.s32 @!p0 $0x0, s1;
	[sflag:s0] =	ssyncset.done @!p0 $0x0  }
0xe6: {  	[sflag:s0] =	ssyncadd.s32 @!p0 s1  }
0xe7: {  	[bflag:$0x3] =	sbarrier.arrive $0xFFFF  }
0xe8: {  	_ =	shalt  }

// kernel: kernel.8.cloned.1.call-start
scs
__scs_entry_jumppad:
0x0: {  	(pc) =	sbr.rel $0x88, $3  }
0x1: {  	(tag) =	ssettag $0x0;
	lr =	simm.s32 $0x1  }
0x2: {  	[smem:$0x3F9F] =	sst lr;
	_ =	strace $0xD0000000  }
0x3: {  	_ = 	snop  }
0x4: {  	_ = 	snop  }
0x5: {  	_ = 	snop  }
0x6: {  	_ = 	snop  }
0x7: {  	_ = 	snop  }
__scs_overlays_trampoline_lowered:
0x8: {  	[smem:$0x3FAE] =	sst s0  }
0x9: {  	[smem:$0x3FAF] =	sst s1  }
0xa: {  	[smem:$0x3FB0] =	sst s2  }
0xb: {  	[smem:$0x3FB1] =	sst s3  }
0xc: {  	[smem:$0x3FB2] =	sst s4  }
0xd: {  	[smem:$0x3FB3] =	sst s5  }
0xe: {  	[smem:$0x3FB4] =	sst s6  }
0xf: {  	[smem:$0x3FB5] =	sst s7  }
0x10: {  	[smem:$0x3FB6] =	sst s8  }
0x11: {  	[smem:$0x3FB7] =	sst s9;
	s0 =	simm.s32 @!p0 $0x0  }
0x12: {  	s1 =	sld [smem:$0x3F9D];
	s0 =	simm.s32 @p0 $0x1  }
0x13: {  	[smem:$0x3FB8] =	sst s0;
	s0 =	simm.s32 @!p1 $0x0  }
0x14: {  	s2 =	sld [smem:$0x3F9C];
	s0 =	simm.s32 @p1 $0x1  }
0x15: {  	[smem:$0x3FB9] =	sst s0;
	s0 =	simm.s32 @!p2 $0x0  }
0x16: {  	s3 =	sld [smem:$0x3FDB];
	s0 =	simm.s32 @p2 $0x1  }
0x17: {  	s4 =	simm.s32 $0x1BF5;
	[smem:$0x3FBB] =	sst s0  }
0x18: {  	s0 =	sld [smem:$0x3F9E];
	_ =	swait.ge [sflag:s4], $0x0  }
0x19: {  	s7 =	sld [smem:$0x3F9F]  }
0x1a: {  	s8 =	sadd.s32 $0xFFFFE003, lr  }
0x1b: {  	s9 =	sadd.s32 $0xFFFFFEF7, lr;
	s5 =	simm.s32 $0xFFFFFFFF;
	p2 =	slt.u32 s8, $0xFFFFF086  }
0x1c: {  	p1 =	slt.u32 s9, $0xF7A;
	s5 =	simm.s32 @!p2 $0x0  }
0x1d: {  	s5 =	simm.s32 @p1 $0x1;
	p0 =	seq.s32 s7, s2  }
0x1e: {  	s7 =	smul.u32 @!p0 $0xF7A, s2;
	p2 =	seq.s32 @!p0 s5, $0x0  }
0x1f: {  	s9 =	smul.u32 $0xF7A, s1;
	s8 =	simm.s32 @!p0 $0x1BF5;
	p2 =	por !p2, p0  }
0x20: {  	[sflag:s8] =	ssyncset.s32 @!p0 $0xFFFFF086;
	s6 =	sadd.s32 @!p0 s3, s7;
	s7 =	simm.s32 @!p0 $0x108  }
0x21: {  	s3 =	sadd.s32 s3, s9;
	s6 =	sadd.s32 @!p0 $0x88, s6;
	s7 =	simm.s32 @p2 $0x1082  }
0x22: {  	[simem:s7], [sflag:s8] =	dma.local @!p0 [hbm:s6], $0xF7A  }
0x23: {  	s9 =	sor.u32 $0xD0000000, s2;
	s6 =	simm.s32 $0x108;
	_ =	swait.ge @!p0 [sflag:s8], $0x0  }
0x24: {  	s3 =	sadd.s32 $0x88, s3;
	s6 =	simm.s32 @!p1 $0x1082;
	[sflag:s4] =	ssyncset.s32 $0xFFFFF086  }
0x25: {  	[simem:s6], [sflag:s4] =	dma.local [hbm:s3], $0xF7A  }
0x26: {  	[smem:$0x3F9F] =	sst s1;
	(tag) =	ssettag s2;
	_ =	strace s9  }
0x27: {  	s1 =	sld [smem:$0x3FAF]  }
0x28: {  	s2 =	sld [smem:$0x3FB0]  }
0x29: {  	s4 =	sld [smem:$0x3FB2]  }
0x2a: {  	p0 =	seq.s32 s5, $0x0;
	s5 =	sld [smem:$0x3FB3]  }
0x2b: {  	s6 =	sld [smem:$0x3FB4]  }
0x2c: {  	s7 =	sld [smem:$0x3FB5]  }
0x2d: {  	s3 =	simm.s32 $0x108;
	s8 =	sld [smem:$0x3FB6]  }
0x2e: {  	s3 =	simm.s32 @!p0 $0x1082;
	s9 =	sld [smem:$0x3FB7]  }
0x2f: {  	lr =	sadd.s32 s0, s3;
	s0 =	sld [smem:$0x3FAE]  }
0x30: {  	s3 =	sld [smem:$0x3FB1]  }
0x31: {  	[smem:$0x3FBA] =	sst s10  }
0x32: {  	s10 =	sld [smem:$0x3FB8];
	_ =	sdelay $0x3  }
0x33: {  	p0 =	seq.s32 s10, $0x1;
	s10 =	sld [smem:$0x3FBA];
	_ =	sdelay $0x3  }
0x34: {  	[smem:$0x3FBA] =	sst s10  }
0x35: {  	s10 =	sld [smem:$0x3FB9];
	_ =	sdelay $0x3  }
0x36: {  	p1 =	seq.s32 s10, $0x1;
	s10 =	sld [smem:$0x3FBA];
	_ =	sdelay $0x3  }
0x37: {  	[smem:$0x3FBA] =	sst s10  }
0x38: {  	s10 =	sld [smem:$0x3FBB]  }
0x39: {  	_ = 	snop;
	(pc) =	sbr.ind lr, $3  }
0x3a: {  	_ = 	snop  }
0x3b: {  	_ = 	snop  }
0x3c: {  	p2 =	seq.s32 s10, $0x1;
	s10 =	sld [smem:$0x3FBA]  }
0x3d: {  	_ =	shalt  }
0x3e: {  	_ =	shalt  }
0x3f: {  	_ =	shalt  }
0x40: {  	_ =	shalt  }
0x41: {  	_ =	shalt  }
0x42: {  	_ =	shalt  }
0x43: {  	_ =	shalt  }
0x44: {  	_ =	shalt  }
0x45: {  	_ =	shalt  }
0x46: {  	_ =	shalt  }
0x47: {  	_ =	shalt  }
0x48: {  	_ =	shalt  }
0x49: {  	_ =	shalt  }
0x4a: {  	_ =	shalt  }
0x4b: {  	_ =	shalt  }
0x4c: {  	_ =	shalt  }
0x4d: {  	_ =	shalt  }
0x4e: {  	_ =	shalt  }
0x4f: {  	_ =	shalt  }
0x50: {  	_ =	shalt  }
0x51: {  	_ =	shalt  }
0x52: {  	_ =	shalt  }
0x53: {  	_ =	shalt  }
0x54: {  	_ =	shalt  }
0x55: {  	_ =	shalt  }
0x56: {  	_ =	shalt  }
0x57: {  	_ =	shalt  }
0x58: {  	_ =	shalt  }
0x59: {  	_ =	shalt  }
0x5a: {  	_ =	shalt  }
0x5b: {  	_ =	shalt  }
0x5c: {  	_ =	shalt  }
0x5d: {  	_ =	shalt  }
0x5e: {  	_ =	shalt  }
0x5f: {  	_ =	shalt  }
0x60: {  	_ =	shalt  }
0x61: {  	_ =	shalt  }
0x62: {  	_ =	shalt  }
0x63: {  	_ =	shalt  }
0x64: {  	_ =	shalt  }
0x65: {  	_ =	shalt  }
0x66: {  	_ =	shalt  }
0x67: {  	_ =	shalt  }
0x68: {  	_ =	shalt  }
0x69: {  	_ =	shalt  }
0x6a: {  	_ =	shalt  }
0x6b: {  	_ =	shalt  }
0x6c: {  	_ =	shalt  }
0x6d: {  	_ =	shalt  }
0x6e: {  	_ =	shalt  }
0x6f: {  	_ =	shalt  }
0x70: {  	_ =	shalt  }
0x71: {  	_ =	shalt  }
0x72: {  	_ =	shalt  }
0x73: {  	_ =	shalt  }
0x74: {  	_ =	shalt  }
0x75: {  	_ =	shalt  }
0x76: {  	_ =	shalt  }
0x77: {  	_ =	shalt  }
0x78: {  	_ =	shalt  }
0x79: {  	_ =	shalt  }
0x7a: {  	_ =	shalt  }
0x7b: {  	_ =	shalt  }
0x7c: {  	_ =	shalt  }
0x7d: {  	_ =	shalt  }
0x7e: {  	_ =	shalt  }
0x7f: {  	_ =	shalt  }
0x80: {  	_ =	shalt  }
0x81: {  	_ =	shalt  }
0x82: {  	_ =	shalt  }
0x83: {  	_ =	shalt  }
0x84: {  	_ =	shalt  }
0x85: {  	_ =	shalt  }
0x86: {  	_ =	shalt  }
0x87: {  	_ =	shalt  }
.Lfunc_end0:
.L_simem_size_0:
called_computation.1_lowered:
.L_overlay_start_0:
0x88: {  	s2 =	sld [smem:$0x3FD9]  }
0x89: {  	s3 =	sld [smem:$0x3FFE];
	_ =	sdelay $0x1  }
0x8a: {  	s1 =	srdreg.scid  }
0x8b: {  	s0 =	sand.u32 $0x1, s1  }
0x8c: {  	s14 =	sshll.u32 s0, $0xA;
	s2 =	sadd.s32 s3, s2  }
0x8d: {  	s2 =	sadd.s32 s2, s14  }
0x8e: {  	[smem:$0x3FC6] =	sst s2  }
0x8f: {  	_ = 	snop  }
0x90: {  	s2 =	sld [smem:$0x3FD0];
	_ =	sdelay $0x2  }
0x91: {  	s15 =	simm.s32 $0xA;
	s4 =	simm.s32 $0x10  }
0x92: {  	[smem:s4], [sflag:s15] =	dma.local [hbm:s2], $0x1  }
0x93: {  	_ =	swait.eq [sflag:s15], $0x1  }
0x94: {  	[sflag:s15] =	ssyncset.done $0x0  }
0x95: {  	s16 =	sld [smem:$0x10];
	[sflag:s15] =	ssyncadd.s32 $0xFFFFFFFF  }
0x96: {  	s17 =	sld [smem:$0x12];
	(tm) =	ssettm $0x1  }
0x97: {  	s18 =	sld [smem:$0x3FFB];
	_ =	sdelay $0x3  }
0x98: {  	_ =	strace s18  }
0x99: {  	s4 =	sld [smem:$0x3FFC];
	_ =	sdelay $0x3  }
0x9a: {  	_ =	strace s4  }
0x9b: {  	s4 =	sld [smem:$0x3FFD];
	_ =	sdelay $0x3  }
0x9c: {  	_ =	strace s4  }
0x9d: {  	_ =	strace $0x8FFFFFFF  }
0x9e: {  	s19 =	sld [smem:$0x3FDB];
	_ =	sdelay $0x1  }
0x9f: {  	s5 =	simm.s32 $_scs_section_size  }
0xa0: {  	s6 =	simm.s32 $_size__tile_overlayer_lowered;
	s7 =	simm.s32 $_tile_overlayer_lowered  }
0xa1: {  	s22 =	simm.s32 $0x1BFF;
	s21 =	sshll.u32 s7, $0x1;
	s4 =	sadd.s32 s5, s19  }
0xa2: {  	s8 =	simm.s32 $0x0;
	s20 =	sshll.u32 s6, $0x1;
	s6 =	sadd.s32 s21, s4  }
0xa3: {  	[timem:s8], [sflag:s22] =	dma.local [hbm:s6], s20  }
0xa4: {  	_ =	swait.ge [sflag:s22], s20  }
0xa5: {  	s5 =	ssub.s32 $0x0, s20;
	[sflag:s22] =	ssyncset.done $0x0  }
0xa6: {  	[sflag:s22] =	ssyncadd.s32 s5;
	_ =	sdelay $0x1  }
0xa7: {  	s23 =	simm.s32 $0x1B8B  }
0xa8: {  	_ =	swait.ge [sflag:s23], $0x1  }
0xa9: {  	[sflag:s23] =	ssyncset.done $0x0  }
0xaa: {  	s25 =	simm.s32 $0x1B8E;
	s24 =	sld [smem:$0x3FFE];
	[sflag:s23] =	ssyncadd.s32 $0xFFFFFFFF  }
0xab: {  	s26 =	simm.s32 $execute0_lowered;
	[smem:$0x3FD2] =	sst s25  }
0xac: {  	s6 =	sshll.u32 s26, $0x1;
	_ =	strace $0x80000049;
	[dreg:$0x1] =	wrdreg $0xFFFFFFFF  }
0xad: {  	s28 =	simm.s32 $_size_execute0_lowered;
	s4 =	sadd.s32 s4, s6;
	[dreg:$0x0] =	wrdreg $0x0  }
0xae: {  	s6 =	sshll.u32 s28, $0x1;
	[dreg:$0x2] =	wrdreg s4  }
0xaf: {  	[dreg:$0x3] =	wrdreg s6  }
0xb0: {  	[dreg:$0x4] =	wrdreg $0xC0  }
0xb1: {  	_ =	task [dreg:s8], $0x5FFFF  }
0xb2: {  	[dreg:$0x1] =	wrdreg $0xFFFFFFFF  }
0xb3: {  	[dreg:$0x0] =	wrdreg $0x60  }
0xb4: {  	[dreg:$0x2] =	wrdreg s24  }
0xb5: {  	[dreg:$0x3] =	wrdreg s16  }
0xb6: {  	[dreg:$0x4] =	wrdreg s17  }
0xb7: {  	[dreg:$0x5] =	wrdreg $0x9  }
0xb8: {  	_ =	task.clear_ibuf [dreg:s8], $0x6FFFF;
	_ =	strace $0x90000049  }
0xb9: {  	s29 =	simm.s32 $0x9;
	_ =	strace $0x8000004F  }
0xba: {  	_ =	swait.ge [sflag:s29], $0x1  }
0xbb: {  	[sflag:s29] =	ssyncadd.s32 $0xFFFFFFFF  }
0xbc: {  	_ =	strace $0x9000004F  }
0xbd: {  	_ =	sfence  }
0xbe: {  	s30 =	sld [smem:$0x0];
	_ =	sdelay $0x2  }
0xbf: {  	s31 =	sshll.u32 s1, $0xD;
	s1 =	sshrl.u32 s1, $0x2  }
0xc0: {  	s3 =	sand.u32 $0x4000, s31;
	s1 =	sadd.s32 s1, s30  }
0xc1: {  	s0 =	sor.u32 s3, s0;
	s1 =	sshll.u32 s1, $0x11  }
0xc2: {  	s0 =	sor.u32 s1, s0  }
0xc3: {  	s0 =	sadd.s32 $0x8F2B, s0  }
0xc4: {  	[sflag:s0] =	ssyncadd.remote.s32 $0x1  }
0xc5: {  	_ =	sfence.sel $0xFFFF  }
0xc6: {  	[dreg:$0x0] =	wrdreg $0xFFFFFFFF;
	(pc) =	sbr.abs _section_cstart, $3  }
0xc7: {  	[dreg:$0x1] =	wrdreg $0xFFFFFFFF  }
0xc8: {  	_ =	task.clear_ibuf [dreg:s8], $0x2FFFF;
	_ =	strace $0x9FFFFFFF  }
0xc9: {  	(tm) =	ssettm $0x7FFFFFFF  }
tec
execute0_lowered:
.L_overlay_start_1:
0x0: {  	(tag) =	ssettag $0x1  }
0x1: {  	s0 =	rddreg [dreg:$0x0]  }
0x2: {  	s1 =	rddreg [dreg:$0x1]  }
0x3: {  	s2 =	rddreg [dreg:$0x2];
	s4 =	srdreg.scid  }
0x4: {  	s3 =	simm.s32 $0x0;
	s9 =	stileid.u32;
	s10 =	simm.s32 $0x1E200  }
0x5: {  	s11 =	simm.s32 $0x10000;
	s12 =	simm.s32 $0x14000;
	s13 =	simm.s32 $0x3  }
0x6: {  	s14 =	simm.s32 $0x16000;
	s15 =	simm.s32 $0x16100;
	s4 =	sand.u32 $0x1, s4  }
.Ltmp0:
0x7: {  	v0 =	vlaneseq.u32;
	s16 =	simm.s32 $0x80;
	s5 =	ssub.s32 $0x2, s4;
	(pc) =	sbr.rel .LBB2_1-.Ltmp0, $4  }
0x8: {  	v1 =	vimm.f32 $-Inf;
	v9 =	vimm.s32 $0x0;
	vm0 =	vmxor vm0, vm0;
	s17 =	simm.s32 $0x16200;
	s18 =	simm.s32 $0x2;
	s8 =	sshrl.u32 s5, $0x1  }
0x9: {  	v10 =	vimm.f32 $0.0e+00;
	v11 =	vimm.s32 $0x1;
	s19 =	simm.s32 $0x0;
	[smem:$0x7FF] =	sst s3;
	v2 =	vor.u32 $0x10, v0;
	s31 =	ssub.s32 s5, s8  }
0xa: {  	s6 =	sadd.s32 $0x629200, s0;
	s7 =	sadd.s32 $0xE00, s0;
	v3 =	vor.u32 $0x20, v0;
	v4 =	vor.u32 $0x30, v0;
	v5 =	vor.u32 $0x40, v0;
	s0 =	smax.u32 s31, $0x1  }
0xb: {  	v6 =	vor.u32 $0x50, v0;
	v7 =	vor.u32 $0x60, v0;
	v8 =	vor.u32 $0x70, v0;
	_ =	strace $0x8000004A;
	s8 =	sshll.u32 s9, $0x1;
	[dreg:$0x4] =	wrdreg s0  }
.LBB2_34:
0xc: {  	s19 =	sadd.s32 $0x1, s19;
	s0 =	rddreg [dreg:$0x4]  }
0xd: {  	p0 =	sne.s32 s19, s0  }
.Ltmp1:
0xe: {  	_ = 	snop;
	(pc) =	sbr.rel @!p0 .LBB2_35-.Ltmp1, $1  }
0xf: {  	_ =	sdelay $0x3  }
.LBB2_1:
0x10: {  	s20 =	simm.s32 $0x0  }
.LBB2_2:
0x11: {  	s0 =	simm.s32 $0x0  }
0x12: {  	v12 =	vmov s0  }
0x13: {  	v12 =	vshrl.u32 v12, $0x7  }
0x14: {  	v12 =	vshll.u32 v12, $0x7  }
0x15: {  	v13 =	vbroadcast v12, $0x0;
	_ =	sdelay $0x1  }
0x16: {  	v12 =	vor.u32 v0, v13  }
0x17: {  	v14 =	vor.u32 v2, v13  }
0x18: {  	s31 =	simm.s32 $0x80;
	v15 =	vor.u32 v3, v13  }
0x19: {  	v16 =	vmov s31;
	v17 =	vor.u32 v4, v13  }
0x1a: {  	v16 =	vshrl.u32 v16, $0x7;
	v18 =	vor.u32 v5, v13  }
0x1b: {  	_ =	strace $0x8000004B;
	v19 =	vor.u32 v6, v13;
	[tilespmem:v12+s3+$0x0] =	vst.idx.msk $0xffff, v1;
	v12 =	vshll.u32 v16, $0x7  }
0x1c: {  	v16 =	vor.u32 v7, v13;
	[tilespmem:v14+s3+$0x0] =	vst.idx.msk $0xffff, v1;
	v12 =	vbroadcast v12, $0x0  }
0x1d: {  	v14 =	vor.u32 v8, v13;
	[tilespmem:v15+s3+$0x0] =	vst.idx.msk $0xffff, v1  }
0x1e: {  	[tilespmem:v17+s3+$0x0] =	vst.idx.msk $0xffff, v1;
	v15 =	vor.u32 v0, v12  }
0x1f: {  	[tilespmem:v18+s3+$0x0] =	vst.idx.msk $0xffff, v1;
	v18 =	vor.u32 v2, v12  }
0x20: {  	s0 =	simm.s32 $0x100;
	v13 =	vor.u32 v4, v12;
	v17 =	vor.u32 v3, v12;
	[tilespmem:v19+s3+$0x0] =	vst.idx.msk $0xffff, v1  }
.LBB2_3:
0x21: {  	v19 =	vmov s0;
	p0 =	sne.s32 s0, $0xFF80;
	s0 =	sadd.s32 $0x80, s0;
	[tilespmem:v16+s3+$0x0] =	vst.idx.msk $0xffff, v1  }
0x22: {  	v16 =	vshrl.u32 v19, $0x7;
	v19 =	vor.u32 v5, v12;
	[tilespmem:v14+s3+$0x0] =	vst.idx.msk $0xffff, v1  }
0x23: {  	v20 =	vor.u32 v6, v12;
	v14 =	vshll.u32 v16, $0x7;
	[tilespmem:v15+s3+$0x0] =	vst.idx.msk $0xffff, v1  }
.Ltmp2:
0x24: {  	v16 =	vor.u32 v7, v12;
	v21 =	vbroadcast v14, $0x0;
	[tilespmem:v18+s3+$0x0] =	vst.idx.msk $0xffff, v1;
	(pc) =	sbr.rel @p0 .LBB2_3-.Ltmp2, $4  }
0x25: {  	v14 =	vor.u32 v8, v12;
	[tilespmem:v17+s3+$0x0] =	vst.idx.msk $0xffff, v1  }
0x26: {  	v15 =	vor.u32 v0, v21;
	[tilespmem:v13+s3+$0x0] =	vst.idx.msk $0xffff, v1;
	v13 =	vor.u32 v4, v21;
	v12 =	vmov v21  }
0x27: {  	v18 =	vor.u32 v2, v12;
	[tilespmem:v19+s3+$0x0] =	vst.idx.msk $0xffff, v1  }
0x28: {  	v17 =	vor.u32 v3, v12;
	[tilespmem:v20+s3+$0x0] =	vst.idx.msk $0xffff, v1  }
0x29: {  	_ =	sdelay $0x3  }
0x2a: {  	[tilespmem:v16+s3+$0x0] =	vst.idx.msk $0xffff, v1  }
0x2b: {  	v63 =	vor.u32 v5, v12;
	[tilespmem:v14+s3+$0x0] =	vst.idx.msk $0xffff, v1  }
0x2c: {  	v14 =	vor.u32 v6, v12;
	[tilespmem:v15+s3+$0x0] =	vst.idx.msk $0xffff, v1  }
0x2d: {  	v15 =	vor.u32 v7, v12;
	[tilespmem:v18+s3+$0x0] =	vst.idx.msk $0xffff, v1  }
0x2e: {  	v12 =	vor.u32 v8, v12;
	[tilespmem:v17+s3+$0x0] =	vst.idx.msk $0xffff, v1  }
0x2f: {  	[tilespmem:v13+s3+$0x0] =	vst.idx.msk $0xffff, v1  }
0x30: {  	[tilespmem:v63+s3+$0x0] =	vst.idx.msk $0xffff, v1  }
0x31: {  	[tilespmem:v14+s3+$0x0] =	vst.idx.msk $0xffff, v1  }
0x32: {  	[tilespmem:v15+s3+$0x0] =	vst.idx.msk $0xffff, v1  }
0x33: {  	s5 =	simm.s32 $0x0;
	[tilespmem:v12+s3+$0x0] =	vst.idx.msk $0xffff, v1  }
0x34: {  	s0 =	simm.s32 $0x10;
	v12 =	vor.u32 s5, v0;
	_ =	strace $0x9000004B  }
.LBB2_5:
0x35: {  	p0 =	seq.s32 s0, $0x1F0  }
.Ltmp3:
0x36: {  	_ = 	snop;
	(pc) =	sbr.rel @!p0 .LBB2_5-.Ltmp3, $3  }
0x37: {  	_ =	sdelay $0x1  }
0x38: {  	[tilespmem:v12+s10+$0x0] =	vst.idx.msk $0xffff, v9;
	s5 =	smov.u32 s0;
	s0 =	sadd.s32 $0x10, s0  }
0x39: {  	v12 =	vor.u32 s5, v0  }
0x3a: {  	s0 =	sshll.u32 s20, $0x3  }
.Ltmp4:
0x3b: {  	s0 =	sand.u32 $0x20, s0;
	(pc) =	sbr.rel .LBB2_7-.Ltmp4, $4  }
0x3c: {  	s0 =	sor.u32 s0, s8  }
0x3d: {  	s0 =	sor.u32 s4, s0  }
0x3e: {  	s22 =	sand.u32 $0x3, s20;
	s21 =	sshll.u32 s0, $0x9  }
0x3f: {  	[tilespmem:v12+s10+$0x0] =	vst.idx.msk $0xffff, v9;
	s24 =	simm.s32 $0x0;
	s23 =	smul.u32 $0x186A0, s22;
	v12 =	vmov s21  }
.LBB2_22:
0x40: {  	s24 =	sadd.s32 $0x1, s24  }
0x41: {  	p0 =	seq.s32 s24, $0xD  }
.Ltmp5:
0x42: {  	_ = 	snop;
	(pc) =	sbr.rel @p0 .LBB2_23-.Ltmp5, $2  }
0x43: {  	_ =	sdelay $0x2  }
0x44: {  	_ =	strace $0x9000004E  }
.LBB2_7:
0x45: {  	s0 =	sshll.u32 s24, $0xD  }
0x46: {  	p0 =	sne.s32 s24, $0xC;
	s5 =	sand.u32 $0x1, s24;
	s9 =	sadd.s32 s23, s0  }
0x47: {  	_ =	strace $0x8000004C;
	s0 =	sshll.u32 @p0 s5, $0xD;
	s25 =	sshrl.u32 @p0 s9, $0x3  }
0x48: {  	s26 =	simm.s32 @p0 $0x0;
	s0 =	sor.u32 @p0 $0x10000, s0;
	s25 =	sadd.s32 @p0 s7, s25  }
0x49: {  	[tilespmem:s0], [sflag:$0x1] =	stream.linear.gather @p0 [hbm4b:s25+s26], $0x2000, $0x200038;
	[tilespmem:$0x1E400] =	vst v63  }
0x4a: {  	s0 =	simm.s32 @p0 $0x1  }
0x4b: {  	_ =	swait.ge @p0 [sflag:s0], $0x2000  }
0x4c: {  	[sflag:s0] =	ssyncset.done @p0 $0x0  }
0x4d: {  	[sflag:s0] =	ssyncadd.s32 @p0 $0xFFFFE000;
	s0 =	sshrl.u32 @!p0 s9, $0x3  }
0x4e: {  	s25 =	simm.s32 @!p0 $0x0;
	s26 =	simm.s32 @!p0 $0x10000;
	s0 =	sadd.s32 @!p0 s7, s0  }
0x4f: {  	[tilespmem:s26], [sflag:$0x1] =	stream.linear.gather @!p0 [hbm4b:s0+s25], $0x6A0, $0x200038;
	[tilespmem:$0x1E400] =	vst v63  }
0x50: {  	s0 =	simm.s32 @!p0 $0x1  }
0x51: {  	_ =	swait.ge @!p0 [sflag:s0], $0x6A0  }
0x52: {  	[sflag:s0] =	ssyncset.done @!p0 $0x0  }
0x53: {  	s5 =	sshll.u32 s5, $0xD;
	[sflag:s0] =	ssyncadd.s32 @!p0 $0xFFFFF960  }
0x54: {  	v16 =	vimm.s32 $0x0;
	s25 =	simm.s32 $0x3;
	s0 =	simm.s32 @!p0 $0x6A;
	_ =	strace $0x9000004C  }
0x55: {  	v13 =	vmov s5;
	v14 =	vor.u32 s5, v0;
	v15 =	vmov s9;
	s26 =	simm.s32 $0x0;
	s0 =	simm.s32 @p0 $0x200;
	_ =	strace $0x8000004D  }
.LBB2_8:
0x56: {  	v17 =	vor.u32 s26, v14;
	_ =	sdelay $0x4  }
0x57: {  	v17 =	vld.idx.msk [tilespmem:v17+s11+$0x0], $0xffff;
	_ =	sdelay $0x3  }
0x58: {  	s5 =	sadd.s32 $0xFFFFFFFD, s25  }
0x59: {  	vm1 =	vmmov vm0;
	p0 =	slt.u32 s5, s0;
	v17 =	vsub.s32 v17, v12  }
0x5a: {  	vm1 =	vmneg @p0 vm1;
	vm2 =	vlt.u32 v17, $0x200  }
0x5b: {  	vm1 =	vmand vm1, vm2  }
0x5c: {  	v18 =	vsel vm1, $0x1, v9  }
0x5d: {  	(xrf0) =	vadd.scan.msk.s32 $0xffff, v18;
	_ =	sdelay $0x5  }
0x5e: {  	s9 =	sadd.s32 $0x10, s26;
	v18, _, _ =	vpop (xrf0)  }
0x5f: {  	v19 =	vor.u32 s9, v0;
	v18 =	vadd.s32 v18, v16  }
0x60: {  	v20 =	vand.u32 $0x1FDF, v19;
	v18 =	vadd.s32 $0xFFFFFFFF, v18  }
0x61: {  	v20 =	vor.u32 v13, v20  }
0x62: {  	v21 =	vadd.s32 s26, v15;
	v17 =	vshll.u32 v17, $0x13  }
0x63: {  	v17 =	vadd.s32 v17, v21  }
0x64: {  	v17 =	vadd.s32 v0, v17  }
0x65: {  	[tilespmem:v18+s12+$0x0] =	vst.idx.msk vm1, v17  }
0x66: {  	v17 =	vld.idx.msk [tilespmem:v20+s11+$0x0], $0xffff;
	_ =	sdelay $0x3  }
0x67: {  	s28 =	sadd.s32 $0xFFFFFFFE, s25  }
0x68: {  	p0 =	slt.u32 s28, s0;
	vm2 =	vmmov vm0;
	v17 =	vsub.s32 v17, v12  }
0x69: {  	vm2 =	vmneg @p0 vm2;
	vm3 =	vlt.u32 v17, $0x200  }
0x6a: {  	vm2 =	vmand vm2, vm3  }
0x6b: {  	v18 =	vsel vm2, $0x1, v9  }
0x6c: {  	(xrf0) =	vadd.scan.msk.s32 $0xffff, v18;
	_ =	sdelay $0x1  }
0x6d: {  	v18 =	vmpcnt.ones.xlane vm1;
	_ =	sdelay $0x3  }
0x6e: {  	s29 =	sadd.s32 $0x20, s26;
	v16 =	vadd.s32 v16, v18;
	v18, _, _ =	vpop (xrf0)  }
0x6f: {  	v62 =	vor.u32 s29, v0;
	v18 =	vadd.s32 v18, v16  }
0x70: {  	v63 =	vand.u32 $0x1FEF, v62;
	v18 =	vadd.s32 $0xFFFFFFFF, v18  }
0x71: {  	v21 =	vor.u32 v13, v63;
	_ =	sdelay $0x1  }
0x72: {  	v19 =	vadd.s32 v15, v19;
	v17 =	vshll.u32 v17, $0x13  }
0x73: {  	v17 =	vadd.s32 v17, v19  }
0x74: {  	[tilespmem:v18+s12+$0x0] =	vst.idx.msk vm2, v17  }
0x75: {  	v17 =	vld.idx.msk [tilespmem:v21+s11+$0x0], $0xffff;
	_ =	sdelay $0x3  }
0x76: {  	s30 =	sadd.s32 $0xFFFFFFFF, s25  }
0x77: {  	p0 =	slt.u32 s30, s0;
	vm1 =	vmmov vm0;
	v17 =	vsub.s32 v17, v12  }
0x78: {  	vm1 =	vmneg @p0 vm1;
	vm3 =	vlt.u32 v17, $0x200  }
0x79: {  	vm1 =	vmand vm1, vm3  }
0x7a: {  	v18 =	vsel vm1, $0x1, v9  }
0x7b: {  	(xrf0) =	vadd.scan.msk.s32 $0xffff, v18;
	_ =	sdelay $0x1  }
0x7c: {  	v18 =	vmpcnt.ones.xlane vm2;
	_ =	sdelay $0x3  }
0x7d: {  	v16 =	vadd.s32 v16, v18;
	v18, _, _ =	vpop (xrf0)  }
0x7e: {  	v18 =	vadd.s32 v18, v16  }
0x7f: {  	s31 =	sadd.s32 $0x30, s26;
	v18 =	vadd.s32 $0xFFFFFFFF, v18  }
0x80: {  	v19 =	vor.u32 s31, v14;
	_ =	sdelay $0x1  }
0x81: {  	v20 =	vadd.s32 v15, v62;
	v17 =	vshll.u32 v17, $0x13  }
0x82: {  	v17 =	vadd.s32 v17, v20  }
0x83: {  	[tilespmem:v18+s12+$0x0] =	vst.idx.msk vm1, v17  }
0x84: {  	v17 =	vld.idx.msk [tilespmem:v19+s11+$0x0], $0xffff;
	_ =	sdelay $0x4  }
0x85: {  	p0 =	slt.u32 s25, s0;
	vm2 =	vmmov vm0;
	v17 =	vsub.s32 v17, v12  }
0x86: {  	vm2 =	vmneg @p0 vm2;
	vm3 =	vlt.u32 v17, $0x200  }
0x87: {  	vm2 =	vmand vm2, vm3  }
0x88: {  	v18 =	vsel vm2, $0x1, v9  }
0x89: {  	(xrf0) =	vadd.scan.msk.s32 $0xffff, v18;
	_ =	sdelay $0x1  }
0x8a: {  	v18 =	vmpcnt.ones.xlane vm1;
	_ =	sdelay $0x3  }
0x8b: {  	v16 =	vadd.s32 v16, v18;
	v18, _, _ =	vpop (xrf0)  }
0x8c: {  	v18 =	vadd.s32 v18, v16  }
0x8d: {  	p0 =	sne.s32 s26, $0x1FC0;
	v18 =	vadd.s32 $0xFFFFFFFF, v18  }
.Ltmp6:
0x8e: {  	_ = 	snop;
	(pc) =	sbr.rel @p0 .LBB2_8-.Ltmp6, $4  }
0x8f: {  	v19 =	vadd.s32 s31, v15;
	v17 =	vshll.u32 v17, $0x13  }
0x90: {  	v17 =	vadd.s32 v17, v19;
	v19 =	vmpcnt.ones.xlane vm2  }
0x91: {  	v17 =	vadd.s32 v0, v17  }
0x92: {  	s25 =	sadd.s32 $0x4, s25;
	s26 =	sadd.s32 $0x40, s26;
	v16 =	vadd.s32 v16, v19;
	[tilespmem:v18+s12+$0x0] =	vst.idx.msk vm2, v17  }
0x93: {  	v13 =	vxor.u32 $0x80000000, v16  }
0x94: {  	(xrf0) =	vmax.scan.msk.u32 $0xffff, v13;
	_ =	sdelay $0x5  }
0x95: {  	v13, _, _ =	vpop (xrf0)  }
0x96: {  	(v2sf) =	vpush v13, $0xF;
	_ =	sdelay $0xe  }
0x97: {  	s0 =	spop (v2sf)  }
0x98: {  	s5 =	sadd.s32 $0x8000007F, s0  }
0x99: {  	s25 =	sshrl.u32 s5, $0x7  }
0x9a: {  	p0 =	seq.s32 s25, $0x0  }
.Ltmp7:
0x9b: {  	_ = 	snop;
	(pc) =	sbr.rel @p0 .LBB2_22-.Ltmp7, $3  }
0x9c: {  	_ =	sdelay $0x1  }
0x9d: {  	_ =	strace $0x9000004D  }
0x9e: {  	_ =	strace $0x8000004E  }
0x9f: {  	s5 =	simm.s32 $0x0  }
0xa0: {  	v13 =	vor.u32 s5, v0;
	_ =	sdelay $0x3  }
0xa1: {  	s26 =	sxor.u32 $0x80000000, s0  }
0xa2: {  	p0 =	slt.s32 s26, $0x80;
	s0 =	smov.u32 s26;
	v17 =	vld.idx.msk [tilespmem:v13+s12+$0x0], $0xffff  }
0xa3: {  	s0 =	simm.s32 @!p0 $0x80  }
0xa4: {  	v14 =	vmov s0  }
0xa5: {  	vm1 =	vlt.s32 v13, v14  }
0xa6: {  	s31 =	simm.s32 $0x10  }
0xa7: {  	v15 =	vor.u32 s31, v0;
	s0 =	simm.s32 $0x20;
	v16 =	vshrl.u32 v17, $0x13;
	v17 =	vand.u32 $0x7FFFF, v17  }
.LBB2_11:
0xa8: {  	p0 =	sne.s32 s0, $0x70;
	v17 =	vmin.u32 v17, $0x61A7F  }
0xa9: {  	[tilespmem:v13+s14+$0x0] =	vst.idx.msk $0xffff, v17  }
0xaa: {  	[tilespmem:v13+s15+$0x0] =	vst.idx.msk $0xffff, v16;
	v13 =	vmov v15  }
0xab: {  	[tilespmem:v16+s10+$0x0] =	vst.idx.add.s32.msk vm1, v11  }
0xac: {  	v17 =	vld.idx.msk [tilespmem:v15+s12+$0x0], $0xffff;
	_ =	sdelay $0x2  }
.Ltmp8:
0xad: {  	(pc) =	sbr.rel @p0 .LBB2_11-.Ltmp8, $4  }
0xae: {  	_ = 	snop  }
0xaf: {  	vm1 =	vlt.s32 v13, v14  }
0xb0: {  	v16 =	vshrl.u32 v17, $0x13  }
0xb1: {  	v15 =	vor.u32 s0, v0;
	s0 =	sadd.s32 $0x10, s0;
	v17 =	vand.u32 $0x7FFFF, v17  }
0xb2: {  	_ =	sdelay $0x2  }
0xb3: {  	v17 =	vmin.u32 v17, $0x61A7F  }
0xb4: {  	[tilespmem:v13+s14+$0x0] =	vst.idx.msk $0xffff, v17  }
0xb5: {  	[tilespmem:v13+s15+$0x0] =	vst.idx.msk $0xffff, v16  }
0xb6: {  	[tilespmem:v16+s10+$0x0] =	vst.idx.add.s32.msk vm1, v11  }
0xb7: {  	v13 =	vld.idx.msk [tilespmem:v15+s12+$0x0], $0xffff;
	_ =	sdelay $0x3  }
0xb8: {  	vm1 =	vlt.s32 v15, v14  }
0xb9: {  	v14 =	vshrl.u32 v13, $0x13  }
0xba: {  	v13 =	vand.u32 $0x7FFFF, v13  }
.Ltmp9:
0xbb: {  	v13 =	vmin.u32 v13, $0x61A7F;
	(pc) =	sbr.rel .LBB2_14-.Ltmp9, $4  }
0xbc: {  	[tilespmem:v15+s14+$0x0] =	vst.idx.msk $0xffff, v13  }
0xbd: {  	[tilespmem:v15+s15+$0x0] =	vst.idx.msk $0xffff, v14  }
0xbe: {  	s29 =	simm.s32 $0x0;
	s28 =	smov.u32 s26;
	[tilespmem:v14+s10+$0x0] =	vst.idx.add.s32.msk vm1, v11  }
0xbf: {  	[tilespmem:s17], [sflag:$0x2] =	stream.indirect.gather [hbm4b:s6+s16], $0x80, s14, s16, $0x2000b8;
	[tilespmem:$0x1E400] =	vst v63  }
.LBB2_21:
0xc0: {  	_ =	sdelay $0x3  }
0xc1: {  	v13 =	vld.idx.msk [tilespmem:v15+s3+$0x0], $0xffff  }
0xc2: {  	v14 =	vld.idx.msk [tilespmem:v16+s17+$0x0], $0xffff;
	_ =	sdelay $0x4  }
0xc3: {  	v13 =	vmax.f32 v13, v14  }
0xc4: {  	[tilespmem:v15+s3+$0x0] =	vst.idx.msk $0xffff, v13  }
.LBB2_13:
0xc5: {  	p0 =	seq.s32 s29, s25  }
.Ltmp10:
0xc6: {  	_ = 	snop;
	(pc) =	sbr.rel @p0 .LBB2_22-.Ltmp10, $2  }
0xc7: {  	_ =	sdelay $0x2  }
0xc8: {  	s28 =	sadd.s32 $0xFFFFFF80, s28  }
.LBB2_14:
0xc9: {  	s30 =	smov.u32 s29;
	s29 =	sadd.s32 $0x1, s29  }
0xca: {  	p0 =	sge.u32 s29, s25  }
.Ltmp11:
0xcb: {  	_ = 	snop;
	(pc) =	sbr.rel @p0 .LBB2_18-.Ltmp11, $4  }
0xcc: {  	_ = 	snop  }
0xcd: {  	_ =	swait.ge [sflag:s18], $0x4000  }
0xce: {  	[sflag:s18] =	ssyncset.done $0x0  }
0xcf: {  	s0 =	sand.u32 $0x1, s30;
	[sflag:s18] =	ssyncadd.s32 $0xFFFFC000  }
0xd0: {  	s5 =	sshll.u32 s29, $0x7;
	s9 =	simm.s32 $0x0  }
0xd1: {  	v13 =	vmov s5;
	v16 =	vor.u32 s9, v0  }
0xd2: {  	v14 =	vor.u32 v13, v16;
	_ =	sdelay $0x4  }
0xd3: {  	s31 =	sxor.u32 $0x1, s0;
	s9 =	ssub.s32 s26, s5;
	v17 =	vld.idx.msk [tilespmem:v14+s12+$0x0], $0xffff  }
0xd4: {  	s5 =	sshll.u32 s31, $0x7;
	p0 =	slt.s32 s9, $0x80  }
0xd5: {  	s9 =	simm.s32 @!p0 $0x80;
	v14 =	vmov s5  }
0xd6: {  	v15 =	vmov s9;
	v18 =	vor.u32 v14, v16  }
0xd7: {  	s9 =	simm.s32 $0x10;
	vm1 =	vlt.s32 v16, v15  }
0xd8: {  	v16 =	vor.u32 s9, v0;
	s9 =	simm.s32 $0x20;
	v19 =	vshrl.u32 v17, $0x13  }
.LBB2_16:
0xd9: {  	p0 =	sne.s32 s9, $0x70;
	v20 =	vor.u32 v13, v16;
	v17 =	vand.u32 $0x7FFFF, v17  }
0xda: {  	v17 =	vmin.u32 v17, $0x61A7F  }
0xdb: {  	[tilespmem:v18+s14+$0x0] =	vst.idx.msk $0xffff, v17  }
0xdc: {  	[tilespmem:v18+s15+$0x0] =	vst.idx.msk $0xffff, v19  }
0xdd: {  	[tilespmem:v19+s10+$0x0] =	vst.idx.add.s32.msk vm1, v11  }
0xde: {  	v17 =	vld.idx.msk [tilespmem:v20+s12+$0x0], $0xffff;
	_ =	sdelay $0x1  }
.Ltmp12:
0xdf: {  	(pc) =	sbr.rel @p0 .LBB2_16-.Ltmp12, $4  }
0xe0: {  	_ = 	snop  }
0xe1: {  	v18 =	vor.u32 v14, v16  }
0xe2: {  	vm1 =	vlt.s32 v16, v15  }
0xe3: {  	v16 =	vor.u32 s9, v0;
	s9 =	sadd.s32 $0x10, s9;
	v19 =	vshrl.u32 v17, $0x13  }
0xe4: {  	_ =	sdelay $0x1  }
0xe5: {  	v13 =	vor.u32 v13, v16;
	v17 =	vand.u32 $0x7FFFF, v17  }
0xe6: {  	v17 =	vmin.u32 v17, $0x61A7F  }
0xe7: {  	[tilespmem:v18+s14+$0x0] =	vst.idx.msk $0xffff, v17  }
0xe8: {  	[tilespmem:v18+s15+$0x0] =	vst.idx.msk $0xffff, v19  }
0xe9: {  	[tilespmem:v19+s10+$0x0] =	vst.idx.add.s32.msk vm1, v11  }
0xea: {  	v13 =	vld.idx.msk [tilespmem:v13+s12+$0x0], $0xffff;
	_ =	sdelay $0x2  }
0xeb: {  	v14 =	vor.u32 v14, v16  }
0xec: {  	vm1 =	vlt.s32 v16, v15  }
0xed: {  	v15 =	vshrl.u32 v13, $0x13  }
0xee: {  	v13 =	vand.u32 $0x7FFFF, v13  }
0xef: {  	v13 =	vmin.u32 v13, $0x61A7F  }
0xf0: {  	[tilespmem:v14+s14+$0x0] =	vst.idx.msk $0xffff, v13  }
0xf1: {  	s9 =	sshll.u32 s31, $0xE;
	[tilespmem:v14+s15+$0x0] =	vst.idx.msk $0xffff, v15  }
0xf2: {  	s5 =	sor.u32 $0x16000, s5;
	s9 =	sadd.s32 $0x16200, s9;
	[tilespmem:v15+s10+$0x0] =	vst.idx.add.s32.msk vm1, v11  }
0xf3: {  	[tilespmem:s9], [sflag:$0x2] =	stream.indirect.gather [hbm4b:s6+s16], $0x80, s5, s16, $0x2000b8;
	[tilespmem:$0x1E400] =	vst v63  }
.LBB2_18:
0xf4: {  	s5 =	sshll.u32 s30, $0x7  }
0xf5: {  	s5 =	ssub.s32 s26, s5  }
0xf6: {  	p0 =	slt.s32 s5, $0x1  }
.Ltmp13:
0xf7: {  	_ = 	snop;
	(pc) =	sbr.rel @p0 .LBB2_13-.Ltmp13, $1  }
0xf8: {  	_ =	sdelay $0x3  }
0xf9: {  	v13 =	vmov s0  }
0xfa: {  	v14 =	vshll.u32 v13, $0x7;
	_ =	sdelay $0x4  }
0xfb: {  	v15 =	vld.idx.msk [tilespmem:v14+s15+$0x0], $0xffff  }
0xfc: {  	s30 =	simm.s32 $0x0  }
0xfd: {  	v16 =	vmov s30  }
0xfe: {  	v13 =	vshll.u32 v13, $0xE;
	v16 =	vshll.u32 v16, $0x7  }
0xff: {  	v16 =	vadd.s32 v13, v16  }
0x100: {  	v17 =	vor.u32 v0, v16;
	v15 =	vshll.u32 v15, $0x7  }
0x101: {  	v18 =	vor.u32 v0, v15;
	_ =	sdelay $0x3  }
0x102: {  	v17 =	vld.idx.msk [tilespmem:v17+s17+$0x0], $0xffff  }
0x103: {  	v19 =	vld.idx.msk [tilespmem:v18+s3+$0x0], $0xffff;
	_ =	sdelay $0x1  }
0x104: {  	v20 =	vor.u32 v2, v15  }
0x105: {  	v21 =	vor.u32 v2, v16;
	_ =	sdelay $0x1  }
0x106: {  	v17 =	vmax.f32 v19, v17  }
0x107: {  	[tilespmem:v18+s3+$0x0] =	vst.idx.msk $0xffff, v17  }
0x108: {  	v17 =	vld.idx.msk [tilespmem:v20+s3+$0x0], $0xffff  }
0x109: {  	v18 =	vld.idx.msk [tilespmem:v21+s17+$0x0], $0xffff;
	_ =	sdelay $0x1  }
0x10a: {  	v19 =	vor.u32 v3, v15  }
0x10b: {  	v57 =	vor.u32 v3, v16;
	_ =	sdelay $0x1  }
0x10c: {  	v17 =	vmax.f32 v17, v18  }
0x10d: {  	[tilespmem:v20+s3+$0x0] =	vst.idx.msk $0xffff, v17  }
0x10e: {  	v17 =	vld.idx.msk [tilespmem:v19+s3+$0x0], $0xffff  }
0x10f: {  	v18 =	vld.idx.msk [tilespmem:v57+s17+$0x0], $0xffff;
	_ =	sdelay $0x1  }
0x110: {  	v58 =	vor.u32 v4, v15  }
0x111: {  	v59 =	vor.u32 v4, v16;
	_ =	sdelay $0x1  }
0x112: {  	v17 =	vmax.f32 v17, v18  }
0x113: {  	[tilespmem:v19+s3+$0x0] =	vst.idx.msk $0xffff, v17  }
0x114: {  	v17 =	vld.idx.msk [tilespmem:v58+s3+$0x0], $0xffff  }
0x115: {  	v18 =	vld.idx.msk [tilespmem:v59+s17+$0x0], $0xffff;
	_ =	sdelay $0x1  }
0x116: {  	v19 =	vor.u32 v5, v15  }
0x117: {  	v60 =	vor.u32 v5, v16;
	_ =	sdelay $0x1  }
0x118: {  	v17 =	vmax.f32 v17, v18  }
0x119: {  	[tilespmem:v58+s3+$0x0] =	vst.idx.msk $0xffff, v17  }
0x11a: {  	v17 =	vld.idx.msk [tilespmem:v19+s3+$0x0], $0xffff  }
0x11b: {  	v18 =	vld.idx.msk [tilespmem:v60+s17+$0x0], $0xffff;
	_ =	sdelay $0x1  }
0x11c: {  	v61 =	vor.u32 v6, v15  }
0x11d: {  	v62 =	vor.u32 v6, v16;
	_ =	sdelay $0x1  }
0x11e: {  	v17 =	vmax.f32 v17, v18  }
0x11f: {  	[tilespmem:v19+s3+$0x0] =	vst.idx.msk $0xffff, v17  }
0x120: {  	v17 =	vld.idx.msk [tilespmem:v61+s3+$0x0], $0xffff  }
0x121: {  	v18 =	vld.idx.msk [tilespmem:v62+s17+$0x0], $0xffff;
	_ =	sdelay $0x1  }
0x122: {  	v19 =	vor.u32 v7, v15  }
0x123: {  	v63 =	vor.u32 v7, v16;
	_ =	sdelay $0x1  }
0x124: {  	v17 =	vmax.f32 v17, v18  }
0x125: {  	p0 =	sgt.s32 s28, $0x1;
	s0 =	smov.u32 s28;
	[tilespmem:v61+s3+$0x0] =	vst.idx.msk $0xffff, v17  }
0x126: {  	s0 =	simm.s32 @!p0 $0x1;
	v17 =	vld.idx.msk [tilespmem:v19+s3+$0x0], $0xffff  }
0x127: {  	s31 =	smin.u32 s0, $0x80;
	v18 =	vld.idx.msk [tilespmem:v63+s17+$0x0], $0xffff  }
0x128: {  	p0 =	seq.s32 s31, $0x1  }
.Ltmp14:
0x129: {  	v15 =	vor.u32 v8, v15;
	(pc) =	sbr.rel @p0 .LBB2_21-.Ltmp14, $3  }
0x12a: {  	v16 =	vor.u32 v8, v16;
	_ =	sdelay $0x1  }
0x12b: {  	v17 =	vmax.f32 v17, v18  }
0x12c: {  	s0 =	simm.s32 $0x1;
	v14 =	vor.u32 $0x1, v14;
	[tilespmem:v19+s3+$0x0] =	vst.idx.msk $0xffff, v17  }
.LBB2_20:
0x12d: {  	v17 =	vadd.s32 s30, v14;
	v18 =	vld.idx.msk [tilespmem:v15+s3+$0x0], $0xffff;
	s30 =	smov.u32 s0;
	s0 =	sadd.s32 $0x1, s0  }
0x12e: {  	p0 =	seq.s32 s31, s0;
	v16 =	vld.idx.msk [tilespmem:v16+s17+$0x0], $0xffff;
	_ =	sdelay $0x5  }
0x12f: {  	v16 =	vmax.f32 v18, v16  }
0x130: {  	[tilespmem:v15+s3+$0x0] =	vst.idx.msk $0xffff, v16  }
0x131: {  	v15 =	vld.idx.msk [tilespmem:v17+s15+$0x0], $0xffff;
	_ =	sdelay $0x2  }
0x132: {  	v16 =	vmov s30  }
0x133: {  	v16 =	vshll.u32 v16, $0x7  }
0x134: {  	v16 =	vadd.s32 v13, v16  }
0x135: {  	v17 =	vor.u32 v0, v16;
	v15 =	vshll.u32 v15, $0x7  }
0x136: {  	v18 =	vor.u32 v0, v15;
	_ =	sdelay $0x3  }
0x137: {  	v17 =	vld.idx.msk [tilespmem:v17+s17+$0x0], $0xffff  }
0x138: {  	v19 =	vld.idx.msk [tilespmem:v18+s3+$0x0], $0xffff;
	_ =	sdelay $0x1  }
0x139: {  	v20 =	vor.u32 v2, v15;
	_ =	sdelay $0x1  }
0x13a: {  	v21 =	vor.u32 v2, v16;
	_ =	sdelay $0x1  }
0x13b: {  	v17 =	vmax.f32 v19, v17  }
0x13c: {  	[tilespmem:v18+s3+$0x0] =	vst.idx.msk $0xffff, v17  }
0x13d: {  	v17 =	vld.idx.msk [tilespmem:v20+s3+$0x0], $0xffff  }
0x13e: {  	v18 =	vld.idx.msk [tilespmem:v21+s17+$0x0], $0xffff;
	_ =	sdelay $0x2  }
0x13f: {  	v19 =	vor.u32 v3, v15  }
0x140: {  	v21 =	vor.u32 v3, v16;
	_ =	sdelay $0x1  }
0x141: {  	v17 =	vmax.f32 v17, v18  }
0x142: {  	[tilespmem:v20+s3+$0x0] =	vst.idx.msk $0xffff, v17  }
0x143: {  	v17 =	vld.idx.msk [tilespmem:v19+s3+$0x0], $0xffff  }
0x144: {  	v18 =	vld.idx.msk [tilespmem:v21+s17+$0x0], $0xffff;
	_ =	sdelay $0x2  }
0x145: {  	v20 =	vor.u32 v4, v15  }
0x146: {  	v21 =	vor.u32 v4, v16;
	_ =	sdelay $0x1  }
0x147: {  	v17 =	vmax.f32 v17, v18  }
0x148: {  	[tilespmem:v19+s3+$0x0] =	vst.idx.msk $0xffff, v17  }
0x149: {  	v17 =	vld.idx.msk [tilespmem:v20+s3+$0x0], $0xffff  }
0x14a: {  	v18 =	vld.idx.msk [tilespmem:v21+s17+$0x0], $0xffff;
	_ =	sdelay $0x2  }
0x14b: {  	v19 =	vor.u32 v5, v15  }
0x14c: {  	v21 =	vor.u32 v5, v16;
	_ =	sdelay $0x1  }
0x14d: {  	v17 =	vmax.f32 v17, v18  }
0x14e: {  	[tilespmem:v20+s3+$0x0] =	vst.idx.msk $0xffff, v17  }
0x14f: {  	v17 =	vld.idx.msk [tilespmem:v19+s3+$0x0], $0xffff  }
0x150: {  	v18 =	vld.idx.msk [tilespmem:v21+s17+$0x0], $0xffff;
	_ =	sdelay $0x2  }
0x151: {  	v20 =	vor.u32 v6, v15  }
0x152: {  	v21 =	vor.u32 v6, v16;
	_ =	sdelay $0x1  }
0x153: {  	v17 =	vmax.f32 v17, v18  }
0x154: {  	[tilespmem:v19+s3+$0x0] =	vst.idx.msk $0xffff, v17  }
0x155: {  	v17 =	vld.idx.msk [tilespmem:v20+s3+$0x0], $0xffff  }
0x156: {  	v18 =	vld.idx.msk [tilespmem:v21+s17+$0x0], $0xffff;
	_ =	sdelay $0x2  }
0x157: {  	v19 =	vor.u32 v7, v15  }
0x158: {  	v21 =	vor.u32 v7, v16;
	_ =	sdelay $0x1  }
0x159: {  	v17 =	vmax.f32 v17, v18  }
0x15a: {  	[tilespmem:v20+s3+$0x0] =	vst.idx.msk $0xffff, v17  }
0x15b: {  	v17 =	vld.idx.msk [tilespmem:v19+s3+$0x0], $0xffff  }
0x15c: {  	v18 =	vld.idx.msk [tilespmem:v21+s17+$0x0], $0xffff;
	_ =	sdelay $0x2  }
.Ltmp15:
0x15d: {  	v15 =	vor.u32 v8, v15;
	v16 =	vor.u32 v8, v16;
	(pc) =	sbr.rel @!p0 .LBB2_20-.Ltmp15, $3  }
0x15e: {  	_ =	sdelay $0x1  }
0x15f: {  	v17 =	vmax.f32 v17, v18  }
0x160: {  	[tilespmem:v19+s3+$0x0] =	vst.idx.msk $0xffff, v17  }
.Ltmp16:
0x161: {  	_ = 	snop;
	(pc) =	sbr.rel .LBB2_21-.Ltmp16, $1  }
0x162: {  	_ =	sdelay $0x3  }
.LBB2_23:
0x163: {  	s0 =	simm.s32 $0x0  }
0x164: {  	v12 =	vor.u32 s0, v0;
	_ =	sdelay $0x4  }
0x165: {  	v13 =	vld.idx.msk [tilespmem:v12+s10+$0x0], $0xffff;
	_ =	sdelay $0x4  }
0x166: {  	vm1 =	veq.s32 v13, $0x0  }
0x167: {  	v13 =	vsel vm1, $0x1, v9  }
0x168: {  	(xrf0) =	vadd.scan.msk.s32 $0xffff, v13;
	_ =	sdelay $0x5  }
0x169: {  	v14, _, _ =	vpop (xrf0)  }
0x16a: {  	v13 =	vmov s0;
	v15 =	vxor.u32 $0x80000000, v14  }
0x16b: {  	v13 =	vadd.s32 $0xFFFFFFFF, v13;
	(xrf0) =	vmax.scan.msk.u32 $0xffff, v15  }
0x16c: {  	v13 =	vbroadcast v13, $0x0;
	_ =	sdelay $0x1  }
0x16d: {  	v14 =	vadd.s32 v14, v13  }
0x16e: {  	s5 =	simm.s32 $0x10  }
0x16f: {  	v13 =	vor.u32 s5, v0;
	s5 =	simm.s32 $0x20  }
.LBB2_24:
0x170: {  	p0 =	seq.s32 s5, $0x1F0;
	v15, _, _ =	vpop (xrf0)  }
0x171: {  	(v2sf) =	vpush v15, $0xF  }
0x172: {  	[tilespmem:v14+s12+$0x0] =	vst.idx.msk vm1, v12;
	v12 =	vmov v13;
	_ =	sdelay $0x1  }
0x173: {  	v13 =	vld.idx.msk [tilespmem:v13+s10+$0x0], $0xffff;
	_ =	sdelay $0x5  }
0x174: {  	vm1 =	veq.s32 v13, $0x0  }
0x175: {  	v13 =	vsel vm1, $0x1, v9  }
0x176: {  	(xrf0) =	vadd.scan.msk.s32 $0xffff, v13;
	_ =	sdelay $0x3  }
0x177: {  	s9 =	spop (v2sf)  }
0x178: {  	s0 =	sadd.s32 s9, s0  }
0x179: {  	v13, _, _ =	vpop (xrf0);
	s0 =	sadd.s32 $0x80000000, s0  }
0x17a: {  	v14 =	vmov s0;
	v15 =	vxor.u32 $0x80000000, v13  }
0x17b: {  	v14 =	vadd.s32 $0xFFFFFFFF, v14;
	(xrf0) =	vmax.scan.msk.u32 $0xffff, v15  }
.Ltmp17:
0x17c: {  	v14 =	vbroadcast v14, $0x0;
	(pc) =	sbr.rel @!p0 .LBB2_24-.Ltmp17, $3  }
0x17d: {  	_ = 	snop  }
0x17e: {  	v14 =	vadd.s32 v13, v14;
	_ =	sdelay $0x1  }
0x17f: {  	v13 =	vor.u32 s5, v0;
	s5 =	sadd.s32 $0x10, s5  }
0x180: {  	_ =	sdelay $0x4  }
0x181: {  	[tilespmem:v14+s12+$0x0] =	vst.idx.msk vm1, v12  }
0x182: {  	v12 =	vld.idx.msk [tilespmem:v13+s10+$0x0], $0xffff;
	_ =	sdelay $0x4  }
0x183: {  	vm1 =	veq.s32 v12, $0x0  }
0x184: {  	v12 =	vsel vm1, $0x1, v9  }
0x185: {  	(xrf0) =	vadd.scan.msk.s32 $0xffff, v12;
	_ =	sdelay $0x4  }
0x186: {  	v60, _, _ =	vpop (xrf0)  }
0x187: {  	v61, _, _ =	vpop (xrf0)  }
0x188: {  	v62 =	vxor.u32 $0x80000000, v61  }
0x189: {  	(xrf0) =	vmax.scan.msk.u32 $0xffff, v62;
	_ =	sdelay $0x2  }
0x18a: {  	(v2sf) =	vpush v60, $0xF;
	_ =	sdelay $0x2  }
0x18b: {  	v14, _, _ =	vpop (xrf0)  }
0x18c: {  	(v2sf) =	vpush v14, $0xF;
	_ =	sdelay $0xa  }
0x18d: {  	s5 =	spop (v2sf)  }
0x18e: {  	s0 =	sadd.s32 s5, s0  }
0x18f: {  	s0 =	sadd.s32 $0x80000000, s0  }
0x190: {  	v63 =	vmov s0  }
0x191: {  	v14 =	vadd.s32 $0xFFFFFFFF, v63;
	s5 =	spop (v2sf)  }
0x192: {  	v14 =	vbroadcast v14, $0x0;
	s9 =	sadd.s32 s5, s0  }
0x193: {  	s9 =	sadd.s32 $0x80000000, s9  }
0x194: {  	v12 =	vadd.s32 v61, v14;
	p0 =	slt.s32 s9, $0x1  }
.Ltmp18:
0x195: {  	_ = 	snop;
	(pc) =	sbr.rel @p0 .LBB2_31-.Ltmp18, $2  }
0x196: {  	_ =	sdelay $0x2  }
0x197: {  	[tilespmem:v12+s12+$0x0] =	vst.idx.msk vm1, v13  }
0x198: {  	s0 =	sadd.s32 s0, s5  }
0x199: {  	s0 =	sadd.s32 $0x80000000, s0  }
0x19a: {  	p1 =	sne.s32 s0, $0x1  }
.Ltmp19:
0x19b: {  	_ = 	snop;
	(pc) =	sbr.rel @!p1 .LBB2_27-.Ltmp19, $3  }
0x19c: {  	_ =	sdelay $0x1  }
0x19d: {  	s31 =	simm.s32 $0x0  }
0x19e: {  	s9 =	simm.s32 $0x1;
	p0 =	por $0x0, $0x0;
	v12 =	vmov s31  }
0x19f: {  	_ =	sdelay $0x3  }
0x1a0: {  	v12 =	vld.idx.msk [tilespmem:v12+s12+$0x0], $0xffff;
	_ =	sdelay $0x4  }
0x1a1: {  	v12 =	vshll.u32 v12, $0x7  }
0x1a2: {  	v13 =	vor.u32 v0, v12  }
0x1a3: {  	v14 =	vor.u32 v2, v12  }
0x1a4: {  	v15 =	vor.u32 v3, v12  }
0x1a5: {  	v16 =	vor.u32 v4, v12  }
0x1a6: {  	v17 =	vor.u32 v5, v12  }
0x1a7: {  	[tilespmem:v13+s3+$0x0] =	vst.idx.msk $0xffff, v10;
	v13 =	vor.u32 v6, v12  }
0x1a8: {  	[tilespmem:v14+s3+$0x0] =	vst.idx.msk $0xffff, v10  }
0x1a9: {  	[tilespmem:v15+s3+$0x0] =	vst.idx.msk $0xffff, v10  }
0x1aa: {  	[tilespmem:v16+s3+$0x0] =	vst.idx.msk $0xffff, v10  }
0x1ab: {  	p1 =	sne.s32 s0, $0x2;
	v14 =	vor.u32 v7, v12;
	[tilespmem:v17+s3+$0x0] =	vst.idx.msk $0xffff, v10  }
.Ltmp20:
0x1ac: {  	[tilespmem:v13+s3+$0x0] =	vst.idx.msk $0xffff, v10;
	v13 =	vor.u32 v8, v12;
	(pc) =	sbr.rel @!p1 .LBB2_30-.Ltmp20, $2  }
0x1ad: {  	v12 =	vmov s9;
	_ =	sdelay $0x2  }
0x1ae: {  	s5 =	simm.s32 $0x2;
	p0 =	por $0x1, $0x1;
	[tilespmem:v14+s3+$0x0] =	vst.idx.msk $0xffff, v10  }
.LBB2_29:
0x1af: {  	[tilespmem:v13+s3+$0x0] =	vst.idx.msk $0xffff, v10;
	s9 =	smov.u32 s5;
	s5 =	sadd.s32 $0x1, s5  }
0x1b0: {  	p1 =	sne.s32 s0, s5;
	v12 =	vld.idx.msk [tilespmem:v12+s12+$0x0], $0xffff;
	_ =	sdelay $0x5  }
0x1b1: {  	v12 =	vshll.u32 v12, $0x7  }
0x1b2: {  	v13 =	vor.u32 v0, v12  }
0x1b3: {  	v14 =	vor.u32 v2, v12  }
0x1b4: {  	v15 =	vor.u32 v3, v12  }
0x1b5: {  	v16 =	vor.u32 v4, v12  }
0x1b6: {  	v17 =	vor.u32 v5, v12  }
0x1b7: {  	v18 =	vor.u32 v6, v12;
	[tilespmem:v13+s3+$0x0] =	vst.idx.msk $0xffff, v10  }
0x1b8: {  	[tilespmem:v14+s3+$0x0] =	vst.idx.msk $0xffff, v10;
	v14 =	vor.u32 v7, v12  }
.Ltmp21:
0x1b9: {  	v13 =	vor.u32 v8, v12;
	[tilespmem:v15+s3+$0x0] =	vst.idx.msk $0xffff, v10;
	(pc) =	sbr.rel @p1 .LBB2_29-.Ltmp21, $4  }
0x1ba: {  	v12 =	vmov s9;
	[tilespmem:v16+s3+$0x0] =	vst.idx.msk $0xffff, v10  }
0x1bb: {  	[tilespmem:v17+s3+$0x0] =	vst.idx.msk $0xffff, v10  }
0x1bc: {  	[tilespmem:v18+s3+$0x0] =	vst.idx.msk $0xffff, v10  }
0x1bd: {  	[tilespmem:v14+s3+$0x0] =	vst.idx.msk $0xffff, v10  }
.LBB2_30:
0x1be: {  	_ =	sdelay $0x3  }
0x1bf: {  	[tilespmem:v13+s3+$0x0] =	vst.idx.msk @p0 $0xffff, v10  }
0x1c0: {  	v12 =	vld.idx.msk [tilespmem:v12+s12+$0x0], $0xffff;
	_ =	sdelay $0x4  }
0x1c1: {  	v12 =	vshll.u32 v12, $0x7  }
0x1c2: {  	v61 =	vor.u32 v0, v12  }
0x1c3: {  	v14 =	vor.u32 v2, v12  }
0x1c4: {  	v15 =	vor.u32 v3, v12  }
0x1c5: {  	v16 =	vor.u32 v4, v12  }
0x1c6: {  	v17 =	vor.u32 v5, v12  }
0x1c7: {  	v62 =	vor.u32 v6, v12;
	[tilespmem:v61+s3+$0x0] =	vst.idx.msk $0xffff, v10  }
0x1c8: {  	v63 =	vor.u32 v7, v12;
	[tilespmem:v14+s3+$0x0] =	vst.idx.msk $0xffff, v10  }
0x1c9: {  	v12 =	vor.u32 v8, v12;
	[tilespmem:v15+s3+$0x0] =	vst.idx.msk $0xffff, v10  }
0x1ca: {  	[tilespmem:v16+s3+$0x0] =	vst.idx.msk $0xffff, v10  }
0x1cb: {  	[tilespmem:v17+s3+$0x0] =	vst.idx.msk $0xffff, v10  }
0x1cc: {  	[tilespmem:v62+s3+$0x0] =	vst.idx.msk $0xffff, v10  }
0x1cd: {  	[tilespmem:v63+s3+$0x0] =	vst.idx.msk $0xffff, v10  }
0x1ce: {  	[tilespmem:v12+s3+$0x0] =	vst.idx.msk $0xffff, v10  }
.LBB2_31:
0x1cf: {  	s0 =	simm.s32 $0x0  }
0x1d0: {  	v12 =	vor.u32 s0, v0;
	_ =	sdelay $0x4  }
0x1d1: {  	v14 =	vld.idx.msk [tilespmem:v12+s10+$0x0], $0xffff;
	_ =	sdelay $0x1  }
0x1d2: {  	s31 =	simm.s32 $0x10  }
0x1d3: {  	v13 =	vor.u32 s31, v0;
	s0 =	simm.s32 $0x20  }
.LBB2_32:
0x1d4: {  	p0 =	sne.s32 s0, $0x1F0  }
0x1d5: {  	vm1 =	vgt.s32 v14, $0x1  }
0x1d6: {  	v14 =	vnsel vm1, $0x1, v14  }
0x1d7: {  	[tilespmem:v12+s10+$0x0] =	vst.idx.msk $0xffff, v14;
	v12 =	vmov v13  }
.Ltmp22:
0x1d8: {  	v14 =	vld.idx.msk [tilespmem:v13+s10+$0x0], $0xffff;
	(pc) =	sbr.rel @p0 .LBB2_32-.Ltmp22, $2  }
0x1d9: {  	_ =	sdelay $0x2  }
0x1da: {  	v13 =	vor.u32 s0, v0;
	s0 =	sadd.s32 $0x10, s0  }
0x1db: {  	_ =	sdelay $0x1  }
0x1dc: {  	vm1 =	vgt.s32 v14, $0x1  }
0x1dd: {  	v14 =	vnsel vm1, $0x1, v14  }
0x1de: {  	[tilespmem:v12+s10+$0x0] =	vst.idx.msk $0xffff, v14  }
0x1df: {  	v12 =	vld.idx.msk [tilespmem:v13+s10+$0x0], $0xffff;
	_ =	sdelay $0x3  }
0x1e0: {  	s0 =	sshll.u32 s22, $0xF  }
0x1e1: {  	s0 =	sor.u32 s0, s21;
	vm1 =	vgt.s32 v12, $0x1  }
0x1e2: {  	s5 =	sshrl.u32 s0, $0x3;
	v12 =	vnsel vm1, $0x1, v12  }
0x1e3: {  	s5 =	sadd.s32 s2, s5;
	[tilespmem:v13+s10+$0x0] =	vst.idx.msk $0xffff, v12  }
0x1e4: {  	[hbm4b:s5+s3] =	stream.linear.scatter [tilespmem:s10], [sflag:$0x3], $0x200, $0x38;
	[tilespmem:$0x1E400] =	vst v63  }
0x1e5: {  	s0 =	sshll.u32 s0, $0x4;
	_ =	swait.ge [sflag:s13], $0x200  }
0x1e6: {  	s20 =	sadd.s32 $0x1, s20;
	s0 =	sand.u32 $0x1FE000, s0;
	[sflag:s13] =	ssyncset.done $0x0  }
0x1e7: {  	p0 =	sne.s32 s20, $0x8;
	s0 =	sadd.s32 s1, s0;
	[sflag:s13] =	ssyncadd.s32 $0xFFFFFE00  }
0x1e8: {  	[hbm4b:s0+s3] =	stream.linear.scatter [tilespmem:s3], [sflag:$0x3], $0x10000, $0x38;
	[tilespmem:$0x1E400] =	vst v63  }
.Ltmp23:
0x1e9: {  	_ = 	snop;
	(pc) =	sbr.rel @p0 .LBB2_2-.Ltmp23, $4  }
.Ltmp24:
0x1ea: {  	_ = 	snop;
	(pc) =	sbr.rel @!p0 .LBB2_34-.Ltmp24, $4  }
0x1eb: {  	_ =	swait.ge [sflag:s13], $0x10000  }
0x1ec: {  	[sflag:s13] =	ssyncset.done $0x0  }
0x1ed: {  	[sflag:s13] =	ssyncadd.s32 $0xFFFF0000  }
0x1ee: {  	_ = 	snop  }
.LBB2_27:
.Ltmp25:
0x1ef: {  	(pc) =	sbr.rel .LBB2_30-.Ltmp25, $2  }
0x1f0: {  	_ =	sdelay $0x2  }
0x1f1: {  	_ = 	snop  }
.LBB2_35:
0x1f2: {  	_ =	sfence.sel $0x180000  }
0x1f3: {  	[bflag:$0x0] =	sbarrier.arrive $0xFFFF  }
0x1f4: {  	_ =	strace $0x9000004A  }
0x1f5: {  	s0 =	stileid.u32;
	[bflag:$0x2] =	sbarrier.arrive $0xFFFF  }
0x1f6: {  	p0 =	sne.s32 s0, $0x0;
	s0 =	rddreg [dreg:$0x3]  }
0x1f7: {  	s0 =	sadd.s32 @!p0 $0x100000, s0  }
0x1f8: {  	[sflag:s0] =	ssyncadd.tile.s32 @!p0 $0x1;
	_ =	shalt  }
.Lfunc_end2:
_tile_overlayer_lowered:
.L_overlay_start_2:
0x1f9: {  	(tag) =	ssettag $0x2  }
0x1fa: {  	s0 =	rddreg [dreg:$0x0];
	s2 =	stileid.u32  }
0x1fb: {  	s1 =	rddreg [dreg:$0x1];
	p0 =	sne.s32 s2, $0x0  }
0x1fc: {  	s3 =	rddreg [dreg:$0x2];
	[bflag:$0x3] =	sbarrier.arrive $0xFFFF;
	s2 =	simm.s32 @!p0 $0x1C03  }
0x1fd: {  	[timem:s3], [sflag:s2] =	dma.local @!p0 [hbm:s0], s1  }
0x1fe: {  	s0 =	simm.s32 @!p0 $0x3  }
0x1ff: {  	_ =	swait.ge @!p0 [sflag:s0], s1  }
0x200: {  	s1 =	ssub.s32 @!p0 $0x0, s1;
	[sflag:s0] =	ssyncset.done @!p0 $0x0  }
0x201: {  	[sflag:s0] =	ssyncadd.s32 @!p0 s1  }
0x202: {  	[bflag:$0x3] =	sbarrier.arrive $0xFFFF  }
0x203: {  	_ =	shalt  }

</sc_bundles>
